<compile_context>
chip_gen: v7x
topology: tpu7x:2x2x1
jax: 0.10.2.dev20260603
libtpu: 0.0.44.dev20260713+nightly
codegen_flags: <defaults>
</compile_context>

<pallas_src>
import functools

import jax
import jax.numpy as jnp
from jax import lax
from jax.experimental import pallas as pl
from jax.experimental.pallas import tpu as pltpu
from jax.experimental.pallas import tpu_sc as plsc

N = 10000
D = 128
E = 320000

NC = 2
NS = 16
NW = NC * NS

CS = D // NC
RPT = N // NS

CH = 125
K = 160
NB = 5
HR = 125
HC = 80
HG = HR * HC // 16

ROW_BLK = 2000
GRID = N // ROW_BLK

_mesh = plsc.VectorSubcoreMesh(core_axis_name="c", subcore_axis_name="s")


def _hist_body(dst_hbm, out_hbm, dst_v, hist_v):
    c = lax.axis_index("c")
    s = lax.axis_index("s")
    wid = c * NS + s
    pltpu.sync_copy(dst_hbm.at[wid], dst_v)

    zeros = jnp.zeros((16,), jnp.float32)

    def zero_body(i, _):
        hist_v[pl.ds(i * 16, 16)] = zeros
        return 0

    lax.fori_loop(0, N // 16, zero_body, 0)

    ones = jnp.ones((16,), jnp.float32)

    def body(j, _):
        jr = j // (HC // 16)
        jc = (j % (HC // 16)) * 16
        idx = dst_v[jr, pl.ds(jc, 16)]
        plsc.addupdate_scatter(hist_v, [idx], ones)
        return 0

    lax.fori_loop(0, HG, body, 0)
    pltpu.sync_copy(hist_v, out_hbm.at[wid])


_hist_call = functools.partial(
    pl.kernel,
    out_type=jax.ShapeDtypeStruct((NW, N), jnp.float32),
    mesh=_mesh,
    scratch_types=[
        pltpu.VMEM((HR, HC), jnp.int32),
        pltpu.VMEM((N,), jnp.float32),
    ],
    compiler_params=pltpu.CompilerParams(needs_layout_passes=False),
)(_hist_body)


def _prop_body(zs_hbm, src_hbm, dst_hbm, out_hbm, src_v, dst_v,
               r0, r1, r2, r3, r4, acc_sh,
               g0, g1, g2, g3, g4, t0, t1, t2, t3, t4):
    rows = [r0, r1, r2, r3, r4]
    gsem = [g0, g1, g2, g3, g4]
    ssem = [t0, t1, t2, t3, t4]
    c = lax.axis_index("c")
    s = lax.axis_index("s")
    pltpu.sync_copy(src_hbm.at[c, s], src_v)
    pltpu.sync_copy(dst_hbm.at[s], dst_v)

    zeros = jnp.zeros((16,), jnp.float32)

    def zero_body(i, _):
        for kk in range(CS // 16):
            r0[i, pl.ds(kk * 16, 16)] = zeros
        return 0

    lax.fori_loop(0, CH, zero_body, 0)
    base = s * RPT
    for kk in range(RPT // CH):
        pltpu.sync_copy(r0, acc_sh.at[pl.ds(base + kk * CH, CH)])
    rem = RPT % CH
    if rem:
        pltpu.sync_copy(r0.at[pl.ds(0, rem)],
                        acc_sh.at[pl.ds(base + (RPT // CH) * CH, rem)])
    plsc.subcore_barrier()

    for j in range(3):
        pltpu.async_copy(zs_hbm.at[src_v.at[j]], rows[j], gsem[j])

    def slot(j, b):
        bg = (b + 3) % NB

        @pl.when(j + 3 < K)
        def _():
            @pl.when(j >= 2)
            def _():
                pltpu.make_async_copy(
                    rows[bg], acc_sh.at[dst_v.at[j - 2]], ssem[bg],
                ).wait()

            pltpu.async_copy(zs_hbm.at[src_v.at[j + 3]], rows[bg], gsem[bg])

        pltpu.make_async_copy(zs_hbm.at[src_v.at[j]], rows[b], gsem[b]).wait()
        pltpu.async_copy(rows[b], acc_sh.at[dst_v.at[j]], ssem[b], add=True)

    def pipe(i, _):
        for b in range(NB):
            slot(i * NB + b, b)
        return 0

    lax.fori_loop(0, K // NB, pipe, 0)
    for b in range(NB):
        jj = K - NB + b
        pltpu.make_async_copy(rows[b], acc_sh.at[dst_v.at[jj]], ssem[b]).wait()
    plsc.subcore_barrier()

    pltpu.sync_copy(acc_sh.at[pl.ds(base, RPT)],
                    out_hbm.at[c].at[pl.ds(base, RPT)])


_prop_call = functools.partial(
    pl.kernel,
    out_type=jax.ShapeDtypeStruct((NC, N, CS), jnp.float32),
    mesh=_mesh,
    scratch_types=(
        [pltpu.VMEM((K, CH), jnp.int32), pltpu.VMEM((K, CH), jnp.int32)]
        + [pltpu.VMEM((CH, CS), jnp.float32)] * NB
        + [pltpu.VMEM_SHARED((N, CS), jnp.float32)]
        + [pltpu.SemaphoreType.DMA] * (2 * NB)
    ),
    compiler_params=pltpu.CompilerParams(use_tc_tiling_on_sc=False),
)(_prop_body)


def _b1_body(x_ref, w_ref, ht_ref, zs_ref, dis_ref):
    deg = jnp.sum(ht_ref[...], axis=1, keepdims=True) + 1.0
    dis = lax.rsqrt(deg)
    xw = jnp.dot(x_ref[...], w_ref[...], preferred_element_type=jnp.float32)
    zsw = xw * dis
    zs_ref[0] = zsw[:, :CS]
    zs_ref[1] = zsw[:, CS:]
    dis_ref[...] = dis


def _b1_call(x, w1, hist_t):
    return pl.pallas_call(
        _b1_body,
        grid=(GRID,),
        in_specs=[
            pl.BlockSpec((ROW_BLK, D), lambda i: (i, 0)),
            pl.BlockSpec((D, D), lambda i: (0, 0)),
            pl.BlockSpec((ROW_BLK, NW), lambda i: (i, 0)),
        ],
        out_specs=[
            pl.BlockSpec((NC, ROW_BLK, CS), lambda i: (0, i, 0)),
            pl.BlockSpec((ROW_BLK, 1), lambda i: (i, 0)),
        ],
        out_shape=[
            jax.ShapeDtypeStruct((NC, N, CS), jnp.float32),
            jax.ShapeDtypeStruct((N, 1), jnp.float32),
        ],
    )(x, w1, hist_t)


def _b2_body(s_ref, zs1_ref, dis_ref, b1_ref, zs2_ref):
    pre = dis_ref[...] * (s_ref[...] + zs1_ref[...]) + b1_ref[...]
    zs2_ref[...] = dis_ref[...] * jnp.maximum(pre, 0.0)


def _b2_call(s, zs1, dis, b1_split):
    return pl.pallas_call(
        _b2_body,
        grid=(GRID,),
        in_specs=[
            pl.BlockSpec((NC, ROW_BLK, CS), lambda i: (0, i, 0)),
            pl.BlockSpec((NC, ROW_BLK, CS), lambda i: (0, i, 0)),
            pl.BlockSpec((ROW_BLK, 1), lambda i: (i, 0)),
            pl.BlockSpec((NC, 1, CS), lambda i: (0, 0, 0)),
        ],
        out_specs=pl.BlockSpec((NC, ROW_BLK, CS), lambda i: (0, i, 0)),
        out_shape=jax.ShapeDtypeStruct((NC, N, CS), jnp.float32),
    )(s, zs1, dis, b1_split)


def _b3_body(t_ref, zs2_ref, dis_ref, wmu_ref, bmu_ref, wlv_ref, blv_ref,
             mu_ref, lv_ref):
    agg3 = dis_ref[...] * (t_ref[...] + zs2_ref[...])
    agg = jnp.concatenate([agg3[0], agg3[1]], axis=1)
    mu_ref[...] = jnp.dot(agg, wmu_ref[...],
                          preferred_element_type=jnp.float32) + bmu_ref[...]
    lv_ref[...] = jnp.dot(agg, wlv_ref[...],
                          preferred_element_type=jnp.float32) + blv_ref[...]


def _b3_call(t, zs2, dis, wmu, bmu_row, wlv, blv_row):
    return pl.pallas_call(
        _b3_body,
        grid=(GRID,),
        in_specs=[
            pl.BlockSpec((NC, ROW_BLK, CS), lambda i: (0, i, 0)),
            pl.BlockSpec((NC, ROW_BLK, CS), lambda i: (0, i, 0)),
            pl.BlockSpec((ROW_BLK, 1), lambda i: (i, 0)),
            pl.BlockSpec((D, D), lambda i: (0, 0)),
            pl.BlockSpec((1, D), lambda i: (0, 0)),
            pl.BlockSpec((D, D), lambda i: (0, 0)),
            pl.BlockSpec((1, D), lambda i: (0, 0)),
        ],
        out_specs=[
            pl.BlockSpec((ROW_BLK, D), lambda i: (i, 0)),
            pl.BlockSpec((ROW_BLK, D), lambda i: (i, 0)),
        ],
        out_shape=[
            jax.ShapeDtypeStruct((N, D), jnp.float32),
            jax.ShapeDtypeStruct((N, D), jnp.float32),
        ],
    )(t, zs2, dis, wmu, bmu_row, wlv, blv_row)


def kernel(x_list, edge_index, W1, b1, W_mu, b_mu, W_lv, b_lv):
    srcp = edge_index[0].reshape(NS, K, CH)
    src2 = jnp.stack([srcp, srcp + N])
    dstp = edge_index[1].reshape(NS, K, CH)
    dsth = edge_index[1].reshape(NW, HR, HC)

    hist = _hist_call(dsth)
    zs1, dis = _b1_call(x_list, W1, hist.T)
    s = _prop_call(zs1.reshape(NC * N, CS), src2, dstp)
    zs2 = _b2_call(s, zs1, dis, b1.reshape(NC, 1, CS))
    t = _prop_call(zs2.reshape(NC * N, CS), src2, dstp)
    mu, lv = _b3_call(t, zs2, dis, W_mu, b_mu.reshape(1, D),
                      W_lv, b_lv.reshape(1, D))
    return (mu, lv)

# --- scband reference (transcript-rebuilt; emitter-appended) ---
"""Pipeline reference for scband-gcnencoder-78469052498573 (READ-ONLY COPY).

The authoritative reference and input builder live on the scoring server;
editing this copy changes nothing except your own understanding.
"""

import jax, jax.numpy as jnp
import numpy as np

N = 10000
E = 320000
D_IN = 128
D_HID = 128


def gcn_conv(x, edge_index, W, b):
    # torch_geometric GCNConv: add self-loops, sym-normalized adjacency,
    # x' = D^{-1/2}(A+I)D^{-1/2} X W + b
    n = x.shape[0]
    loop = jnp.arange(n, dtype=edge_index.dtype)
    src = jnp.concatenate([edge_index[0], loop])
    dst = jnp.concatenate([edge_index[1], loop])
    deg = jnp.zeros((n,), dtype=x.dtype).at[dst].add(1.0)
    dis = jnp.where(deg > 0, jax.lax.rsqrt(deg), 0.0)
    norm = dis[src] * dis[dst]
    xw = x @ W
    msg = jnp.take(xw, src, axis=0) * norm[:, None]
    out = jnp.zeros((n, W.shape[1]), dtype=x.dtype).at[dst].add(msg)
    return out + b


def setup_inputs(seed: int = 0) -> dict:
    key = jax.random.key(seed)
    ks = jax.random.split(key, 8)
    x_list = jax.random.normal(ks[0], (N, D_IN), dtype=jnp.float32)
    edge_index = jax.random.randint(ks[1], (2, E), 0, N, dtype=jnp.int32)
    s_in = 1.0 / np.sqrt(D_IN)
    s_hid = 1.0 / np.sqrt(D_HID)
    W1 = jax.random.uniform(ks[2], (D_IN, D_HID), jnp.float32, -s_in, s_in)
    b1 = jnp.zeros((D_HID,), dtype=jnp.float32)
    W_mu = jax.random.uniform(ks[3], (D_HID, D_HID), jnp.float32, -s_hid, s_hid)
    b_mu = jnp.zeros((D_HID,), dtype=jnp.float32)
    W_lv = jax.random.uniform(ks[4], (D_HID, D_HID), jnp.float32, -s_hid, s_hid)
    b_lv = jnp.zeros((D_HID,), dtype=jnp.float32)
    return {"x_list": x_list, "edge_index": edge_index, "W1": W1, "b1": b1,
            "W_mu": W_mu, "b_mu": b_mu, "W_lv": W_lv, "b_lv": b_lv}


def reference(x_list, edge_index, W1, b1, W_mu, b_mu, W_lv, b_lv):
    h = jax.nn.relu(gcn_conv(x_list, edge_index, W1, b1))
    mu = gcn_conv(h, edge_index, W_mu, b_mu)
    logvar = gcn_conv(h, edge_index, W_lv, b_lv)
    return (mu, logvar)

if __name__ == "__main__":
    import jax
    _d = setup_inputs()
    print(jax.jit(kernel)(*tuple(_d.values())))

</pallas_src>

<mosaic_0001>
#map = affine_map<(d0, d1) -> (0, 0)>
#map1 = affine_map<(d0, d1) -> (0, 0, 0, 0)>
#map2 = affine_map<(d0, d1) -> (0, 0, 0)>
module attributes {stable_mosaic.version = 14 : i64} {
  func.func @_prop_body(%arg0: i32, %arg1: i32, %arg2: memref<20000x64xf32, #tpu.memory_space<hbm>>, %arg3: memref<2x16x160x125xi32, #tpu.memory_space<hbm>>, %arg4: memref<16x160x125xi32, #tpu.memory_space<hbm>>, %arg5: memref<2x10000x64xf32, #tpu.memory_space<hbm>>, %arg6: memref<160x125xi32, #tpu.memory_space<vmem>>, %arg7: memref<160x125xi32, #tpu.memory_space<vmem>>, %arg8: memref<125x64xf32, #tpu.memory_space<vmem>>, %arg9: memref<125x64xf32, #tpu.memory_space<vmem>>, %arg10: memref<125x64xf32, #tpu.memory_space<vmem>>, %arg11: memref<125x64xf32, #tpu.memory_space<vmem>>, %arg12: memref<125x64xf32, #tpu.memory_space<vmem>>, %arg13: memref<10000x64xf32, #tpu.memory_space<vmem_shared>>, %arg14: memref<!tpu.dma_semaphore, #tpu.memory_space<semaphore_mem>>, %arg15: memref<!tpu.dma_semaphore, #tpu.memory_space<semaphore_mem>>, %arg16: memref<!tpu.dma_semaphore, #tpu.memory_space<semaphore_mem>>, %arg17: memref<!tpu.dma_semaphore, #tpu.memory_space<semaphore_mem>>, %arg18: memref<!tpu.dma_semaphore, #tpu.memory_space<semaphore_mem>>, %arg19: memref<!tpu.dma_semaphore, #tpu.memory_space<semaphore_mem>>, %arg20: memref<!tpu.dma_semaphore, #tpu.memory_space<semaphore_mem>>, %arg21: memref<!tpu.dma_semaphore, #tpu.memory_space<semaphore_mem>>, %arg22: memref<!tpu.dma_semaphore, #tpu.memory_space<semaphore_mem>>, %arg23: memref<!tpu.dma_semaphore, #tpu.memory_space<semaphore_mem>>) attributes {dimension_semantics = [#tpu.dimension_semantics<core_parallel>, #tpu.dimension_semantics<subcore_parallel>], iteration_bounds = array<i64: 2, 16>, scalar_prefetch = 0 : i64, scratch_operands = 18 : i64, tpu.core_type = #tpu.core_type<sc_vector_subcore>, window_params = [{transform_indices = #map}, {transform_indices = #map1}, {transform_indices = #map2}, {transform_indices = #map2}]} {
    "tpu.region"() ({
      %run_scoped3A = tpu.sem_alloc : memref<!tpu.dma_semaphore, #tpu.memory_space<semaphore_mem>>
      %dma_start3A_79 = arith.constant 0 : i32
      %dma_start3A_80 = arith.constant 0 : i32
      %dma_start3A_81 = tpu.memref_slice %arg3[%arg0, %arg1, %dma_start3A_79, %dma_start3A_80] : memref<2x16x160x125xi32, #tpu.memory_space<hbm>> -> memref<1x1x160x125xi32, #tpu.memory_space<hbm>>
      %dma_start3A_82 = tpu.memref_squeeze %dma_start3A_81 : memref<1x1x160x125xi32, #tpu.memory_space<hbm>> -> memref<160x125xi32, #tpu.memory_space<hbm>>
      %dma_start3A_83 = arith.constant 0 : i32
      %dma_start3A_84 = arith.constant 0 : i32
      %dma_start3A_85 = tpu.memref_slice %arg3[%arg0, %arg1, %dma_start3A_83, %dma_start3A_84] : memref<2x16x160x125xi32, #tpu.memory_space<hbm>> -> memref<1x1x160x125xi32, #tpu.memory_space<hbm>>
      %dma_start3A_86 = tpu.memref_squeeze %dma_start3A_85 : memref<1x1x160x125xi32, #tpu.memory_space<hbm>> -> memref<160x125xi32, #tpu.memory_space<hbm>>
      tpu.enqueue_dma source(%dma_start3A_86 : memref<160x125xi32, #tpu.memory_space<hbm>>) target(%arg6 : memref<160x125xi32, #tpu.memory_space<vmem>>) target_semaphore(%run_scoped3A : memref<!tpu.dma_semaphore, #tpu.memory_space<semaphore_mem>>)
      %dma_wait3A_87 = arith.constant 0 : i32
      %dma_wait3A_88 = arith.constant 0 : i32
      %dma_wait3A_89 = tpu.memref_slice %arg3[%arg0, %arg1, %dma_wait3A_87, %dma_wait3A_88] : memref<2x16x160x125xi32, #tpu.memory_space<hbm>> -> memref<1x1x160x125xi32, #tpu.memory_space<hbm>>
      %dma_wait3A_90 = tpu.memref_squeeze %dma_wait3A_89 : memref<1x1x160x125xi32, #tpu.memory_space<hbm>> -> memref<160x125xi32, #tpu.memory_space<hbm>>
      %dma_wait3A_91 = arith.constant 0 : i32
      %dma_wait3A_92 = arith.constant 0 : i32
      %dma_wait3A_93 = tpu.memref_slice %arg3[%arg0, %arg1, %dma_wait3A_91, %dma_wait3A_92] : memref<2x16x160x125xi32, #tpu.memory_space<hbm>> -> memref<1x1x160x125xi32, #tpu.memory_space<hbm>>
      %dma_wait3A_94 = tpu.memref_squeeze %dma_wait3A_93 : memref<1x1x160x125xi32, #tpu.memory_space<hbm>> -> memref<160x125xi32, #tpu.memory_space<hbm>>
      tpu.wait_dma2 semaphore(%run_scoped3A : memref<!tpu.dma_semaphore, #tpu.memory_space<semaphore_mem>>) src(%dma_wait3A_94 : memref<160x125xi32, #tpu.memory_space<hbm>>) dst(%arg6 : memref<160x125xi32, #tpu.memory_space<vmem>>)
      tpu.yield
    }) : () -> ()
    "tpu.region"() ({
      %run_scoped3A = tpu.sem_alloc : memref<!tpu.dma_semaphore, #tpu.memory_space<semaphore_mem>>
      %dma_start3A_79 = arith.constant 0 : i32
      %dma_start3A_80 = arith.constant 0 : i32
      %dma_start3A_81 = tpu.memref_slice %arg4[%arg1, %dma_start3A_79, %dma_start3A_80] : memref<16x160x125xi32, #tpu.memory_space<hbm>> -> memref<1x160x125xi32, #tpu.memory_space<hbm>>
      %dma_start3A_82 = tpu.memref_squeeze %dma_start3A_81 : memref<1x160x125xi32, #tpu.memory_space<hbm>> -> memref<160x125xi32, #tpu.memory_space<hbm>>
      %dma_start3A_83 = arith.constant 0 : i32
      %dma_start3A_84 = arith.constant 0 : i32
      %dma_start3A_85 = tpu.memref_slice %arg4[%arg1, %dma_start3A_83, %dma_start3A_84] : memref<16x160x125xi32, #tpu.memory_space<hbm>> -> memref<1x160x125xi32, #tpu.memory_space<hbm>>
      %dma_start3A_86 = tpu.memref_squeeze %dma_start3A_85 : memref<1x160x125xi32, #tpu.memory_space<hbm>> -> memref<160x125xi32, #tpu.memory_space<hbm>>
      tpu.enqueue_dma source(%dma_start3A_86 : memref<160x125xi32, #tpu.memory_space<hbm>>) target(%arg7 : memref<160x125xi32, #tpu.memory_space<vmem>>) target_semaphore(%run_scoped3A : memref<!tpu.dma_semaphore, #tpu.memory_space<semaphore_mem>>)
      %dma_wait3A_87 = arith.constant 0 : i32
      %dma_wait3A_88 = arith.constant 0 : i32
      %dma_wait3A_89 = tpu.memref_slice %arg4[%arg1, %dma_wait3A_87, %dma_wait3A_88] : memref<16x160x125xi32, #tpu.memory_space<hbm>> -> memref<1x160x125xi32, #tpu.memory_space<hbm>>
      %dma_wait3A_90 = tpu.memref_squeeze %dma_wait3A_89 : memref<1x160x125xi32, #tpu.memory_space<hbm>> -> memref<160x125xi32, #tpu.memory_space<hbm>>
      %dma_wait3A_91 = arith.constant 0 : i32
      %dma_wait3A_92 = arith.constant 0 : i32
      %dma_wait3A_93 = tpu.memref_slice %arg4[%arg1, %dma_wait3A_91, %dma_wait3A_92] : memref<16x160x125xi32, #tpu.memory_space<hbm>> -> memref<1x160x125xi32, #tpu.memory_space<hbm>>
      %dma_wait3A_94 = tpu.memref_squeeze %dma_wait3A_93 : memref<1x160x125xi32, #tpu.memory_space<hbm>> -> memref<160x125xi32, #tpu.memory_space<hbm>>
      tpu.wait_dma2 semaphore(%run_scoped3A : memref<!tpu.dma_semaphore, #tpu.memory_space<semaphore_mem>>) src(%dma_wait3A_94 : memref<160x125xi32, #tpu.memory_space<hbm>>) dst(%arg7 : memref<160x125xi32, #tpu.memory_space<vmem>>)
      tpu.yield
    }) : () -> ()
    %broadcast_in_dim3A = arith.constant 0.000000e+00 : f32
    %broadcast_in_dim3A_0 = vector.broadcast %broadcast_in_dim3A : f32 to vector<16xf32>
    %scan3A = arith.constant 0 : i32
    %scan3A_1 = arith.constant 0 : i32
    %scan3A_2 = arith.constant 125 : i32
    %scan3A_3 = arith.addi %scan3A_1, %scan3A_2 : i32
    %scan3A_4 = arith.constant 1 : i32
    %scan3A_5 = scf.for %scan3A_79 = %scan3A_1 to %scan3A_3 step %scan3A_4 iter_args(%scan3A_80 = %scan3A) -> (i32)  : i32 {
      %swap3A = arith.index_cast %scan3A_79 : i32 to index
      %swap3A_81 = arith.constant 0 : index
      %swap3A_82 = tpu.vector_load %arg8[%swap3A, %swap3A_81] {strides = array<i32>} : memref<125x64xf32, #tpu.memory_space<vmem>>, vector<1x16xf32>,
      %swap3A_83 = vector.shape_cast %swap3A_82 : vector<1x16xf32> to vector<16xf32>
      %swap3A_84 = vector.shape_cast %broadcast_in_dim3A_0 : vector<16xf32> to vector<1x16xf32>
      tpu.vector_store %arg8[%swap3A, %swap3A_81], %swap3A_84 {strides = array<i32>} : memref<125x64xf32, #tpu.memory_space<vmem>>, vector<1x16xf32>,
      %swap3A_85 = arith.index_cast %scan3A_79 : i32 to index
      %swap3A_86 = arith.constant 16 : index
      %swap3A_87 = tpu.vector_load %arg8[%swap3A_85, %swap3A_86] {strides = array<i32>} : memref<125x64xf32, #tpu.memory_space<vmem>>, vector<1x16xf32>,
      %swap3A_88 = vector.shape_cast %swap3A_87 : vector<1x16xf32> to vector<16xf32>
      %swap3A_89 = vector.shape_cast %broadcast_in_dim3A_0 : vector<16xf32> to vector<1x16xf32>
      tpu.vector_store %arg8[%swap3A_85, %swap3A_86], %swap3A_89 {strides = array<i32>} : memref<125x64xf32, #tpu.memory_space<vmem>>, vector<1x16xf32>,
      %swap3A_90 = arith.index_cast %scan3A_79 : i32 to index
      %swap3A_91 = arith.constant 32 : index
      %swap3A_92 = tpu.vector_load %arg8[%swap3A_90, %swap3A_91] {strides = array<i32>} : memref<125x64xf32, #tpu.memory_space<vmem>>, vector<1x16xf32>,
      %swap3A_93 = vector.shape_cast %swap3A_92 : vector<1x16xf32> to vector<16xf32>
      %swap3A_94 = vector.shape_cast %broadcast_in_dim3A_0 : vector<16xf32> to vector<1x16xf32>
      tpu.vector_store %arg8[%swap3A_90, %swap3A_91], %swap3A_94 {strides = array<i32>} : memref<125x64xf32, #tpu.memory_space<vmem>>, vector<1x16xf32>,
      %swap3A_95 = arith.index_cast %scan3A_79 : i32 to index
      %swap3A_96 = arith.constant 48 : index
      %swap3A_97 = tpu.vector_load %arg8[%swap3A_95, %swap3A_96] {strides = array<i32>} : memref<125x64xf32, #tpu.memory_space<vmem>>, vector<1x16xf32>,
      %swap3A_98 = vector.shape_cast %swap3A_97 : vector<1x16xf32> to vector<16xf32>
      %swap3A_99 = vector.shape_cast %broadcast_in_dim3A_0 : vector<16xf32> to vector<1x16xf32>
      tpu.vector_store %arg8[%swap3A_95, %swap3A_96], %swap3A_99 {strides = array<i32>} : memref<125x64xf32, #tpu.memory_space<vmem>>, vector<1x16xf32>,
      %scan3A_100 = arith.constant 0 : i32
      scf.yield %scan3A_100 : i32
    }
    %scan3A_6 = arith.constant 125 : i32
    %mul3A = arith.constant 625 : i32
    %mul3A_7 = arith.muli %arg1, %mul3A : i32
    %add3A = arith.constant 0 : i32
    %add3A_8 = arith.addi %mul3A_7, %add3A : i32
    "tpu.region"() ({
      %run_scoped3A = tpu.sem_alloc : memref<!tpu.dma_semaphore, #tpu.memory_space<semaphore_mem>>
      %dma_start3A_79 = arith.constant 0 : i32
      %dma_start3A_80 = tpu.memref_slice %arg13[%add3A_8, %dma_start3A_79] : memref<10000x64xf32, #tpu.memory_space<vmem_shared>> -> memref<125x64xf32, #tpu.memory_space<vmem_shared>>
      %dma_start3A_81 = arith.constant 0 : i32
      %dma_start3A_82 = tpu.memref_slice %arg13[%add3A_8, %dma_start3A_81] : memref<10000x64xf32, #tpu.memory_space<vmem_shared>> -> memref<125x64xf32, #tpu.memory_space<vmem_shared>>
      tpu.enqueue_dma source(%arg8 : memref<125x64xf32, #tpu.memory_space<vmem>>) target(%dma_start3A_82 : memref<125x64xf32, #tpu.memory_space<vmem_shared>>) target_semaphore(%run_scoped3A : memref<!tpu.dma_semaphore, #tpu.memory_space<semaphore_mem>>)
      %dma_wait3A_83 = arith.constant 0 : i32
      %dma_wait3A_84 = tpu.memref_slice %arg13[%add3A_8, %dma_wait3A_83] : memref<10000x64xf32, #tpu.memory_space<vmem_shared>> -> memref<125x64xf32, #tpu.memory_space<vmem_shared>>
      %dma_wait3A_85 = arith.constant 0 : i32
      %dma_wait3A_86 = tpu.memref_slice %arg13[%add3A_8, %dma_wait3A_85] : memref<10000x64xf32, #tpu.memory_space<vmem_shared>> -> memref<125x64xf32, #tpu.memory_space<vmem_shared>>
      tpu.wait_dma2 semaphore(%run_scoped3A : memref<!tpu.dma_semaphore, #tpu.memory_space<semaphore_mem>>) src(%arg8 : memref<125x64xf32, #tpu.memory_space<vmem>>) dst(%dma_wait3A_86 : memref<125x64xf32, #tpu.memory_space<vmem_shared>>)
      tpu.yield
    }) : () -> ()
    %add3A_9 = arith.constant 125 : i32
    %add3A_10 = arith.addi %mul3A_7, %add3A_9 : i32
    "tpu.region"() ({
      %run_scoped3A = tpu.sem_alloc : memref<!tpu.dma_semaphore, #tpu.memory_space<semaphore_mem>>
      %dma_start3A_79 = arith.constant 0 : i32
      %dma_start3A_80 = tpu.memref_slice %arg13[%add3A_10, %dma_start3A_79] : memref<10000x64xf32, #tpu.memory_space<vmem_shared>> -> memref<125x64xf32, #tpu.memory_space<vmem_shared>>
      %dma_start3A_81 = arith.constant 0 : i32
      %dma_start3A_82 = tpu.memref_slice %arg13[%add3A_10, %dma_start3A_81] : memref<10000x64xf32, #tpu.memory_space<vmem_shared>> -> memref<125x64xf32, #tpu.memory_space<vmem_shared>>
      tpu.enqueue_dma source(%arg8 : memref<125x64xf32, #tpu.memory_space<vmem>>) target(%dma_start3A_82 : memref<125x64xf32, #tpu.memory_space<vmem_shared>>) target_semaphore(%run_scoped3A : memref<!tpu.dma_semaphore, #tpu.memory_space<semaphore_mem>>)
      %dma_wait3A_83 = arith.constant 0 : i32
      %dma_wait3A_84 = tpu.memref_slice %arg13[%add3A_10, %dma_wait3A_83] : memref<10000x64xf32, #tpu.memory_space<vmem_shared>> -> memref<125x64xf32, #tpu.memory_space<vmem_shared>>
      %dma_wait3A_85 = arith.constant 0 : i32
      %dma_wait3A_86 = tpu.memref_slice %arg13[%add3A_10, %dma_wait3A_85] : memref<10000x64xf32, #tpu.memory_space<vmem_shared>> -> memref<125x64xf32, #tpu.memory_space<vmem_shared>>
      tpu.wait_dma2 semaphore(%run_scoped3A : memref<!tpu.dma_semaphore, #tpu.memory_space<semaphore_mem>>) src(%arg8 : memref<125x64xf32, #tpu.memory_space<vmem>>) dst(%dma_wait3A_86 : memref<125x64xf32, #tpu.memory_space<vmem_shared>>)
      tpu.yield
    }) : () -> ()
    %add3A_11 = arith.constant 250 : i32
    %add3A_12 = arith.addi %mul3A_7, %add3A_11 : i32
    "tpu.region"() ({
      %run_scoped3A = tpu.sem_alloc : memref<!tpu.dma_semaphore, #tpu.memory_space<semaphore_mem>>
      %dma_start3A_79 = arith.constant 0 : i32
      %dma_start3A_80 = tpu.memref_slice %arg13[%add3A_12, %dma_start3A_79] : memref<10000x64xf32, #tpu.memory_space<vmem_shared>> -> memref<125x64xf32, #tpu.memory_space<vmem_shared>>
      %dma_start3A_81 = arith.constant 0 : i32
      %dma_start3A_82 = tpu.memref_slice %arg13[%add3A_12, %dma_start3A_81] : memref<10000x64xf32, #tpu.memory_space<vmem_shared>> -> memref<125x64xf32, #tpu.memory_space<vmem_shared>>
      tpu.enqueue_dma source(%arg8 : memref<125x64xf32, #tpu.memory_space<vmem>>) target(%dma_start3A_82 : memref<125x64xf32, #tpu.memory_space<vmem_shared>>) target_semaphore(%run_scoped3A : memref<!tpu.dma_semaphore, #tpu.memory_space<semaphore_mem>>)
      %dma_wait3A_83 = arith.constant 0 : i32
      %dma_wait3A_84 = tpu.memref_slice %arg13[%add3A_12, %dma_wait3A_83] : memref<10000x64xf32, #tpu.memory_space<vmem_shared>> -> memref<125x64xf32, #tpu.memory_space<vmem_shared>>
      %dma_wait3A_85 = arith.constant 0 : i32
      %dma_wait3A_86 = tpu.memref_slice %arg13[%add3A_12, %dma_wait3A_85] : memref<10000x64xf32, #tpu.memory_space<vmem_shared>> -> memref<125x64xf32, #tpu.memory_space<vmem_shared>>
      tpu.wait_dma2 semaphore(%run_scoped3A : memref<!tpu.dma_semaphore, #tpu.memory_space<semaphore_mem>>) src(%arg8 : memref<125x64xf32, #tpu.memory_space<vmem>>) dst(%dma_wait3A_86 : memref<125x64xf32, #tpu.memory_space<vmem_shared>>)
      tpu.yield
    }) : () -> ()
    %add3A_13 = arith.constant 375 : i32
    %add3A_14 = arith.addi %mul3A_7, %add3A_13 : i32
    "tpu.region"() ({
      %run_scoped3A = tpu.sem_alloc : memref<!tpu.dma_semaphore, #tpu.memory_space<semaphore_mem>>
      %dma_start3A_79 = arith.constant 0 : i32
      %dma_start3A_80 = tpu.memref_slice %arg13[%add3A_14, %dma_start3A_79] : memref<10000x64xf32, #tpu.memory_space<vmem_shared>> -> memref<125x64xf32, #tpu.memory_space<vmem_shared>>
      %dma_start3A_81 = arith.constant 0 : i32
      %dma_start3A_82 = tpu.memref_slice %arg13[%add3A_14, %dma_start3A_81] : memref<10000x64xf32, #tpu.memory_space<vmem_shared>> -> memref<125x64xf32, #tpu.memory_space<vmem_shared>>
      tpu.enqueue_dma source(%arg8 : memref<125x64xf32, #tpu.memory_space<vmem>>) target(%dma_start3A_82 : memref<125x64xf32, #tpu.memory_space<vmem_shared>>) target_semaphore(%run_scoped3A : memref<!tpu.dma_semaphore, #tpu.memory_space<semaphore_mem>>)
      %dma_wait3A_83 = arith.constant 0 : i32
      %dma_wait3A_84 = tpu.memref_slice %arg13[%add3A_14, %dma_wait3A_83] : memref<10000x64xf32, #tpu.memory_space<vmem_shared>> -> memref<125x64xf32, #tpu.memory_space<vmem_shared>>
      %dma_wait3A_85 = arith.constant 0 : i32
      %dma_wait3A_86 = tpu.memref_slice %arg13[%add3A_14, %dma_wait3A_85] : memref<10000x64xf32, #tpu.memory_space<vmem_shared>> -> memref<125x64xf32, #tpu.memory_space<vmem_shared>>
      tpu.wait_dma2 semaphore(%run_scoped3A : memref<!tpu.dma_semaphore, #tpu.memory_space<semaphore_mem>>) src(%arg8 : memref<125x64xf32, #tpu.memory_space<vmem>>) dst(%dma_wait3A_86 : memref<125x64xf32, #tpu.memory_space<vmem_shared>>)
      tpu.yield
    }) : () -> ()
    %add3A_15 = arith.constant 500 : i32
    %add3A_16 = arith.addi %mul3A_7, %add3A_15 : i32
    "tpu.region"() ({
      %run_scoped3A = tpu.sem_alloc : memref<!tpu.dma_semaphore, #tpu.memory_space<semaphore_mem>>
      %dma_start3A_79 = arith.constant 0 : i32
      %dma_start3A_80 = tpu.memref_slice %arg13[%add3A_16, %dma_start3A_79] : memref<10000x64xf32, #tpu.memory_space<vmem_shared>> -> memref<125x64xf32, #tpu.memory_space<vmem_shared>>
      %dma_start3A_81 = arith.constant 0 : i32
      %dma_start3A_82 = tpu.memref_slice %arg13[%add3A_16, %dma_start3A_81] : memref<10000x64xf32, #tpu.memory_space<vmem_shared>> -> memref<125x64xf32, #tpu.memory_space<vmem_shared>>
      tpu.enqueue_dma source(%arg8 : memref<125x64xf32, #tpu.memory_space<vmem>>) target(%dma_start3A_82 : memref<125x64xf32, #tpu.memory_space<vmem_shared>>) target_semaphore(%run_scoped3A : memref<!tpu.dma_semaphore, #tpu.memory_space<semaphore_mem>>)
      %dma_wait3A_83 = arith.constant 0 : i32
      %dma_wait3A_84 = tpu.memref_slice %arg13[%add3A_16, %dma_wait3A_83] : memref<10000x64xf32, #tpu.memory_space<vmem_shared>> -> memref<125x64xf32, #tpu.memory_space<vmem_shared>>
      %dma_wait3A_85 = arith.constant 0 : i32
      %dma_wait3A_86 = tpu.memref_slice %arg13[%add3A_16, %dma_wait3A_85] : memref<10000x64xf32, #tpu.memory_space<vmem_shared>> -> memref<125x64xf32, #tpu.memory_space<vmem_shared>>
      tpu.wait_dma2 semaphore(%run_scoped3A : memref<!tpu.dma_semaphore, #tpu.memory_space<semaphore_mem>>) src(%arg8 : memref<125x64xf32, #tpu.memory_space<vmem>>) dst(%dma_wait3A_86 : memref<125x64xf32, #tpu.memory_space<vmem_shared>>)
      tpu.yield
    }) : () -> ()
    %barrier3A = arith.constant 0 : index
    tpu.barrier barrier_id(%barrier3A)
    %dma_start3A = arith.constant 0 : i32
    %dma_start3A_17 = arith.constant 0 : i32
    %dma_start3A_18 = tpu.memref_slice %arg6[%dma_start3A, %dma_start3A_17] : memref<160x125xi32, #tpu.memory_space<vmem>> -> memref<1x125xi32, #tpu.memory_space<vmem>>
    %dma_start3A_19 = tpu.memref_squeeze %dma_start3A_18 : memref<1x125xi32, #tpu.memory_space<vmem>> -> memref<125xi32, #tpu.memory_space<vmem>>
    %dma_start3A_20 = arith.constant 0 : i32
    %dma_start3A_21 = arith.constant 0 : i32
    %dma_start3A_22 = tpu.memref_slice %arg2[%dma_start3A_20, %dma_start3A_21] : memref<20000x64xf32, #tpu.memory_space<hbm>> -> memref<20000x64xf32, #tpu.memory_space<hbm>>
    tpu.enqueue_indirect_dma source(%dma_start3A_22 : memref<20000x64xf32, #tpu.memory_space<hbm>>) target(%arg8 : memref<125x64xf32, #tpu.memory_space<vmem>>) offsets(%dma_start3A_19 : memref<125xi32, #tpu.memory_space<vmem>>) semaphore(%arg14 : memref<!tpu.dma_semaphore, #tpu.memory_space<semaphore_mem>>)
    %dma_start3A_23 = arith.constant 1 : i32
    %dma_start3A_24 = arith.constant 0 : i32
    %dma_start3A_25 = tpu.memref_slice %arg6[%dma_start3A_23, %dma_start3A_24] : memref<160x125xi32, #tpu.memory_space<vmem>> -> memref<1x125xi32, #tpu.memory_space<vmem>>
    %dma_start3A_26 = tpu.memref_squeeze %dma_start3A_25 : memref<1x125xi32, #tpu.memory_space<vmem>> -> memref<125xi32, #tpu.memory_space<vmem>>
    %dma_start3A_27 = arith.constant 0 : i32
    %dma_start3A_28 = arith.constant 0 : i32
    %dma_start3A_29 = tpu.memref_slice %arg2[%dma_start3A_27, %dma_start3A_28] : memref<20000x64xf32, #tpu.memory_space<hbm>> -> memref<20000x64xf32, #tpu.memory_space<hbm>>
    tpu.enqueue_indirect_dma source(%dma_start3A_29 : memref<20000x64xf32, #tpu.memory_space<hbm>>) target(%arg9 : memref<125x64xf32, #tpu.memory_space<vmem>>) offsets(%dma_start3A_26 : memref<125xi32, #tpu.memory_space<vmem>>) semaphore(%arg15 : memref<!tpu.dma_semaphore, #tpu.memory_space<semaphore_mem>>)
    %dma_start3A_30 = arith.constant 2 : i32
    %dma_start3A_31 = arith.constant 0 : i32
    %dma_start3A_32 = tpu.memref_slice %arg6[%dma_start3A_30, %dma_start3A_31] : memref<160x125xi32, #tpu.memory_space<vmem>> -> memref<1x125xi32, #tpu.memory_space<vmem>>
    %dma_start3A_33 = tpu.memref_squeeze %dma_start3A_32 : memref<1x125xi32, #tpu.memory_space<vmem>> -> memref<125xi32, #tpu.memory_space<vmem>>
    %dma_start3A_34 = arith.constant 0 : i32
    %dma_start3A_35 = arith.constant 0 : i32
    %dma_start3A_36 = tpu.memref_slice %arg2[%dma_start3A_34, %dma_start3A_35] : memref<20000x64xf32, #tpu.memory_space<hbm>> -> memref<20000x64xf32, #tpu.memory_space<hbm>>
    tpu.enqueue_indirect_dma source(%dma_start3A_36 : memref<20000x64xf32, #tpu.memory_space<hbm>>) target(%arg10 : memref<125x64xf32, #tpu.memory_space<vmem>>) offsets(%dma_start3A_33 : memref<125xi32, #tpu.memory_space<vmem>>) semaphore(%arg16 : memref<!tpu.dma_semaphore, #tpu.memory_space<semaphore_mem>>)
    %scan3A_37 = arith.constant 0 : i32
    %scan3A_38 = arith.constant 0 : i32
    %scan3A_39 = arith.constant 32 : i32
    %scan3A_40 = arith.addi %scan3A_38, %scan3A_39 : i32
    %scan3A_41 = arith.constant 1 : i32
    %scan3A_42 = scf.for %scan3A_79 = %scan3A_38 to %scan3A_40 step %scan3A_41 iter_args(%scan3A_80 = %scan3A_37) -> (i32)  : i32 {
      %mul3A_81 = arith.constant 5 : i32
      %mul3A_82 = arith.muli %scan3A_79, %mul3A_81 : i32
      %add3A_83 = arith.constant 0 : i32
      %add3A_84 = arith.addi %mul3A_82, %add3A_83 : i32
      %add3A_85 = arith.constant 3 : i32
      %add3A_86 = arith.addi %add3A_84, %add3A_85 : i32
      %lt3A = arith.constant 160 : i32
      %lt3A_87 = arith.cmpi slt, %add3A_86, %lt3A : i32
      %convert_element_type3A = arith.extui %lt3A_87 : i1 to i32
      %cond3A = arith.constant 0 : i32
      %cond3A_88 = arith.cmpi ne, %convert_element_type3A, %cond3A : i32
      scf.if %cond3A_88 {
        %ge3A = arith.constant 2 : i32
        %ge3A_194 = arith.cmpi sge, %add3A_84, %ge3A : i32
        %convert_element_type3A_195 = arith.extui %ge3A_194 : i1 to i32
        %cond3A_196 = arith.constant 0 : i32
        %cond3A_197 = arith.cmpi ne, %convert_element_type3A_195, %cond3A_196 : i32
        scf.if %cond3A_197 {
          %sub3A = arith.constant 2 : i32
          %sub3A_206 = arith.subi %add3A_84, %sub3A : i32
          %dma_wait3A_207 = arith.constant 0 : i32
          %dma_wait3A_208 = tpu.memref_slice %arg7[%sub3A_206, %dma_wait3A_207] : memref<160x125xi32, #tpu.memory_space<vmem>> -> memref<1x125xi32, #tpu.memory_space<vmem>>
          %dma_wait3A_209 = tpu.memref_squeeze %dma_wait3A_208 : memref<1x125xi32, #tpu.memory_space<vmem>> -> memref<125xi32, #tpu.memory_space<vmem>>
          %dma_wait3A_210 = arith.constant 0 : i32
          %dma_wait3A_211 = arith.constant 0 : i32
          %dma_wait3A_212 = tpu.memref_slice %arg13[%dma_wait3A_210, %dma_wait3A_211] : memref<10000x64xf32, #tpu.memory_space<vmem_shared>> -> memref<10000x64xf32, #tpu.memory_space<vmem_shared>>
          tpu.wait_indirect_dma semaphore(%arg22 : memref<!tpu.dma_semaphore, #tpu.memory_space<semaphore_mem>>) src(%arg11 : memref<125x64xf32, #tpu.memory_space<vmem>>) dst(%dma_wait3A_212 : memref<10000x64xf32, #tpu.memory_space<vmem_shared>>)
        } else {
        }
        %add3A_198 = arith.constant 3 : i32
        %add3A_199 = arith.addi %add3A_84, %add3A_198 : i32
        %dma_start3A_200 = arith.constant 0 : i32
        %dma_start3A_201 = tpu.memref_slice %arg6[%add3A_199, %dma_start3A_200] : memref<160x125xi32, #tpu.memory_space<vmem>> -> memref<1x125xi32, #tpu.memory_space<vmem>>
        %dma_start3A_202 = tpu.memref_squeeze %dma_start3A_201 : memref<1x125xi32, #tpu.memory_space<vmem>> -> memref<125xi32, #tpu.memory_space<vmem>>
        %dma_start3A_203 = arith.constant 0 : i32
        %dma_start3A_204 = arith.constant 0 : i32
        %dma_start3A_205 = tpu.memref_slice %arg2[%dma_start3A_203, %dma_start3A_204] : memref<20000x64xf32, #tpu.memory_space<hbm>> -> memref<20000x64xf32, #tpu.memory_space<hbm>>
        tpu.enqueue_indirect_dma source(%dma_start3A_205 : memref<20000x64xf32, #tpu.memory_space<hbm>>) target(%arg11 : memref<125x64xf32, #tpu.memory_space<vmem>>) offsets(%dma_start3A_202 : memref<125xi32, #tpu.memory_space<vmem>>) semaphore(%arg17 : memref<!tpu.dma_semaphore, #tpu.memory_space<semaphore_mem>>)
      } else {
      }
      %dma_wait3A_89 = arith.constant 0 : i32
      %dma_wait3A_90 = tpu.memref_slice %arg6[%add3A_84, %dma_wait3A_89] : memref<160x125xi32, #tpu.memory_space<vmem>> -> memref<1x125xi32, #tpu.memory_space<vmem>>
      %dma_wait3A_91 = tpu.memref_squeeze %dma_wait3A_90 : memref<1x125xi32, #tpu.memory_space<vmem>> -> memref<125xi32, #tpu.memory_space<vmem>>
      %dma_wait3A_92 = arith.constant 0 : i32
      %dma_wait3A_93 = arith.constant 0 : i32
      %dma_wait3A_94 = tpu.memref_slice %arg2[%dma_wait3A_92, %dma_wait3A_93] : memref<20000x64xf32, #tpu.memory_space<hbm>> -> memref<20000x64xf32, #tpu.memory_space<hbm>>
      tpu.wait_indirect_dma semaphore(%arg14 : memref<!tpu.dma_semaphore, #tpu.memory_space<semaphore_mem>>) src(%dma_wait3A_94 : memref<20000x64xf32, #tpu.memory_space<hbm>>) dst(%arg8 : memref<125x64xf32, #tpu.memory_space<vmem>>)
      %dma_start3A_95 = arith.constant 0 : i32
      %dma_start3A_96 = tpu.memref_slice %arg7[%add3A_84, %dma_start3A_95] : memref<160x125xi32, #tpu.memory_space<vmem>> -> memref<1x125xi32, #tpu.memory_space<vmem>>
      %dma_start3A_97 = tpu.memref_squeeze %dma_start3A_96 : memref<1x125xi32, #tpu.memory_space<vmem>> -> memref<125xi32, #tpu.memory_space<vmem>>
      %dma_start3A_98 = arith.constant 0 : i32
      %dma_start3A_99 = arith.constant 0 : i32
      %dma_start3A_100 = tpu.memref_slice %arg13[%dma_start3A_98, %dma_start3A_99] : memref<10000x64xf32, #tpu.memory_space<vmem_shared>> -> memref<10000x64xf32, #tpu.memory_space<vmem_shared>>
      tpu.enqueue_indirect_dma source(%arg8 : memref<125x64xf32, #tpu.memory_space<vmem>>) target(%dma_start3A_100 : memref<10000x64xf32, #tpu.memory_space<vmem_shared>>) offsets(%dma_start3A_97 : memref<125xi32, #tpu.memory_space<vmem>>) semaphore(%arg19 : memref<!tpu.dma_semaphore, #tpu.memory_space<semaphore_mem>>) {add = true}
      %mul3A_101 = arith.constant 5 : i32
      %mul3A_102 = arith.muli %scan3A_79, %mul3A_101 : i32
      %add3A_103 = arith.constant 1 : i32
      %add3A_104 = arith.addi %mul3A_102, %add3A_103 : i32
      %add3A_105 = arith.constant 3 : i32
      %add3A_106 = arith.addi %add3A_104, %add3A_105 : i32
      %lt3A_107 = arith.constant 160 : i32
      %lt3A_108 = arith.cmpi slt, %add3A_106, %lt3A_107 : i32
      %convert_element_type3A_109 = arith.extui %lt3A_108 : i1 to i32
      %cond3A_110 = arith.constant 0 : i32
      %cond3A_111 = arith.cmpi ne, %convert_element_type3A_109, %cond3A_110 : i32
      scf.if %cond3A_111 {
        %ge3A = arith.constant 2 : i32
        %ge3A_194 = arith.cmpi sge, %add3A_104, %ge3A : i32
        %convert_element_type3A_195 = arith.extui %ge3A_194 : i1 to i32
        %cond3A_196 = arith.constant 0 : i32
        %cond3A_197 = arith.cmpi ne, %convert_element_type3A_195, %cond3A_196 : i32
        scf.if %cond3A_197 {
          %sub3A = arith.constant 2 : i32
          %sub3A_206 = arith.subi %add3A_104, %sub3A : i32
          %dma_wait3A_207 = arith.constant 0 : i32
          %dma_wait3A_208 = tpu.memref_slice %arg7[%sub3A_206, %dma_wait3A_207] : memref<160x125xi32, #tpu.memory_space<vmem>> -> memref<1x125xi32, #tpu.memory_space<vmem>>
          %dma_wait3A_209 = tpu.memref_squeeze %dma_wait3A_208 : memref<1x125xi32, #tpu.memory_space<vmem>> -> memref<125xi32, #tpu.memory_space<vmem>>
          %dma_wait3A_210 = arith.constant 0 : i32
          %dma_wait3A_211 = arith.constant 0 : i32
          %dma_wait3A_212 = tpu.memref_slice %arg13[%dma_wait3A_210, %dma_wait3A_211] : memref<10000x64xf32, #tpu.memory_space<vmem_shared>> -> memref<10000x64xf32, #tpu.memory_space<vmem_shared>>
          tpu.wait_indirect_dma semaphore(%arg23 : memref<!tpu.dma_semaphore, #tpu.memory_space<semaphore_mem>>) src(%arg12 : memref<125x64xf32, #tpu.memory_space<vmem>>) dst(%dma_wait3A_212 : memref<10000x64xf32, #tpu.memory_space<vmem_shared>>)
        } else {
        }
        %add3A_198 = arith.constant 3 : i32
        %add3A_199 = arith.addi %add3A_104, %add3A_198 : i32
        %dma_start3A_200 = arith.constant 0 : i32
        %dma_start3A_201 = tpu.memref_slice %arg6[%add3A_199, %dma_start3A_200] : memref<160x125xi32, #tpu.memory_space<vmem>> -> memref<1x125xi32, #tpu.memory_space<vmem>>
        %dma_start3A_202 = tpu.memref_squeeze %dma_start3A_201 : memref<1x125xi32, #tpu.memory_space<vmem>> -> memref<125xi32, #tpu.memory_space<vmem>>
        %dma_start3A_203 = arith.constant 0 : i32
        %dma_start3A_204 = arith.constant 0 : i32
        %dma_start3A_205 = tpu.memref_slice %arg2[%dma_start3A_203, %dma_start3A_204] : memref<20000x64xf32, #tpu.memory_space<hbm>> -> memref<20000x64xf32, #tpu.memory_space<hbm>>
        tpu.enqueue_indirect_dma source(%dma_start3A_205 : memref<20000x64xf32, #tpu.memory_space<hbm>>) target(%arg12 : memref<125x64xf32, #tpu.memory_space<vmem>>) offsets(%dma_start3A_202 : memref<125xi32, #tpu.memory_space<vmem>>) semaphore(%arg18 : memref<!tpu.dma_semaphore, #tpu.memory_space<semaphore_mem>>)
      } else {
      }
      %dma_wait3A_112 = arith.constant 0 : i32
      %dma_wait3A_113 = tpu.memref_slice %arg6[%add3A_104, %dma_wait3A_112] : memref<160x125xi32, #tpu.memory_space<vmem>> -> memref<1x125xi32, #tpu.memory_space<vmem>>
      %dma_wait3A_114 = tpu.memref_squeeze %dma_wait3A_113 : memref<1x125xi32, #tpu.memory_space<vmem>> -> memref<125xi32, #tpu.memory_space<vmem>>
      %dma_wait3A_115 = arith.constant 0 : i32
      %dma_wait3A_116 = arith.constant 0 : i32
      %dma_wait3A_117 = tpu.memref_slice %arg2[%dma_wait3A_115, %dma_wait3A_116] : memref<20000x64xf32, #tpu.memory_space<hbm>> -> memref<20000x64xf32, #tpu.memory_space<hbm>>
      tpu.wait_indirect_dma semaphore(%arg15 : memref<!tpu.dma_semaphore, #tpu.memory_space<semaphore_mem>>) src(%dma_wait3A_117 : memref<20000x64xf32, #tpu.memory_space<hbm>>) dst(%arg9 : memref<125x64xf32, #tpu.memory_space<vmem>>)
      %dma_start3A_118 = arith.constant 0 : i32
      %dma_start3A_119 = tpu.memref_slice %arg7[%add3A_104, %dma_start3A_118] : memref<160x125xi32, #tpu.memory_space<vmem>> -> memref<1x125xi32, #tpu.memory_space<vmem>>
      %dma_start3A_120 = tpu.memref_squeeze %dma_start3A_119 : memref<1x125xi32, #tpu.memory_space<vmem>> -> memref<125xi32, #tpu.memory_space<vmem>>
      %dma_start3A_121 = arith.constant 0 : i32
      %dma_start3A_122 = arith.constant 0 : i32
      %dma_start3A_123 = tpu.memref_slice %arg13[%dma_start3A_121, %dma_start3A_122] : memref<10000x64xf32, #tpu.memory_space<vmem_shared>> -> memref<10000x64xf32, #tpu.memory_space<vmem_shared>>
      tpu.enqueue_indirect_dma source(%arg9 : memref<125x64xf32, #tpu.memory_space<vmem>>) target(%dma_start3A_123 : memref<10000x64xf32, #tpu.memory_space<vmem_shared>>) offsets(%dma_start3A_120 : memref<125xi32, #tpu.memory_space<vmem>>) semaphore(%arg20 : memref<!tpu.dma_semaphore, #tpu.memory_space<semaphore_mem>>) {add = true}
      %mul3A_124 = arith.constant 5 : i32
      %mul3A_125 = arith.muli %scan3A_79, %mul3A_124 : i32
      %add3A_126 = arith.constant 2 : i32
      %add3A_127 = arith.addi %mul3A_125, %add3A_126 : i32
      %add3A_128 = arith.constant 3 : i32
      %add3A_129 = arith.addi %add3A_127, %add3A_128 : i32
      %lt3A_130 = arith.constant 160 : i32
      %lt3A_131 = arith.cmpi slt, %add3A_129, %lt3A_130 : i32
      %convert_element_type3A_132 = arith.extui %lt3A_131 : i1 to i32
      %cond3A_133 = arith.constant 0 : i32
      %cond3A_134 = arith.cmpi ne, %convert_element_type3A_132, %cond3A_133 : i32
      scf.if %cond3A_134 {
        %ge3A = arith.constant 2 : i32
        %ge3A_194 = arith.cmpi sge, %add3A_127, %ge3A : i32
        %convert_element_type3A_195 = arith.extui %ge3A_194 : i1 to i32
        %cond3A_196 = arith.constant 0 : i32
        %cond3A_197 = arith.cmpi ne, %convert_element_type3A_195, %cond3A_196 : i32
        scf.if %cond3A_197 {
          %sub3A = arith.constant 2 : i32
          %sub3A_206 = arith.subi %add3A_127, %sub3A : i32
          %dma_wait3A_207 = arith.constant 0 : i32
          %dma_wait3A_208 = tpu.memref_slice %arg7[%sub3A_206, %dma_wait3A_207] : memref<160x125xi32, #tpu.memory_space<vmem>> -> memref<1x125xi32, #tpu.memory_space<vmem>>
          %dma_wait3A_209 = tpu.memref_squeeze %dma_wait3A_208 : memref<1x125xi32, #tpu.memory_space<vmem>> -> memref<125xi32, #tpu.memory_space<vmem>>
          %dma_wait3A_210 = arith.constant 0 : i32
          %dma_wait3A_211 = arith.constant 0 : i32
          %dma_wait3A_212 = tpu.memref_slice %arg13[%dma_wait3A_210, %dma_wait3A_211] : memref<10000x64xf32, #tpu.memory_space<vmem_shared>> -> memref<10000x64xf32, #tpu.memory_space<vmem_shared>>
          tpu.wait_indirect_dma semaphore(%arg19 : memref<!tpu.dma_semaphore, #tpu.memory_space<semaphore_mem>>) src(%arg8 : memref<125x64xf32, #tpu.memory_space<vmem>>) dst(%dma_wait3A_212 : memref<10000x64xf32, #tpu.memory_space<vmem_shared>>)
        } else {
        }
        %add3A_198 = arith.constant 3 : i32
        %add3A_199 = arith.addi %add3A_127, %add3A_198 : i32
        %dma_start3A_200 = arith.constant 0 : i32
        %dma_start3A_201 = tpu.memref_slice %arg6[%add3A_199, %dma_start3A_200] : memref<160x125xi32, #tpu.memory_space<vmem>> -> memref<1x125xi32, #tpu.memory_space<vmem>>
        %dma_start3A_202 = tpu.memref_squeeze %dma_start3A_201 : memref<1x125xi32, #tpu.memory_space<vmem>> -> memref<125xi32, #tpu.memory_space<vmem>>
        %dma_start3A_203 = arith.constant 0 : i32
        %dma_start3A_204 = arith.constant 0 : i32
        %dma_start3A_205 = tpu.memref_slice %arg2[%dma_start3A_203, %dma_start3A_204] : memref<20000x64xf32, #tpu.memory_space<hbm>> -> memref<20000x64xf32, #tpu.memory_space<hbm>>
        tpu.enqueue_indirect_dma source(%dma_start3A_205 : memref<20000x64xf32, #tpu.memory_space<hbm>>) target(%arg8 : memref<125x64xf32, #tpu.memory_space<vmem>>) offsets(%dma_start3A_202 : memref<125xi32, #tpu.memory_space<vmem>>) semaphore(%arg14 : memref<!tpu.dma_semaphore, #tpu.memory_space<semaphore_mem>>)
      } else {
      }
      %dma_wait3A_135 = arith.constant 0 : i32
      %dma_wait3A_136 = tpu.memref_slice %arg6[%add3A_127, %dma_wait3A_135] : memref<160x125xi32, #tpu.memory_space<vmem>> -> memref<1x125xi32, #tpu.memory_space<vmem>>
      %dma_wait3A_137 = tpu.memref_squeeze %dma_wait3A_136 : memref<1x125xi32, #tpu.memory_space<vmem>> -> memref<125xi32, #tpu.memory_space<vmem>>
      %dma_wait3A_138 = arith.constant 0 : i32
      %dma_wait3A_139 = arith.constant 0 : i32
      %dma_wait3A_140 = tpu.memref_slice %arg2[%dma_wait3A_138, %dma_wait3A_139] : memref<20000x64xf32, #tpu.memory_space<hbm>> -> memref<20000x64xf32, #tpu.memory_space<hbm>>
      tpu.wait_indirect_dma semaphore(%arg16 : memref<!tpu.dma_semaphore, #tpu.memory_space<semaphore_mem>>) src(%dma_wait3A_140 : memref<20000x64xf32, #tpu.memory_space<hbm>>) dst(%arg10 : memref<125x64xf32, #tpu.memory_space<vmem>>)
      %dma_start3A_141 = arith.constant 0 : i32
      %dma_start3A_142 = tpu.memref_slice %arg7[%add3A_127, %dma_start3A_141] : memref<160x125xi32, #tpu.memory_space<vmem>> -> memref<1x125xi32, #tpu.memory_space<vmem>>
      %dma_start3A_143 = tpu.memref_squeeze %dma_start3A_142 : memref<1x125xi32, #tpu.memory_space<vmem>> -> memref<125xi32, #tpu.memory_space<vmem>>
      %dma_start3A_144 = arith.constant 0 : i32
      %dma_start3A_145 = arith.constant 0 : i32
      %dma_start3A_146 = tpu.memref_slice %arg13[%dma_start3A_144, %dma_start3A_145] : memref<10000x64xf32, #tpu.memory_space<vmem_shared>> -> memref<10000x64xf32, #tpu.memory_space<vmem_shared>>
      tpu.enqueue_indirect_dma source(%arg10 : memref<125x64xf32, #tpu.memory_space<vmem>>) target(%dma_start3A_146 : memref<10000x64xf32, #tpu.memory_space<vmem_shared>>) offsets(%dma_start3A_143 : memref<125xi32, #tpu.memory_space<vmem>>) semaphore(%arg21 : memref<!tpu.dma_semaphore, #tpu.memory_space<semaphore_mem>>) {add = true}
      %mul3A_147 = arith.constant 5 : i32
      %mul3A_148 = arith.muli %scan3A_79, %mul3A_147 : i32
      %add3A_149 = arith.constant 3 : i32
      %add3A_150 = arith.addi %mul3A_148, %add3A_149 : i32
      %add3A_151 = arith.constant 3 : i32
      %add3A_152 = arith.addi %add3A_150, %add3A_151 : i32
      %lt3A_153 = arith.constant 160 : i32
      %lt3A_154 = arith.cmpi slt, %add3A_152, %lt3A_153 : i32
      %convert_element_type3A_155 = arith.extui %lt3A_154 : i1 to i32
      %cond3A_156 = arith.constant 0 : i32
      %cond3A_157 = arith.cmpi ne, %convert_element_type3A_155, %cond3A_156 : i32
      scf.if %cond3A_157 {
        %ge3A = arith.constant 2 : i32
        %ge3A_194 = arith.cmpi sge, %add3A_150, %ge3A : i32
        %convert_element_type3A_195 = arith.extui %ge3A_194 : i1 to i32
        %cond3A_196 = arith.constant 0 : i32
        %cond3A_197 = arith.cmpi ne, %convert_element_type3A_195, %cond3A_196 : i32
        scf.if %cond3A_197 {
          %sub3A = arith.constant 2 : i32
          %sub3A_206 = arith.subi %add3A_150, %sub3A : i32
          %dma_wait3A_207 = arith.constant 0 : i32
          %dma_wait3A_208 = tpu.memref_slice %arg7[%sub3A_206, %dma_wait3A_207] : memref<160x125xi32, #tpu.memory_space<vmem>> -> memref<1x125xi32, #tpu.memory_space<vmem>>
          %dma_wait3A_209 = tpu.memref_squeeze %dma_wait3A_208 : memref<1x125xi32, #tpu.memory_space<vmem>> -> memref<125xi32, #tpu.memory_space<vmem>>
          %dma_wait3A_210 = arith.constant 0 : i32
          %dma_wait3A_211 = arith.constant 0 : i32
          %dma_wait3A_212 = tpu.memref_slice %arg13[%dma_wait3A_210, %dma_wait3A_211] : memref<10000x64xf32, #tpu.memory_space<vmem_shared>> -> memref<10000x64xf32, #tpu.memory_space<vmem_shared>>
          tpu.wait_indirect_dma semaphore(%arg20 : memref<!tpu.dma_semaphore, #tpu.memory_space<semaphore_mem>>) src(%arg9 : memref<125x64xf32, #tpu.memory_space<vmem>>) dst(%dma_wait3A_212 : memref<10000x64xf32, #tpu.memory_space<vmem_shared>>)
        } else {
        }
        %add3A_198 = arith.constant 3 : i32
        %add3A_199 = arith.addi %add3A_150, %add3A_198 : i32
        %dma_start3A_200 = arith.constant 0 : i32
        %dma_start3A_201 = tpu.memref_slice %arg6[%add3A_199, %dma_start3A_200] : memref<160x125xi32, #tpu.memory_space<vmem>> -> memref<1x125xi32, #tpu.memory_space<vmem>>
        %dma_start3A_202 = tpu.memref_squeeze %dma_start3A_201 : memref<1x125xi32, #tpu.memory_space<vmem>> -> memref<125xi32, #tpu.memory_space<vmem>>
        %dma_start3A_203 = arith.constant 0 : i32
        %dma_start3A_204 = arith.constant 0 : i32
        %dma_start3A_205 = tpu.memref_slice %arg2[%dma_start3A_203, %dma_start3A_204] : memref<20000x64xf32, #tpu.memory_space<hbm>> -> memref<20000x64xf32, #tpu.memory_space<hbm>>
        tpu.enqueue_indirect_dma source(%dma_start3A_205 : memref<20000x64xf32, #tpu.memory_space<hbm>>) target(%arg9 : memref<125x64xf32, #tpu.memory_space<vmem>>) offsets(%dma_start3A_202 : memref<125xi32, #tpu.memory_space<vmem>>) semaphore(%arg15 : memref<!tpu.dma_semaphore, #tpu.memory_space<semaphore_mem>>)
      } else {
      }
      %dma_wait3A_158 = arith.constant 0 : i32
      %dma_wait3A_159 = tpu.memref_slice %arg6[%add3A_150, %dma_wait3A_158] : memref<160x125xi32, #tpu.memory_space<vmem>> -> memref<1x125xi32, #tpu.memory_space<vmem>>
      %dma_wait3A_160 = tpu.memref_squeeze %dma_wait3A_159 : memref<1x125xi32, #tpu.memory_space<vmem>> -> memref<125xi32, #tpu.memory_space<vmem>>
      %dma_wait3A_161 = arith.constant 0 : i32
      %dma_wait3A_162 = arith.constant 0 : i32
      %dma_wait3A_163 = tpu.memref_slice %arg2[%dma_wait3A_161, %dma_wait3A_162] : memref<20000x64xf32, #tpu.memory_space<hbm>> -> memref<20000x64xf32, #tpu.memory_space<hbm>>
      tpu.wait_indirect_dma semaphore(%arg17 : memref<!tpu.dma_semaphore, #tpu.memory_space<semaphore_mem>>) src(%dma_wait3A_163 : memref<20000x64xf32, #tpu.memory_space<hbm>>) dst(%arg11 : memref<125x64xf32, #tpu.memory_space<vmem>>)
      %dma_start3A_164 = arith.constant 0 : i32
      %dma_start3A_165 = tpu.memref_slice %arg7[%add3A_150, %dma_start3A_164] : memref<160x125xi32, #tpu.memory_space<vmem>> -> memref<1x125xi32, #tpu.memory_space<vmem>>
      %dma_start3A_166 = tpu.memref_squeeze %dma_start3A_165 : memref<1x125xi32, #tpu.memory_space<vmem>> -> memref<125xi32, #tpu.memory_space<vmem>>
      %dma_start3A_167 = arith.constant 0 : i32
      %dma_start3A_168 = arith.constant 0 : i32
      %dma_start3A_169 = tpu.memref_slice %arg13[%dma_start3A_167, %dma_start3A_168] : memref<10000x64xf32, #tpu.memory_space<vmem_shared>> -> memref<10000x64xf32, #tpu.memory_space<vmem_shared>>
      tpu.enqueue_indirect_dma source(%arg11 : memref<125x64xf32, #tpu.memory_space<vmem>>) target(%dma_start3A_169 : memref<10000x64xf32, #tpu.memory_space<vmem_shared>>) offsets(%dma_start3A_166 : memref<125xi32, #tpu.memory_space<vmem>>) semaphore(%arg22 : memref<!tpu.dma_semaphore, #tpu.memory_space<semaphore_mem>>) {add = true}
      %mul3A_170 = arith.constant 5 : i32
      %mul3A_171 = arith.muli %scan3A_79, %mul3A_170 : i32
      %add3A_172 = arith.constant 4 : i32
      %add3A_173 = arith.addi %mul3A_171, %add3A_172 : i32
      %add3A_174 = arith.constant 3 : i32
      %add3A_175 = arith.addi %add3A_173, %add3A_174 : i32
      %lt3A_176 = arith.constant 160 : i32
      %lt3A_177 = arith.cmpi slt, %add3A_175, %lt3A_176 : i32
      %convert_element_type3A_178 = arith.extui %lt3A_177 : i1 to i32
      %cond3A_179 = arith.constant 0 : i32
      %cond3A_180 = arith.cmpi ne, %convert_element_type3A_178, %cond3A_179 : i32
      scf.if %cond3A_180 {
        %ge3A = arith.constant 2 : i32
        %ge3A_194 = arith.cmpi sge, %add3A_173, %ge3A : i32
        %convert_element_type3A_195 = arith.extui %ge3A_194 : i1 to i32
        %cond3A_196 = arith.constant 0 : i32
        %cond3A_197 = arith.cmpi ne, %convert_element_type3A_195, %cond3A_196 : i32
        scf.if %cond3A_197 {
          %sub3A = arith.constant 2 : i32
          %sub3A_206 = arith.subi %add3A_173, %sub3A : i32
          %dma_wait3A_207 = arith.constant 0 : i32
          %dma_wait3A_208 = tpu.memref_slice %arg7[%sub3A_206, %dma_wait3A_207] : memref<160x125xi32, #tpu.memory_space<vmem>> -> memref<1x125xi32, #tpu.memory_space<vmem>>
          %dma_wait3A_209 = tpu.memref_squeeze %dma_wait3A_208 : memref<1x125xi32, #tpu.memory_space<vmem>> -> memref<125xi32, #tpu.memory_space<vmem>>
          %dma_wait3A_210 = arith.constant 0 : i32
          %dma_wait3A_211 = arith.constant 0 : i32
          %dma_wait3A_212 = tpu.memref_slice %arg13[%dma_wait3A_210, %dma_wait3A_211] : memref<10000x64xf32, #tpu.memory_space<vmem_shared>> -> memref<10000x64xf32, #tpu.memory_space<vmem_shared>>
          tpu.wait_indirect_dma semaphore(%arg21 : memref<!tpu.dma_semaphore, #tpu.memory_space<semaphore_mem>>) src(%arg10 : memref<125x64xf32, #tpu.memory_space<vmem>>) dst(%dma_wait3A_212 : memref<10000x64xf32, #tpu.memory_space<vmem_shared>>)
        } else {
        }
        %add3A_198 = arith.constant 3 : i32
        %add3A_199 = arith.addi %add3A_173, %add3A_198 : i32
        %dma_start3A_200 = arith.constant 0 : i32
        %dma_start3A_201 = tpu.memref_slice %arg6[%add3A_199, %dma_start3A_200] : memref<160x125xi32, #tpu.memory_space<vmem>> -> memref<1x125xi32, #tpu.memory_space<vmem>>
        %dma_start3A_202 = tpu.memref_squeeze %dma_start3A_201 : memref<1x125xi32, #tpu.memory_space<vmem>> -> memref<125xi32, #tpu.memory_space<vmem>>
        %dma_start3A_203 = arith.constant 0 : i32
        %dma_start3A_204 = arith.constant 0 : i32
        %dma_start3A_205 = tpu.memref_slice %arg2[%dma_start3A_203, %dma_start3A_204] : memref<20000x64xf32, #tpu.memory_space<hbm>> -> memref<20000x64xf32, #tpu.memory_space<hbm>>
        tpu.enqueue_indirect_dma source(%dma_start3A_205 : memref<20000x64xf32, #tpu.memory_space<hbm>>) target(%arg10 : memref<125x64xf32, #tpu.memory_space<vmem>>) offsets(%dma_start3A_202 : memref<125xi32, #tpu.memory_space<vmem>>) semaphore(%arg16 : memref<!tpu.dma_semaphore, #tpu.memory_space<semaphore_mem>>)
      } else {
      }
      %dma_wait3A_181 = arith.constant 0 : i32
      %dma_wait3A_182 = tpu.memref_slice %arg6[%add3A_173, %dma_wait3A_181] : memref<160x125xi32, #tpu.memory_space<vmem>> -> memref<1x125xi32, #tpu.memory_space<vmem>>
      %dma_wait3A_183 = tpu.memref_squeeze %dma_wait3A_182 : memref<1x125xi32, #tpu.memory_space<vmem>> -> memref<125xi32, #tpu.memory_space<vmem>>
      %dma_wait3A_184 = arith.constant 0 : i32
      %dma_wait3A_185 = arith.constant 0 : i32
      %dma_wait3A_186 = tpu.memref_slice %arg2[%dma_wait3A_184, %dma_wait3A_185] : memref<20000x64xf32, #tpu.memory_space<hbm>> -> memref<20000x64xf32, #tpu.memory_space<hbm>>
      tpu.wait_indirect_dma semaphore(%arg18 : memref<!tpu.dma_semaphore, #tpu.memory_space<semaphore_mem>>) src(%dma_wait3A_186 : memref<20000x64xf32, #tpu.memory_space<hbm>>) dst(%arg12 : memref<125x64xf32, #tpu.memory_space<vmem>>)
      %dma_start3A_187 = arith.constant 0 : i32
      %dma_start3A_188 = tpu.memref_slice %arg7[%add3A_173, %dma_start3A_187] : memref<160x125xi32, #tpu.memory_space<vmem>> -> memref<1x125xi32, #tpu.memory_space<vmem>>
      %dma_start3A_189 = tpu.memref_squeeze %dma_start3A_188 : memref<1x125xi32, #tpu.memory_space<vmem>> -> memref<125xi32, #tpu.memory_space<vmem>>
      %dma_start3A_190 = arith.constant 0 : i32
      %dma_start3A_191 = arith.constant 0 : i32
      %dma_start3A_192 = tpu.memref_slice %arg13[%dma_start3A_190, %dma_start3A_191] : memref<10000x64xf32, #tpu.memory_space<vmem_shared>> -> memref<10000x64xf32, #tpu.memory_space<vmem_shared>>
      tpu.enqueue_indirect_dma source(%arg12 : memref<125x64xf32, #tpu.memory_space<vmem>>) target(%dma_start3A_192 : memref<10000x64xf32, #tpu.memory_space<vmem_shared>>) offsets(%dma_start3A_189 : memref<125xi32, #tpu.memory_space<vmem>>) semaphore(%arg23 : memref<!tpu.dma_semaphore, #tpu.memory_space<semaphore_mem>>) {add = true}
      %scan3A_193 = arith.constant 0 : i32
      scf.yield %scan3A_193 : i32
    }
    %scan3A_43 = arith.constant 32 : i32
    %dma_wait3A = arith.constant 155 : i32
    %dma_wait3A_44 = arith.constant 0 : i32
    %dma_wait3A_45 = tpu.memref_slice %arg7[%dma_wait3A, %dma_wait3A_44] : memref<160x125xi32, #tpu.memory_space<vmem>> -> memref<1x125xi32, #tpu.memory_space<vmem>>
    %dma_wait3A_46 = tpu.memref_squeeze %dma_wait3A_45 : memref<1x125xi32, #tpu.memory_space<vmem>> -> memref<125xi32, #tpu.memory_space<vmem>>
    %dma_wait3A_47 = arith.constant 0 : i32
    %dma_wait3A_48 = arith.constant 0 : i32
    %dma_wait3A_49 = tpu.memref_slice %arg13[%dma_wait3A_47, %dma_wait3A_48] : memref<10000x64xf32, #tpu.memory_space<vmem_shared>> -> memref<10000x64xf32, #tpu.memory_space<vmem_shared>>
    tpu.wait_indirect_dma semaphore(%arg19 : memref<!tpu.dma_semaphore, #tpu.memory_space<semaphore_mem>>) src(%arg8 : memref<125x64xf32, #tpu.memory_space<vmem>>) dst(%dma_wait3A_49 : memref<10000x64xf32, #tpu.memory_space<vmem_shared>>)
    %dma_wait3A_50 = arith.constant 156 : i32
    %dma_wait3A_51 = arith.constant 0 : i32
    %dma_wait3A_52 = tpu.memref_slice %arg7[%dma_wait3A_50, %dma_wait3A_51] : memref<160x125xi32, #tpu.memory_space<vmem>> -> memref<1x125xi32, #tpu.memory_space<vmem>>
    %dma_wait3A_53 = tpu.memref_squeeze %dma_wait3A_52 : memref<1x125xi32, #tpu.memory_space<vmem>> -> memref<125xi32, #tpu.memory_space<vmem>>
    %dma_wait3A_54 = arith.constant 0 : i32
    %dma_wait3A_55 = arith.constant 0 : i32
    %dma_wait3A_56 = tpu.memref_slice %arg13[%dma_wait3A_54, %dma_wait3A_55] : memref<10000x64xf32, #tpu.memory_space<vmem_shared>> -> memref<10000x64xf32, #tpu.memory_space<vmem_shared>>
    tpu.wait_indirect_dma semaphore(%arg20 : memref<!tpu.dma_semaphore, #tpu.memory_space<semaphore_mem>>) src(%arg9 : memref<125x64xf32, #tpu.memory_space<vmem>>) dst(%dma_wait3A_56 : memref<10000x64xf32, #tpu.memory_space<vmem_shared>>)
    %dma_wait3A_57 = arith.constant 157 : i32
    %dma_wait3A_58 = arith.constant 0 : i32
    %dma_wait3A_59 = tpu.memref_slice %arg7[%dma_wait3A_57, %dma_wait3A_58] : memref<160x125xi32, #tpu.memory_space<vmem>> -> memref<1x125xi32, #tpu.memory_space<vmem>>
    %dma_wait3A_60 = tpu.memref_squeeze %dma_wait3A_59 : memref<1x125xi32, #tpu.memory_space<vmem>> -> memref<125xi32, #tpu.memory_space<vmem>>
    %dma_wait3A_61 = arith.constant 0 : i32
    %dma_wait3A_62 = arith.constant 0 : i32
    %dma_wait3A_63 = tpu.memref_slice %arg13[%dma_wait3A_61, %dma_wait3A_62] : memref<10000x64xf32, #tpu.memory_space<vmem_shared>> -> memref<10000x64xf32, #tpu.memory_space<vmem_shared>>
    tpu.wait_indirect_dma semaphore(%arg21 : memref<!tpu.dma_semaphore, #tpu.memory_space<semaphore_mem>>) src(%arg10 : memref<125x64xf32, #tpu.memory_space<vmem>>) dst(%dma_wait3A_63 : memref<10000x64xf32, #tpu.memory_space<vmem_shared>>)
    %dma_wait3A_64 = arith.constant 158 : i32
    %dma_wait3A_65 = arith.constant 0 : i32
    %dma_wait3A_66 = tpu.memref_slice %arg7[%dma_wait3A_64, %dma_wait3A_65] : memref<160x125xi32, #tpu.memory_space<vmem>> -> memref<1x125xi32, #tpu.memory_space<vmem>>
    %dma_wait3A_67 = tpu.memref_squeeze %dma_wait3A_66 : memref<1x125xi32, #tpu.memory_space<vmem>> -> memref<125xi32, #tpu.memory_space<vmem>>
    %dma_wait3A_68 = arith.constant 0 : i32
    %dma_wait3A_69 = arith.constant 0 : i32
    %dma_wait3A_70 = tpu.memref_slice %arg13[%dma_wait3A_68, %dma_wait3A_69] : memref<10000x64xf32, #tpu.memory_space<vmem_shared>> -> memref<10000x64xf32, #tpu.memory_space<vmem_shared>>
    tpu.wait_indirect_dma semaphore(%arg22 : memref<!tpu.dma_semaphore, #tpu.memory_space<semaphore_mem>>) src(%arg11 : memref<125x64xf32, #tpu.memory_space<vmem>>) dst(%dma_wait3A_70 : memref<10000x64xf32, #tpu.memory_space<vmem_shared>>)
    %dma_wait3A_71 = arith.constant 159 : i32
    %dma_wait3A_72 = arith.constant 0 : i32
    %dma_wait3A_73 = tpu.memref_slice %arg7[%dma_wait3A_71, %dma_wait3A_72] : memref<160x125xi32, #tpu.memory_space<vmem>> -> memref<1x125xi32, #tpu.memory_space<vmem>>
    %dma_wait3A_74 = tpu.memref_squeeze %dma_wait3A_73 : memref<1x125xi32, #tpu.memory_space<vmem>> -> memref<125xi32, #tpu.memory_space<vmem>>
    %dma_wait3A_75 = arith.constant 0 : i32
    %dma_wait3A_76 = arith.constant 0 : i32
    %dma_wait3A_77 = tpu.memref_slice %arg13[%dma_wait3A_75, %dma_wait3A_76] : memref<10000x64xf32, #tpu.memory_space<vmem_shared>> -> memref<10000x64xf32, #tpu.memory_space<vmem_shared>>
    tpu.wait_indirect_dma semaphore(%arg23 : memref<!tpu.dma_semaphore, #tpu.memory_space<semaphore_mem>>) src(%arg12 : memref<125x64xf32, #tpu.memory_space<vmem>>) dst(%dma_wait3A_77 : memref<10000x64xf32, #tpu.memory_space<vmem_shared>>)
    %barrier3A_78 = arith.constant 0 : index
    tpu.barrier barrier_id(%barrier3A_78)
    "tpu.region"() ({
      %run_scoped3A = tpu.sem_alloc : memref<!tpu.dma_semaphore, #tpu.memory_space<semaphore_mem>>
      %dma_start3A_79 = arith.constant 0 : i32
      %dma_start3A_80 = arith.constant 0 : i32
      %dma_start3A_81 = tpu.memref_slice %arg5[%arg0, %dma_start3A_79, %dma_start3A_80] : memref<2x10000x64xf32, #tpu.memory_space<hbm>> -> memref<1x10000x64xf32, #tpu.memory_space<hbm>>
      %dma_start3A_82 = tpu.memref_squeeze %dma_start3A_81 : memref<1x10000x64xf32, #tpu.memory_space<hbm>> -> memref<10000x64xf32, #tpu.memory_space<hbm>>
      %dma_start3A_83 = arith.constant 0 : i32
      %dma_start3A_84 = tpu.memref_slice %dma_start3A_82[%mul3A_7, %dma_start3A_83] : memref<10000x64xf32, #tpu.memory_space<hbm>> -> memref<625x64xf32, #tpu.memory_space<hbm>>
      %dma_start3A_85 = arith.constant 0 : i32
      %dma_start3A_86 = tpu.memref_slice %arg13[%mul3A_7, %dma_start3A_85] : memref<10000x64xf32, #tpu.memory_space<vmem_shared>> -> memref<625x64xf32, #tpu.memory_space<vmem_shared>>
      tpu.enqueue_dma source(%dma_start3A_86 : memref<625x64xf32, #tpu.memory_space<vmem_shared>>) target(%dma_start3A_84 : memref<625x64xf32, #tpu.memory_space<hbm>>) target_semaphore(%run_scoped3A : memref<!tpu.dma_semaphore, #tpu.memory_space<semaphore_mem>>)
      %dma_wait3A_87 = arith.constant 0 : i32
      %dma_wait3A_88 = arith.constant 0 : i32
      %dma_wait3A_89 = tpu.memref_slice %arg5[%arg0, %dma_wait3A_87, %dma_wait3A_88] : memref<2x10000x64xf32, #tpu.memory_space<hbm>> -> memref<1x10000x64xf32, #tpu.memory_space<hbm>>
      %dma_wait3A_90 = tpu.memref_squeeze %dma_wait3A_89 : memref<1x10000x64xf32, #tpu.memory_space<hbm>> -> memref<10000x64xf32, #tpu.memory_space<hbm>>
      %dma_wait3A_91 = arith.constant 0 : i32
      %dma_wait3A_92 = tpu.memref_slice %dma_wait3A_90[%mul3A_7, %dma_wait3A_91] : memref<10000x64xf32, #tpu.memory_space<hbm>> -> memref<625x64xf32, #tpu.memory_space<hbm>>
      %dma_wait3A_93 = arith.constant 0 : i32
      %dma_wait3A_94 = tpu.memref_slice %arg13[%mul3A_7, %dma_wait3A_93] : memref<10000x64xf32, #tpu.memory_space<vmem_shared>> -> memref<625x64xf32, #tpu.memory_space<vmem_shared>>
      tpu.wait_dma2 semaphore(%run_scoped3A : memref<!tpu.dma_semaphore, #tpu.memory_space<semaphore_mem>>) src(%dma_wait3A_94 : memref<625x64xf32, #tpu.memory_space<vmem_shared>>) dst(%dma_wait3A_92 : memref<625x64xf32, #tpu.memory_space<hbm>>)
      tpu.yield
    }) : () -> ()
    return
  }
}

#map = affine_map<(d0, d1) -> (0, 0)>
#map1 = affine_map<(d0, d1) -> (0, 0, 0, 0)>
#map2 = affine_map<(d0, d1) -> (0, 0, 0)>
module attributes {stable_mosaic.version = 14 : i64} {
  func.func @_prop_body(%arg0: i32, %arg1: i32, %arg2: memref<20000x64xf32, #tpu.memory_space<hbm>>, %arg3: memref<2x16x160x125xi32, #tpu.memory_space<hbm>>, %arg4: memref<16x160x125xi32, #tpu.memory_space<hbm>>, %arg5: memref<2x10000x64xf32, #tpu.memory_space<hbm>>, %arg6: memref<160x125xi32, #tpu.memory_space<vmem>>, %arg7: memref<160x125xi32, #tpu.memory_space<vmem>>, %arg8: memref<125x64xf32, #tpu.memory_space<vmem>>, %arg9: memref<125x64xf32, #tpu.memory_space<vmem>>, %arg10: memref<125x64xf32, #tpu.memory_space<vmem>>, %arg11: memref<125x64xf32, #tpu.memory_space<vmem>>, %arg12: memref<125x64xf32, #tpu.memory_space<vmem>>, %arg13: memref<10000x64xf32, #tpu.memory_space<vmem_shared>>, %arg14: memref<!tpu.dma_semaphore, #tpu.memory_space<semaphore_mem>>, %arg15: memref<!tpu.dma_semaphore, #tpu.memory_space<semaphore_mem>>, %arg16: memref<!tpu.dma_semaphore, #tpu.memory_space<semaphore_mem>>, %arg17: memref<!tpu.dma_semaphore, #tpu.memory_space<semaphore_mem>>, %arg18: memref<!tpu.dma_semaphore, #tpu.memory_space<semaphore_mem>>, %arg19: memref<!tpu.dma_semaphore, #tpu.memory_space<semaphore_mem>>, %arg20: memref<!tpu.dma_semaphore, #tpu.memory_space<semaphore_mem>>, %arg21: memref<!tpu.dma_semaphore, #tpu.memory_space<semaphore_mem>>, %arg22: memref<!tpu.dma_semaphore, #tpu.memory_space<semaphore_mem>>, %arg23: memref<!tpu.dma_semaphore, #tpu.memory_space<semaphore_mem>>) attributes {dimension_semantics = [#tpu.dimension_semantics<core_parallel>, #tpu.dimension_semantics<subcore_parallel>], iteration_bounds = array<i64: 2, 16>, scalar_prefetch = 0 : i64, scratch_operands = 18 : i64, tpu.core_type = #tpu.core_type<sc_vector_subcore>, window_params = [{transform_indices = #map}, {transform_indices = #map1}, {transform_indices = #map2}, {transform_indices = #map2}]} {
    "tpu.region"() ({
      %run_scoped3A = tpu.sem_alloc : memref<!tpu.dma_semaphore, #tpu.memory_space<semaphore_mem>>
      %dma_start3A_79 = arith.constant 0 : i32
      %dma_start3A_80 = arith.constant 0 : i32
      %dma_start3A_81 = tpu.memref_slice %arg3[%arg0, %arg1, %dma_start3A_79, %dma_start3A_80] : memref<2x16x160x125xi32, #tpu.memory_space<hbm>> -> memref<1x1x160x125xi32, #tpu.memory_space<hbm>>
      %dma_start3A_82 = tpu.memref_squeeze %dma_start3A_81 : memref<1x1x160x125xi32, #tpu.memory_space<hbm>> -> memref<160x125xi32, #tpu.memory_space<hbm>>
      %dma_start3A_83 = arith.constant 0 : i32
      %dma_start3A_84 = arith.constant 0 : i32
      %dma_start3A_85 = tpu.memref_slice %arg3[%arg0, %arg1, %dma_start3A_83, %dma_start3A_84] : memref<2x16x160x125xi32, #tpu.memory_space<hbm>> -> memref<1x1x160x125xi32, #tpu.memory_space<hbm>>
      %dma_start3A_86 = tpu.memref_squeeze %dma_start3A_85 : memref<1x1x160x125xi32, #tpu.memory_space<hbm>> -> memref<160x125xi32, #tpu.memory_space<hbm>>
      tpu.enqueue_dma source(%dma_start3A_86 : memref<160x125xi32, #tpu.memory_space<hbm>>) target(%arg6 : memref<160x125xi32, #tpu.memory_space<vmem>>) target_semaphore(%run_scoped3A : memref<!tpu.dma_semaphore, #tpu.memory_space<semaphore_mem>>)
      %dma_wait3A_87 = arith.constant 0 : i32
      %dma_wait3A_88 = arith.constant 0 : i32
      %dma_wait3A_89 = tpu.memref_slice %arg3[%arg0, %arg1, %dma_wait3A_87, %dma_wait3A_88] : memref<2x16x160x125xi32, #tpu.memory_space<hbm>> -> memref<1x1x160x125xi32, #tpu.memory_space<hbm>>
      %dma_wait3A_90 = tpu.memref_squeeze %dma_wait3A_89 : memref<1x1x160x125xi32, #tpu.memory_space<hbm>> -> memref<160x125xi32, #tpu.memory_space<hbm>>
      %dma_wait3A_91 = arith.constant 0 : i32
      %dma_wait3A_92 = arith.constant 0 : i32
      %dma_wait3A_93 = tpu.memref_slice %arg3[%arg0, %arg1, %dma_wait3A_91, %dma_wait3A_92] : memref<2x16x160x125xi32, #tpu.memory_space<hbm>> -> memref<1x1x160x125xi32, #tpu.memory_space<hbm>>
      %dma_wait3A_94 = tpu.memref_squeeze %dma_wait3A_93 : memref<1x1x160x125xi32, #tpu.memory_space<hbm>> -> memref<160x125xi32, #tpu.memory_space<hbm>>
      tpu.wait_dma2 semaphore(%run_scoped3A : memref<!tpu.dma_semaphore, #tpu.memory_space<semaphore_mem>>) src(%dma_wait3A_94 : memref<160x125xi32, #tpu.memory_space<hbm>>) dst(%arg6 : memref<160x125xi32, #tpu.memory_space<vmem>>)
      tpu.yield
    }) : () -> ()
    "tpu.region"() ({
      %run_scoped3A = tpu.sem_alloc : memref<!tpu.dma_semaphore, #tpu.memory_space<semaphore_mem>>
      %dma_start3A_79 = arith.constant 0 : i32
      %dma_start3A_80 = arith.constant 0 : i32
      %dma_start3A_81 = tpu.memref_slice %arg4[%arg1, %dma_start3A_79, %dma_start3A_80] : memref<16x160x125xi32, #tpu.memory_space<hbm>> -> memref<1x160x125xi32, #tpu.memory_space<hbm>>
      %dma_start3A_82 = tpu.memref_squeeze %dma_start3A_81 : memref<1x160x125xi32, #tpu.memory_space<hbm>> -> memref<160x125xi32, #tpu.memory_space<hbm>>
      %dma_start3A_83 = arith.constant 0 : i32
      %dma_start3A_84 = arith.constant 0 : i32
      %dma_start3A_85 = tpu.memref_slice %arg4[%arg1, %dma_start3A_83, %dma_start3A_84] : memref<16x160x125xi32, #tpu.memory_space<hbm>> -> memref<1x160x125xi32, #tpu.memory_space<hbm>>
      %dma_start3A_86 = tpu.memref_squeeze %dma_start3A_85 : memref<1x160x125xi32, #tpu.memory_space<hbm>> -> memref<160x125xi32, #tpu.memory_space<hbm>>
      tpu.enqueue_dma source(%dma_start3A_86 : memref<160x125xi32, #tpu.memory_space<hbm>>) target(%arg7 : memref<160x125xi32, #tpu.memory_space<vmem>>) target_semaphore(%run_scoped3A : memref<!tpu.dma_semaphore, #tpu.memory_space<semaphore_mem>>)
      %dma_wait3A_87 = arith.constant 0 : i32
      %dma_wait3A_88 = arith.constant 0 : i32
      %dma_wait3A_89 = tpu.memref_slice %arg4[%arg1, %dma_wait3A_87, %dma_wait3A_88] : memref<16x160x125xi32, #tpu.memory_space<hbm>> -> memref<1x160x125xi32, #tpu.memory_space<hbm>>
      %dma_wait3A_90 = tpu.memref_squeeze %dma_wait3A_89 : memref<1x160x125xi32, #tpu.memory_space<hbm>> -> memref<160x125xi32, #tpu.memory_space<hbm>>
      %dma_wait3A_91 = arith.constant 0 : i32
      %dma_wait3A_92 = arith.constant 0 : i32
      %dma_wait3A_93 = tpu.memref_slice %arg4[%arg1, %dma_wait3A_91, %dma_wait3A_92] : memref<16x160x125xi32, #tpu.memory_space<hbm>> -> memref<1x160x125xi32, #tpu.memory_space<hbm>>
      %dma_wait3A_94 = tpu.memref_squeeze %dma_wait3A_93 : memref<1x160x125xi32, #tpu.memory_space<hbm>> -> memref<160x125xi32, #tpu.memory_space<hbm>>
      tpu.wait_dma2 semaphore(%run_scoped3A : memref<!tpu.dma_semaphore, #tpu.memory_space<semaphore_mem>>) src(%dma_wait3A_94 : memref<160x125xi32, #tpu.memory_space<hbm>>) dst(%arg7 : memref<160x125xi32, #tpu.memory_space<vmem>>)
      tpu.yield
    }) : () -> ()
    %broadcast_in_dim3A = arith.constant 0.000000e+00 : f32
    %broadcast_in_dim3A_0 = vector.broadcast %broadcast_in_dim3A : f32 to vector<16xf32>
    %scan3A = arith.constant 0 : i32
    %scan3A_1 = arith.constant 0 : i32
    %scan3A_2 = arith.constant 125 : i32
    %scan3A_3 = arith.addi %scan3A_1, %scan3A_2 : i32
    %scan3A_4 = arith.constant 1 : i32
    %scan3A_5 = scf.for %scan3A_79 = %scan3A_1 to %scan3A_3 step %scan3A_4 iter_args(%scan3A_80 = %scan3A) -> (i32)  : i32 {
      %swap3A = arith.index_cast %scan3A_79 : i32 to index
      %swap3A_81 = arith.constant 0 : index
      %swap3A_82 = tpu.vector_load %arg8[%swap3A, %swap3A_81] {strides = array<i32>} : memref<125x64xf32, #tpu.memory_space<vmem>>, vector<1x16xf32>,
      %swap3A_83 = vector.shape_cast %swap3A_82 : vector<1x16xf32> to vector<16xf32>
      %swap3A_84 = vector.shape_cast %broadcast_in_dim3A_0 : vector<16xf32> to vector<1x16xf32>
      tpu.vector_store %arg8[%swap3A, %swap3A_81], %swap3A_84 {strides = array<i32>} : memref<125x64xf32, #tpu.memory_space<vmem>>, vector<1x16xf32>,
      %swap3A_85 = arith.index_cast %scan3A_79 : i32 to index
      %swap3A_86 = arith.constant 16 : index
      %swap3A_87 = tpu.vector_load %arg8[%swap3A_85, %swap3A_86] {strides = array<i32>} : memref<125x64xf32, #tpu.memory_space<vmem>>, vector<1x16xf32>,
      %swap3A_88 = vector.shape_cast %swap3A_87 : vector<1x16xf32> to vector<16xf32>
      %swap3A_89 = vector.shape_cast %broadcast_in_dim3A_0 : vector<16xf32> to vector<1x16xf32>
      tpu.vector_store %arg8[%swap3A_85, %swap3A_86], %swap3A_89 {strides = array<i32>} : memref<125x64xf32, #tpu.memory_space<vmem>>, vector<1x16xf32>,
      %swap3A_90 = arith.index_cast %scan3A_79 : i32 to index
      %swap3A_91 = arith.constant 32 : index
      %swap3A_92 = tpu.vector_load %arg8[%swap3A_90, %swap3A_91] {strides = array<i32>} : memref<125x64xf32, #tpu.memory_space<vmem>>, vector<1x16xf32>,
      %swap3A_93 = vector.shape_cast %swap3A_92 : vector<1x16xf32> to vector<16xf32>
      %swap3A_94 = vector.shape_cast %broadcast_in_dim3A_0 : vector<16xf32> to vector<1x16xf32>
      tpu.vector_store %arg8[%swap3A_90, %swap3A_91], %swap3A_94 {strides = array<i32>} : memref<125x64xf32, #tpu.memory_space<vmem>>, vector<1x16xf32>,
      %swap3A_95 = arith.index_cast %scan3A_79 : i32 to index
      %swap3A_96 = arith.constant 48 : index
      %swap3A_97 = tpu.vector_load %arg8[%swap3A_95, %swap3A_96] {strides = array<i32>} : memref<125x64xf32, #tpu.memory_space<vmem>>, vector<1x16xf32>,
      %swap3A_98 = vector.shape_cast %swap3A_97 : vector<1x16xf32> to vector<16xf32>
      %swap3A_99 = vector.shape_cast %broadcast_in_dim3A_0 : vector<16xf32> to vector<1x16xf32>
      tpu.vector_store %arg8[%swap3A_95, %swap3A_96], %swap3A_99 {strides = array<i32>} : memref<125x64xf32, #tpu.memory_space<vmem>>, vector<1x16xf32>,
      %scan3A_100 = arith.constant 0 : i32
      scf.yield %scan3A_100 : i32
    }
    %scan3A_6 = arith.constant 125 : i32
    %mul3A = arith.constant 625 : i32
    %mul3A_7 = arith.muli %arg1, %mul3A : i32
    %add3A = arith.constant 0 : i32
    %add3A_8 = arith.addi %mul3A_7, %add3A : i32
    "tpu.region"() ({
      %run_scoped3A = tpu.sem_alloc : memref<!tpu.dma_semaphore, #tpu.memory_space<semaphore_mem>>
      %dma_start3A_79 = arith.constant 0 : i32
      %dma_start3A_80 = tpu.memref_slice %arg13[%add3A_8, %dma_start3A_79] : memref<10000x64xf32, #tpu.memory_space<vmem_shared>> -> memref<125x64xf32, #tpu.memory_space<vmem_shared>>
      %dma_start3A_81 = arith.constant 0 : i32
      %dma_start3A_82 = tpu.memref_slice %arg13[%add3A_8, %dma_start3A_81] : memref<10000x64xf32, #tpu.memory_space<vmem_shared>> -> memref<125x64xf32, #tpu.memory_space<vmem_shared>>
      tpu.enqueue_dma source(%arg8 : memref<125x64xf32, #tpu.memory_space<vmem>>) target(%dma_start3A_82 : memref<125x64xf32, #tpu.memory_space<vmem_shared>>) target_semaphore(%run_scoped3A : memref<!tpu.dma_semaphore, #tpu.memory_space<semaphore_mem>>)
      %dma_wait3A_83 = arith.constant 0 : i32
      %dma_wait3A_84 = tpu.memref_slice %arg13[%add3A_8, %dma_wait3A_83] : memref<10000x64xf32, #tpu.memory_space<vmem_shared>> -> memref<125x64xf32, #tpu.memory_space<vmem_shared>>
      %dma_wait3A_85 = arith.constant 0 : i32
      %dma_wait3A_86 = tpu.memref_slice %arg13[%add3A_8, %dma_wait3A_85] : memref<10000x64xf32, #tpu.memory_space<vmem_shared>> -> memref<125x64xf32, #tpu.memory_space<vmem_shared>>
      tpu.wait_dma2 semaphore(%run_scoped3A : memref<!tpu.dma_semaphore, #tpu.memory_space<semaphore_mem>>) src(%arg8 : memref<125x64xf32, #tpu.memory_space<vmem>>) dst(%dma_wait3A_86 : memref<125x64xf32, #tpu.memory_space<vmem_shared>>)
      tpu.yield
    }) : () -> ()
    %add3A_9 = arith.constant 125 : i32
    %add3A_10 = arith.addi %mul3A_7, %add3A_9 : i32
    "tpu.region"() ({
      %run_scoped3A = tpu.sem_alloc : memref<!tpu.dma_semaphore, #tpu.memory_space<semaphore_mem>>
      %dma_start3A_79 = arith.constant 0 : i32
      %dma_start3A_80 = tpu.memref_slice %arg13[%add3A_10, %dma_start3A_79] : memref<10000x64xf32, #tpu.memory_space<vmem_shared>> -> memref<125x64xf32, #tpu.memory_space<vmem_shared>>
      %dma_start3A_81 = arith.constant 0 : i32
      %dma_start3A_82 = tpu.memref_slice %arg13[%add3A_10, %dma_start3A_81] : memref<10000x64xf32, #tpu.memory_space<vmem_shared>> -> memref<125x64xf32, #tpu.memory_space<vmem_shared>>
      tpu.enqueue_dma source(%arg8 : memref<125x64xf32, #tpu.memory_space<vmem>>) target(%dma_start3A_82 : memref<125x64xf32, #tpu.memory_space<vmem_shared>>) target_semaphore(%run_scoped3A : memref<!tpu.dma_semaphore, #tpu.memory_space<semaphore_mem>>)
      %dma_wait3A_83 = arith.constant 0 : i32
      %dma_wait3A_84 = tpu.memref_slice %arg13[%add3A_10, %dma_wait3A_83] : memref<10000x64xf32, #tpu.memory_space<vmem_shared>> -> memref<125x64xf32, #tpu.memory_space<vmem_shared>>
      %dma_wait3A_85 = arith.constant 0 : i32
      %dma_wait3A_86 = tpu.memref_slice %arg13[%add3A_10, %dma_wait3A_85] : memref<10000x64xf32, #tpu.memory_space<vmem_shared>> -> memref<125x64xf32, #tpu.memory_space<vmem_shared>>
      tpu.wait_dma2 semaphore(%run_scoped3A : memref<!tpu.dma_semaphore, #tpu.memory_space<semaphore_mem>>) src(%arg8 : memref<125x64xf32, #tpu.memory_space<vmem>>) dst(%dma_wait3A_86 : memref<125x64xf32, #tpu.memory_space<vmem_shared>>)
      tpu.yield
    }) : () -> ()
    %add3A_11 = arith.constant 250 : i32
    %add3A_12 = arith.addi %mul3A_7, %add3A_11 : i32
    "tpu.region"() ({
      %run_scoped3A = tpu.sem_alloc : memref<!tpu.dma_semaphore, #tpu.memory_space<semaphore_mem>>
      %dma_start3A_79 = arith.constant 0 : i32
      %dma_start3A_80 = tpu.memref_slice %arg13[%add3A_12, %dma_start3A_79] : memref<10000x64xf32, #tpu.memory_space<vmem_shared>> -> memref<125x64xf32, #tpu.memory_space<vmem_shared>>
      %dma_start3A_81 = arith.constant 0 : i32
      %dma_start3A_82 = tpu.memref_slice %arg13[%add3A_12, %dma_start3A_81] : memref<10000x64xf32, #tpu.memory_space<vmem_shared>> -> memref<125x64xf32, #tpu.memory_space<vmem_shared>>
      tpu.enqueue_dma source(%arg8 : memref<125x64xf32, #tpu.memory_space<vmem>>) target(%dma_start3A_82 : memref<125x64xf32, #tpu.memory_space<vmem_shared>>) target_semaphore(%run_scoped3A : memref<!tpu.dma_semaphore, #tpu.memory_space<semaphore_mem>>)
      %dma_wait3A_83 = arith.constant 0 : i32
      %dma_wait3A_84 = tpu.memref_slice %arg13[%add3A_12, %dma_wait3A_83] : memref<10000x64xf32, #tpu.memory_space<vmem_shared>> -> memref<125x64xf32, #tpu.memory_space<vmem_shared>>
      %dma_wait3A_85 = arith.constant 0 : i32
      %dma_wait3A_86 = tpu.memref_slice %arg13[%add3A_12, %dma_wait3A_85] : memref<10000x64xf32, #tpu.memory_space<vmem_shared>> -> memref<125x64xf32, #tpu.memory_space<vmem_shared>>
      tpu.wait_dma2 semaphore(%run_scoped3A : memref<!tpu.dma_semaphore, #tpu.memory_space<semaphore_mem>>) src(%arg8 : memref<125x64xf32, #tpu.memory_space<vmem>>) dst(%dma_wait3A_86 : memref<125x64xf32, #tpu.memory_space<vmem_shared>>)
      tpu.yield
    }) : () -> ()
    %add3A_13 = arith.constant 375 : i32
    %add3A_14 = arith.addi %mul3A_7, %add3A_13 : i32
    "tpu.region"() ({
      %run_scoped3A = tpu.sem_alloc : memref<!tpu.dma_semaphore, #tpu.memory_space<semaphore_mem>>
      %dma_start3A_79 = arith.constant 0 : i32
      %dma_start3A_80 = tpu.memref_slice %arg13[%add3A_14, %dma_start3A_79] : memref<10000x64xf32, #tpu.memory_space<vmem_shared>> -> memref<125x64xf32, #tpu.memory_space<vmem_shared>>
      %dma_start3A_81 = arith.constant 0 : i32
      %dma_start3A_82 = tpu.memref_slice %arg13[%add3A_14, %dma_start3A_81] : memref<10000x64xf32, #tpu.memory_space<vmem_shared>> -> memref<125x64xf32, #tpu.memory_space<vmem_shared>>
      tpu.enqueue_dma source(%arg8 : memref<125x64xf32, #tpu.memory_space<vmem>>) target(%dma_start3A_82 : memref<125x64xf32, #tpu.memory_space<vmem_shared>>) target_semaphore(%run_scoped3A : memref<!tpu.dma_semaphore, #tpu.memory_space<semaphore_mem>>)
      %dma_wait3A_83 = arith.constant 0 : i32
      %dma_wait3A_84 = tpu.memref_slice %arg13[%add3A_14, %dma_wait3A_83] : memref<10000x64xf32, #tpu.memory_space<vmem_shared>> -> memref<125x64xf32, #tpu.memory_space<vmem_shared>>
      %dma_wait3A_85 = arith.constant 0 : i32
      %dma_wait3A_86 = tpu.memref_slice %arg13[%add3A_14, %dma_wait3A_85] : memref<10000x64xf32, #tpu.memory_space<vmem_shared>> -> memref<125x64xf32, #tpu.memory_space<vmem_shared>>
      tpu.wait_dma2 semaphore(%run_scoped3A : memref<!tpu.dma_semaphore, #tpu.memory_space<semaphore_mem>>) src(%arg8 : memref<125x64xf32, #tpu.memory_space<vmem>>) dst(%dma_wait3A_86 : memref<125x64xf32, #tpu.memory_space<vmem_shared>>)
      tpu.yield
    }) : () -> ()
    %add3A_15 = arith.constant 500 : i32
    %add3A_16 = arith.addi %mul3A_7, %add3A_15 : i32
    "tpu.region"() ({
      %run_scoped3A = tpu.sem_alloc : memref<!tpu.dma_semaphore, #tpu.memory_space<semaphore_mem>>
      %dma_start3A_79 = arith.constant 0 : i32
      %dma_start3A_80 = tpu.memref_slice %arg13[%add3A_16, %dma_start3A_79] : memref<10000x64xf32, #tpu.memory_space<vmem_shared>> -> memref<125x64xf32, #tpu.memory_space<vmem_shared>>
      %dma_start3A_81 = arith.constant 0 : i32
      %dma_start3A_82 = tpu.memref_slice %arg13[%add3A_16, %dma_start3A_81] : memref<10000x64xf32, #tpu.memory_space<vmem_shared>> -> memref<125x64xf32, #tpu.memory_space<vmem_shared>>
      tpu.enqueue_dma source(%arg8 : memref<125x64xf32, #tpu.memory_space<vmem>>) target(%dma_start3A_82 : memref<125x64xf32, #tpu.memory_space<vmem_shared>>) target_semaphore(%run_scoped3A : memref<!tpu.dma_semaphore, #tpu.memory_space<semaphore_mem>>)
      %dma_wait3A_83 = arith.constant 0 : i32
      %dma_wait3A_84 = tpu.memref_slice %arg13[%add3A_16, %dma_wait3A_83] : memref<10000x64xf32, #tpu.memory_space<vmem_shared>> -> memref<125x64xf32, #tpu.memory_space<vmem_shared>>
      %dma_wait3A_85 = arith.constant 0 : i32
      %dma_wait3A_86 = tpu.memref_slice %arg13[%add3A_16, %dma_wait3A_85] : memref<10000x64xf32, #tpu.memory_space<vmem_shared>> -> memref<125x64xf32, #tpu.memory_space<vmem_shared>>
      tpu.wait_dma2 semaphore(%run_scoped3A : memref<!tpu.dma_semaphore, #tpu.memory_space<semaphore_mem>>) src(%arg8 : memref<125x64xf32, #tpu.memory_space<vmem>>) dst(%dma_wait3A_86 : memref<125x64xf32, #tpu.memory_space<vmem_shared>>)
      tpu.yield
    }) : () -> ()
    %barrier3A = arith.constant 0 : index
    tpu.barrier barrier_id(%barrier3A)
    %dma_start3A = arith.constant 0 : i32
    %dma_start3A_17 = arith.constant 0 : i32
    %dma_start3A_18 = tpu.memref_slice %arg6[%dma_start3A, %dma_start3A_17] : memref<160x125xi32, #tpu.memory_space<vmem>> -> memref<1x125xi32, #tpu.memory_space<vmem>>
    %dma_start3A_19 = tpu.memref_squeeze %dma_start3A_18 : memref<1x125xi32, #tpu.memory_space<vmem>> -> memref<125xi32, #tpu.memory_space<vmem>>
    %dma_start3A_20 = arith.constant 0 : i32
    %dma_start3A_21 = arith.constant 0 : i32
    %dma_start3A_22 = tpu.memref_slice %arg2[%dma_start3A_20, %dma_start3A_21] : memref<20000x64xf32, #tpu.memory_space<hbm>> -> memref<20000x64xf32, #tpu.memory_space<hbm>>
    tpu.enqueue_indirect_dma source(%dma_start3A_22 : memref<20000x64xf32, #tpu.memory_space<hbm>>) target(%arg8 : memref<125x64xf32, #tpu.memory_space<vmem>>) offsets(%dma_start3A_19 : memref<125xi32, #tpu.memory_space<vmem>>) semaphore(%arg14 : memref<!tpu.dma_semaphore, #tpu.memory_space<semaphore_mem>>)
    %dma_start3A_23 = arith.constant 1 : i32
    %dma_start3A_24 = arith.constant 0 : i32
    %dma_start3A_25 = tpu.memref_slice %arg6[%dma_start3A_23, %dma_start3A_24] : memref<160x125xi32, #tpu.memory_space<vmem>> -> memref<1x125xi32, #tpu.memory_space<vmem>>
    %dma_start3A_26 = tpu.memref_squeeze %dma_start3A_25 : memref<1x125xi32, #tpu.memory_space<vmem>> -> memref<125xi32, #tpu.memory_space<vmem>>
    %dma_start3A_27 = arith.constant 0 : i32
    %dma_start3A_28 = arith.constant 0 : i32
    %dma_start3A_29 = tpu.memref_slice %arg2[%dma_start3A_27, %dma_start3A_28] : memref<20000x64xf32, #tpu.memory_space<hbm>> -> memref<20000x64xf32, #tpu.memory_space<hbm>>
    tpu.enqueue_indirect_dma source(%dma_start3A_29 : memref<20000x64xf32, #tpu.memory_space<hbm>>) target(%arg9 : memref<125x64xf32, #tpu.memory_space<vmem>>) offsets(%dma_start3A_26 : memref<125xi32, #tpu.memory_space<vmem>>) semaphore(%arg15 : memref<!tpu.dma_semaphore, #tpu.memory_space<semaphore_mem>>)
    %dma_start3A_30 = arith.constant 2 : i32
    %dma_start3A_31 = arith.constant 0 : i32
    %dma_start3A_32 = tpu.memref_slice %arg6[%dma_start3A_30, %dma_start3A_31] : memref<160x125xi32, #tpu.memory_space<vmem>> -> memref<1x125xi32, #tpu.memory_space<vmem>>
    %dma_start3A_33 = tpu.memref_squeeze %dma_start3A_32 : memref<1x125xi32, #tpu.memory_space<vmem>> -> memref<125xi32, #tpu.memory_space<vmem>>
    %dma_start3A_34 = arith.constant 0 : i32
    %dma_start3A_35 = arith.constant 0 : i32
    %dma_start3A_36 = tpu.memref_slice %arg2[%dma_start3A_34, %dma_start3A_35] : memref<20000x64xf32, #tpu.memory_space<hbm>> -> memref<20000x64xf32, #tpu.memory_space<hbm>>
    tpu.enqueue_indirect_dma source(%dma_start3A_36 : memref<20000x64xf32, #tpu.memory_space<hbm>>) target(%arg10 : memref<125x64xf32, #tpu.memory_space<vmem>>) offsets(%dma_start3A_33 : memref<125xi32, #tpu.memory_space<vmem>>) semaphore(%arg16 : memref<!tpu.dma_semaphore, #tpu.memory_space<semaphore_mem>>)
    %scan3A_37 = arith.constant 0 : i32
    %scan3A_38 = arith.constant 0 : i32
    %scan3A_39 = arith.constant 32 : i32
    %scan3A_40 = arith.addi %scan3A_38, %scan3A_39 : i32
    %scan3A_41 = arith.constant 1 : i32
    %scan3A_42 = scf.for %scan3A_79 = %scan3A_38 to %scan3A_40 step %scan3A_41 iter_args(%scan3A_80 = %scan3A_37) -> (i32)  : i32 {
      %mul3A_81 = arith.constant 5 : i32
      %mul3A_82 = arith.muli %scan3A_79, %mul3A_81 : i32
      %add3A_83 = arith.constant 0 : i32
      %add3A_84 = arith.addi %mul3A_82, %add3A_83 : i32
      %add3A_85 = arith.constant 3 : i32
      %add3A_86 = arith.addi %add3A_84, %add3A_85 : i32
      %lt3A = arith.constant 160 : i32
      %lt3A_87 = arith.cmpi slt, %add3A_86, %lt3A : i32
      %convert_element_type3A = arith.extui %lt3A_87 : i1 to i32
      %cond3A = arith.constant 0 : i32
      %cond3A_88 = arith.cmpi ne, %convert_element_type3A, %cond3A : i32
      scf.if %cond3A_88 {
        %ge3A = arith.constant 2 : i32
        %ge3A_194 = arith.cmpi sge, %add3A_84, %ge3A : i32
        %convert_element_type3A_195 = arith.extui %ge3A_194 : i1 to i32
        %cond3A_196 = arith.constant 0 : i32
        %cond3A_197 = arith.cmpi ne, %convert_element_type3A_195, %cond3A_196 : i32
        scf.if %cond3A_197 {
          %sub3A = arith.constant 2 : i32
          %sub3A_206 = arith.subi %add3A_84, %sub3A : i32
          %dma_wait3A_207 = arith.constant 0 : i32
          %dma_wait3A_208 = tpu.memref_slice %arg7[%sub3A_206, %dma_wait3A_207] : memref<160x125xi32, #tpu.memory_space<vmem>> -> memref<1x125xi32, #tpu.memory_space<vmem>>
          %dma_wait3A_209 = tpu.memref_squeeze %dma_wait3A_208 : memref<1x125xi32, #tpu.memory_space<vmem>> -> memref<125xi32, #tpu.memory_space<vmem>>
          %dma_wait3A_210 = arith.constant 0 : i32
          %dma_wait3A_211 = arith.constant 0 : i32
          %dma_wait3A_212 = tpu.memref_slice %arg13[%dma_wait3A_210, %dma_wait3A_211] : memref<10000x64xf32, #tpu.memory_space<vmem_shared>> -> memref<10000x64xf32, #tpu.memory_space<vmem_shared>>
          tpu.wait_indirect_dma semaphore(%arg22 : memref<!tpu.dma_semaphore, #tpu.memory_space<semaphore_mem>>) src(%arg11 : memref<125x64xf32, #tpu.memory_space<vmem>>) dst(%dma_wait3A_212 : memref<10000x64xf32, #tpu.memory_space<vmem_shared>>)
        } else {
        }
        %add3A_198 = arith.constant 3 : i32
        %add3A_199 = arith.addi %add3A_84, %add3A_198 : i32
        %dma_start3A_200 = arith.constant 0 : i32
        %dma_start3A_201 = tpu.memref_slice %arg6[%add3A_199, %dma_start3A_200] : memref<160x125xi32, #tpu.memory_space<vmem>> -> memref<1x125xi32, #tpu.memory_space<vmem>>
        %dma_start3A_202 = tpu.memref_squeeze %dma_start3A_201 : memref<1x125xi32, #tpu.memory_space<vmem>> -> memref<125xi32, #tpu.memory_space<vmem>>
        %dma_start3A_203 = arith.constant 0 : i32
        %dma_start3A_204 = arith.constant 0 : i32
        %dma_start3A_205 = tpu.memref_slice %arg2[%dma_start3A_203, %dma_start3A_204] : memref<20000x64xf32, #tpu.memory_space<hbm>> -> memref<20000x64xf32, #tpu.memory_space<hbm>>
        tpu.enqueue_indirect_dma source(%dma_start3A_205 : memref<20000x64xf32, #tpu.memory_space<hbm>>) target(%arg11 : memref<125x64xf32, #tpu.memory_space<vmem>>) offsets(%dma_start3A_202 : memref<125xi32, #tpu.memory_space<vmem>>) semaphore(%arg17 : memref<!tpu.dma_semaphore, #tpu.memory_space<semaphore_mem>>)
      } else {
      }
      %dma_wait3A_89 = arith.constant 0 : i32
      %dma_wait3A_90 = tpu.memref_slice %arg6[%add3A_84, %dma_wait3A_89] : memref<160x125xi32, #tpu.memory_space<vmem>> -> memref<1x125xi32, #tpu.memory_space<vmem>>
      %dma_wait3A_91 = tpu.memref_squeeze %dma_wait3A_90 : memref<1x125xi32, #tpu.memory_space<vmem>> -> memref<125xi32, #tpu.memory_space<vmem>>
      %dma_wait3A_92 = arith.constant 0 : i32
      %dma_wait3A_93 = arith.constant 0 : i32
      %dma_wait3A_94 = tpu.memref_slice %arg2[%dma_wait3A_92, %dma_wait3A_93] : memref<20000x64xf32, #tpu.memory_space<hbm>> -> memref<20000x64xf32, #tpu.memory_space<hbm>>
      tpu.wait_indirect_dma semaphore(%arg14 : memref<!tpu.dma_semaphore, #tpu.memory_space<semaphore_mem>>) src(%dma_wait3A_94 : memref<20000x64xf32, #tpu.memory_space<hbm>>) dst(%arg8 : memref<125x64xf32, #tpu.memory_space<vmem>>)
      %dma_start3A_95 = arith.constant 0 : i32
      %dma_start3A_96 = tpu.memref_slice %arg7[%add3A_84, %dma_start3A_95] : memref<160x125xi32, #tpu.memory_space<vmem>> -> memref<1x125xi32, #tpu.memory_space<vmem>>
      %dma_start3A_97 = tpu.memref_squeeze %dma_start3A_96 : memref<1x125xi32, #tpu.memory_space<vmem>> -> memref<125xi32, #tpu.memory_space<vmem>>
      %dma_start3A_98 = arith.constant 0 : i32
      %dma_start3A_99 = arith.constant 0 : i32
      %dma_start3A_100 = tpu.memref_slice %arg13[%dma_start3A_98, %dma_start3A_99] : memref<10000x64xf32, #tpu.memory_space<vmem_shared>> -> memref<10000x64xf32, #tpu.memory_space<vmem_shared>>
      tpu.enqueue_indirect_dma source(%arg8 : memref<125x64xf32, #tpu.memory_space<vmem>>) target(%dma_start3A_100 : memref<10000x64xf32, #tpu.memory_space<vmem_shared>>) offsets(%dma_start3A_97 : memref<125xi32, #tpu.memory_space<vmem>>) semaphore(%arg19 : memref<!tpu.dma_semaphore, #tpu.memory_space<semaphore_mem>>) {add = true}
      %mul3A_101 = arith.constant 5 : i32
      %mul3A_102 = arith.muli %scan3A_79, %mul3A_101 : i32
      %add3A_103 = arith.constant 1 : i32
      %add3A_104 = arith.addi %mul3A_102, %add3A_103 : i32
      %add3A_105 = arith.constant 3 : i32
      %add3A_106 = arith.addi %add3A_104, %add3A_105 : i32
      %lt3A_107 = arith.constant 160 : i32
      %lt3A_108 = arith.cmpi slt, %add3A_106, %lt3A_107 : i32
      %convert_element_type3A_109 = arith.extui %lt3A_108 : i1 to i32
      %cond3A_110 = arith.constant 0 : i32
      %cond3A_111 = arith.cmpi ne, %convert_element_type3A_109, %cond3A_110 : i32
      scf.if %cond3A_111 {
        %ge3A = arith.constant 2 : i32
        %ge3A_194 = arith.cmpi sge, %add3A_104, %ge3A : i32
        %convert_element_type3A_195 = arith.extui %ge3A_194 : i1 to i32
        %cond3A_196 = arith.constant 0 : i32
        %cond3A_197 = arith.cmpi ne, %convert_element_type3A_195, %cond3A_196 : i32
        scf.if %cond3A_197 {
          %sub3A = arith.constant 2 : i32
          %sub3A_206 = arith.subi %add3A_104, %sub3A : i32
          %dma_wait3A_207 = arith.constant 0 : i32
          %dma_wait3A_208 = tpu.memref_slice %arg7[%sub3A_206, %dma_wait3A_207] : memref<160x125xi32, #tpu.memory_space<vmem>> -> memref<1x125xi32, #tpu.memory_space<vmem>>
          %dma_wait3A_209 = tpu.memref_squeeze %dma_wait3A_208 : memref<1x125xi32, #tpu.memory_space<vmem>> -> memref<125xi32, #tpu.memory_space<vmem>>
          %dma_wait3A_210 = arith.constant 0 : i32
          %dma_wait3A_211 = arith.constant 0 : i32
          %dma_wait3A_212 = tpu.memref_slice %arg13[%dma_wait3A_210, %dma_wait3A_211] : memref<10000x64xf32, #tpu.memory_space<vmem_shared>> -> memref<10000x64xf32, #tpu.memory_space<vmem_shared>>
          tpu.wait_indirect_dma semaphore(%arg23 : memref<!tpu.dma_semaphore, #tpu.memory_space<semaphore_mem>>) src(%arg12 : memref<125x64xf32, #tpu.memory_space<vmem>>) dst(%dma_wait3A_212 : memref<10000x64xf32, #tpu.memory_space<vmem_shared>>)
        } else {
        }
        %add3A_198 = arith.constant 3 : i32
        %add3A_199 = arith.addi %add3A_104, %add3A_198 : i32
        %dma_start3A_200 = arith.constant 0 : i32
        %dma_start3A_201 = tpu.memref_slice %arg6[%add3A_199, %dma_start3A_200] : memref<160x125xi32, #tpu.memory_space<vmem>> -> memref<1x125xi32, #tpu.memory_space<vmem>>
        %dma_start3A_202 = tpu.memref_squeeze %dma_start3A_201 : memref<1x125xi32, #tpu.memory_space<vmem>> -> memref<125xi32, #tpu.memory_space<vmem>>
        %dma_start3A_203 = arith.constant 0 : i32
        %dma_start3A_204 = arith.constant 0 : i32
        %dma_start3A_205 = tpu.memref_slice %arg2[%dma_start3A_203, %dma_start3A_204] : memref<20000x64xf32, #tpu.memory_space<hbm>> -> memref<20000x64xf32, #tpu.memory_space<hbm>>
        tpu.enqueue_indirect_dma source(%dma_start3A_205 : memref<20000x64xf32, #tpu.memory_space<hbm>>) target(%arg12 : memref<125x64xf32, #tpu.memory_space<vmem>>) offsets(%dma_start3A_202 : memref<125xi32, #tpu.memory_space<vmem>>) semaphore(%arg18 : memref<!tpu.dma_semaphore, #tpu.memory_space<semaphore_mem>>)
      } else {
      }
      %dma_wait3A_112 = arith.constant 0 : i32
      %dma_wait3A_113 = tpu.memref_slice %arg6[%add3A_104, %dma_wait3A_112] : memref<160x125xi32, #tpu.memory_space<vmem>> -> memref<1x125xi32, #tpu.memory_space<vmem>>
      %dma_wait3A_114 = tpu.memref_squeeze %dma_wait3A_113 : memref<1x125xi32, #tpu.memory_space<vmem>> -> memref<125xi32, #tpu.memory_space<vmem>>
      %dma_wait3A_115 = arith.constant 0 : i32
      %dma_wait3A_116 = arith.constant 0 : i32
      %dma_wait3A_117 = tpu.memref_slice %arg2[%dma_wait3A_115, %dma_wait3A_116] : memref<20000x64xf32, #tpu.memory_space<hbm>> -> memref<20000x64xf32, #tpu.memory_space<hbm>>
      tpu.wait_indirect_dma semaphore(%arg15 : memref<!tpu.dma_semaphore, #tpu.memory_space<semaphore_mem>>) src(%dma_wait3A_117 : memref<20000x64xf32, #tpu.memory_space<hbm>>) dst(%arg9 : memref<125x64xf32, #tpu.memory_space<vmem>>)
      %dma_start3A_118 = arith.constant 0 : i32
      %dma_start3A_119 = tpu.memref_slice %arg7[%add3A_104, %dma_start3A_118] : memref<160x125xi32, #tpu.memory_space<vmem>> -> memref<1x125xi32, #tpu.memory_space<vmem>>
      %dma_start3A_120 = tpu.memref_squeeze %dma_start3A_119 : memref<1x125xi32, #tpu.memory_space<vmem>> -> memref<125xi32, #tpu.memory_space<vmem>>
      %dma_start3A_121 = arith.constant 0 : i32
      %dma_start3A_122 = arith.constant 0 : i32
      %dma_start3A_123 = tpu.memref_slice %arg13[%dma_start3A_121, %dma_start3A_122] : memref<10000x64xf32, #tpu.memory_space<vmem_shared>> -> memref<10000x64xf32, #tpu.memory_space<vmem_shared>>
      tpu.enqueue_indirect_dma source(%arg9 : memref<125x64xf32, #tpu.memory_space<vmem>>) target(%dma_start3A_123 : memref<10000x64xf32, #tpu.memory_space<vmem_shared>>) offsets(%dma_start3A_120 : memref<125xi32, #tpu.memory_space<vmem>>) semaphore(%arg20 : memref<!tpu.dma_semaphore, #tpu.memory_space<semaphore_mem>>) {add = true}
      %mul3A_124 = arith.constant 5 : i32
      %mul3A_125 = arith.muli %scan3A_79, %mul3A_124 : i32
      %add3A_126 = arith.constant 2 : i32
      %add3A_127 = arith.addi %mul3A_125, %add3A_126 : i32
      %add3A_128 = arith.constant 3 : i32
      %add3A_129 = arith.addi %add3A_127, %add3A_128 : i32
      %lt3A_130 = arith.constant 160 : i32
      %lt3A_131 = arith.cmpi slt, %add3A_129, %lt3A_130 : i32
      %convert_element_type3A_132 = arith.extui %lt3A_131 : i1 to i32
      %cond3A_133 = arith.constant 0 : i32
      %cond3A_134 = arith.cmpi ne, %convert_element_type3A_132, %cond3A_133 : i32
      scf.if %cond3A_134 {
        %ge3A = arith.constant 2 : i32
        %ge3A_194 = arith.cmpi sge, %add3A_127, %ge3A : i32
        %convert_element_type3A_195 = arith.extui %ge3A_194 : i1 to i32
        %cond3A_196 = arith.constant 0 : i32
        %cond3A_197 = arith.cmpi ne, %convert_element_type3A_195, %cond3A_196 : i32
        scf.if %cond3A_197 {
          %sub3A = arith.constant 2 : i32
          %sub3A_206 = arith.subi %add3A_127, %sub3A : i32
          %dma_wait3A_207 = arith.constant 0 : i32
          %dma_wait3A_208 = tpu.memref_slice %arg7[%sub3A_206, %dma_wait3A_207] : memref<160x125xi32, #tpu.memory_space<vmem>> -> memref<1x125xi32, #tpu.memory_space<vmem>>
          %dma_wait3A_209 = tpu.memref_squeeze %dma_wait3A_208 : memref<1x125xi32, #tpu.memory_space<vmem>> -> memref<125xi32, #tpu.memory_space<vmem>>
          %dma_wait3A_210 = arith.constant 0 : i32
          %dma_wait3A_211 = arith.constant 0 : i32
          %dma_wait3A_212 = tpu.memref_slice %arg13[%dma_wait3A_210, %dma_wait3A_211] : memref<10000x64xf32, #tpu.memory_space<vmem_shared>> -> memref<10000x64xf32, #tpu.memory_space<vmem_shared>>
          tpu.wait_indirect_dma semaphore(%arg19 : memref<!tpu.dma_semaphore, #tpu.memory_space<semaphore_mem>>) src(%arg8 : memref<125x64xf32, #tpu.memory_space<vmem>>) dst(%dma_wait3A_212 : memref<10000x64xf32, #tpu.memory_space<vmem_shared>>)
        } else {
        }
        %add3A_198 = arith.constant 3 : i32
        %add3A_199 = arith.addi %add3A_127, %add3A_198 : i32
        %dma_start3A_200 = arith.constant 0 : i32
        %dma_start3A_201 = tpu.memref_slice %arg6[%add3A_199, %dma_start3A_200] : memref<160x125xi32, #tpu.memory_space<vmem>> -> memref<1x125xi32, #tpu.memory_space<vmem>>
        %dma_start3A_202 = tpu.memref_squeeze %dma_start3A_201 : memref<1x125xi32, #tpu.memory_space<vmem>> -> memref<125xi32, #tpu.memory_space<vmem>>
        %dma_start3A_203 = arith.constant 0 : i32
        %dma_start3A_204 = arith.constant 0 : i32
        %dma_start3A_205 = tpu.memref_slice %arg2[%dma_start3A_203, %dma_start3A_204] : memref<20000x64xf32, #tpu.memory_space<hbm>> -> memref<20000x64xf32, #tpu.memory_space<hbm>>
        tpu.enqueue_indirect_dma source(%dma_start3A_205 : memref<20000x64xf32, #tpu.memory_space<hbm>>) target(%arg8 : memref<125x64xf32, #tpu.memory_space<vmem>>) offsets(%dma_start3A_202 : memref<125xi32, #tpu.memory_space<vmem>>) semaphore(%arg14 : memref<!tpu.dma_semaphore, #tpu.memory_space<semaphore_mem>>)
      } else {
      }
      %dma_wait3A_135 = arith.constant 0 : i32
      %dma_wait3A_136 = tpu.memref_slice %arg6[%add3A_127, %dma_wait3A_135] : memref<160x125xi32, #tpu.memory_space<vmem>> -> memref<1x125xi32, #tpu.memory_space<vmem>>
      %dma_wait3A_137 = tpu.memref_squeeze %dma_wait3A_136 : memref<1x125xi32, #tpu.memory_space<vmem>> -> memref<125xi32, #tpu.memory_space<vmem>>
      %dma_wait3A_138 = arith.constant 0 : i32
      %dma_wait3A_139 = arith.constant 0 : i32
      %dma_wait3A_140 = tpu.memref_slice %arg2[%dma_wait3A_138, %dma_wait3A_139] : memref<20000x64xf32, #tpu.memory_space<hbm>> -> memref<20000x64xf32, #tpu.memory_space<hbm>>
      tpu.wait_indirect_dma semaphore(%arg16 : memref<!tpu.dma_semaphore, #tpu.memory_space<semaphore_mem>>) src(%dma_wait3A_140 : memref<20000x64xf32, #tpu.memory_space<hbm>>) dst(%arg10 : memref<125x64xf32, #tpu.memory_space<vmem>>)
      %dma_start3A_141 = arith.constant 0 : i32
      %dma_start3A_142 = tpu.memref_slice %arg7[%add3A_127, %dma_start3A_141] : memref<160x125xi32, #tpu.memory_space<vmem>> -> memref<1x125xi32, #tpu.memory_space<vmem>>
      %dma_start3A_143 = tpu.memref_squeeze %dma_start3A_142 : memref<1x125xi32, #tpu.memory_space<vmem>> -> memref<125xi32, #tpu.memory_space<vmem>>
      %dma_start3A_144 = arith.constant 0 : i32
      %dma_start3A_145 = arith.constant 0 : i32
      %dma_start3A_146 = tpu.memref_slice %arg13[%dma_start3A_144, %dma_start3A_145] : memref<10000x64xf32, #tpu.memory_space<vmem_shared>> -> memref<10000x64xf32, #tpu.memory_space<vmem_shared>>
      tpu.enqueue_indirect_dma source(%arg10 : memref<125x64xf32, #tpu.memory_space<vmem>>) target(%dma_start3A_146 : memref<10000x64xf32, #tpu.memory_space<vmem_shared>>) offsets(%dma_start3A_143 : memref<125xi32, #tpu.memory_space<vmem>>) semaphore(%arg21 : memref<!tpu.dma_semaphore, #tpu.memory_space<semaphore_mem>>) {add = true}
      %mul3A_147 = arith.constant 5 : i32
      %mul3A_148 = arith.muli %scan3A_79, %mul3A_147 : i32
      %add3A_149 = arith.constant 3 : i32
      %add3A_150 = arith.addi %mul3A_148, %add3A_149 : i32
      %add3A_151 = arith.constant 3 : i32
      %add3A_152 = arith.addi %add3A_150, %add3A_151 : i32
      %lt3A_153 = arith.constant 160 : i32
      %lt3A_154 = arith.cmpi slt, %add3A_152, %lt3A_153 : i32
      %convert_element_type3A_155 = arith.extui %lt3A_154 : i1 to i32
      %cond3A_156 = arith.constant 0 : i32
      %cond3A_157 = arith.cmpi ne, %convert_element_type3A_155, %cond3A_156 : i32
      scf.if %cond3A_157 {
        %ge3A = arith.constant 2 : i32
        %ge3A_194 = arith.cmpi sge, %add3A_150, %ge3A : i32
        %convert_element_type3A_195 = arith.extui %ge3A_194 : i1 to i32
        %cond3A_196 = arith.constant 0 : i32
        %cond3A_197 = arith.cmpi ne, %convert_element_type3A_195, %cond3A_196 : i32
        scf.if %cond3A_197 {
          %sub3A = arith.constant 2 : i32
          %sub3A_206 = arith.subi %add3A_150, %sub3A : i32
          %dma_wait3A_207 = arith.constant 0 : i32
          %dma_wait3A_208 = tpu.memref_slice %arg7[%sub3A_206, %dma_wait3A_207] : memref<160x125xi32, #tpu.memory_space<vmem>> -> memref<1x125xi32, #tpu.memory_space<vmem>>
          %dma_wait3A_209 = tpu.memref_squeeze %dma_wait3A_208 : memref<1x125xi32, #tpu.memory_space<vmem>> -> memref<125xi32, #tpu.memory_space<vmem>>
          %dma_wait3A_210 = arith.constant 0 : i32
          %dma_wait3A_211 = arith.constant 0 : i32
          %dma_wait3A_212 = tpu.memref_slice %arg13[%dma_wait3A_210, %dma_wait3A_211] : memref<10000x64xf32, #tpu.memory_space<vmem_shared>> -> memref<10000x64xf32, #tpu.memory_space<vmem_shared>>
          tpu.wait_indirect_dma semaphore(%arg20 : memref<!tpu.dma_semaphore, #tpu.memory_space<semaphore_mem>>) src(%arg9 : memref<125x64xf32, #tpu.memory_space<vmem>>) dst(%dma_wait3A_212 : memref<10000x64xf32, #tpu.memory_space<vmem_shared>>)
        } else {
        }
        %add3A_198 = arith.constant 3 : i32
        %add3A_199 = arith.addi %add3A_150, %add3A_198 : i32
        %dma_start3A_200 = arith.constant 0 : i32
        %dma_start3A_201 = tpu.memref_slice %arg6[%add3A_199, %dma_start3A_200] : memref<160x125xi32, #tpu.memory_space<vmem>> -> memref<1x125xi32, #tpu.memory_space<vmem>>
        %dma_start3A_202 = tpu.memref_squeeze %dma_start3A_201 : memref<1x125xi32, #tpu.memory_space<vmem>> -> memref<125xi32, #tpu.memory_space<vmem>>
        %dma_start3A_203 = arith.constant 0 : i32
        %dma_start3A_204 = arith.constant 0 : i32
        %dma_start3A_205 = tpu.memref_slice %arg2[%dma_start3A_203, %dma_start3A_204] : memref<20000x64xf32, #tpu.memory_space<hbm>> -> memref<20000x64xf32, #tpu.memory_space<hbm>>
        tpu.enqueue_indirect_dma source(%dma_start3A_205 : memref<20000x64xf32, #tpu.memory_space<hbm>>) target(%arg9 : memref<125x64xf32, #tpu.memory_space<vmem>>) offsets(%dma_start3A_202 : memref<125xi32, #tpu.memory_space<vmem>>) semaphore(%arg15 : memref<!tpu.dma_semaphore, #tpu.memory_space<semaphore_mem>>)
      } else {
      }
      %dma_wait3A_158 = arith.constant 0 : i32
      %dma_wait3A_159 = tpu.memref_slice %arg6[%add3A_150, %dma_wait3A_158] : memref<160x125xi32, #tpu.memory_space<vmem>> -> memref<1x125xi32, #tpu.memory_space<vmem>>
      %dma_wait3A_160 = tpu.memref_squeeze %dma_wait3A_159 : memref<1x125xi32, #tpu.memory_space<vmem>> -> memref<125xi32, #tpu.memory_space<vmem>>
      %dma_wait3A_161 = arith.constant 0 : i32
      %dma_wait3A_162 = arith.constant 0 : i32
      %dma_wait3A_163 = tpu.memref_slice %arg2[%dma_wait3A_161, %dma_wait3A_162] : memref<20000x64xf32, #tpu.memory_space<hbm>> -> memref<20000x64xf32, #tpu.memory_space<hbm>>
      tpu.wait_indirect_dma semaphore(%arg17 : memref<!tpu.dma_semaphore, #tpu.memory_space<semaphore_mem>>) src(%dma_wait3A_163 : memref<20000x64xf32, #tpu.memory_space<hbm>>) dst(%arg11 : memref<125x64xf32, #tpu.memory_space<vmem>>)
      %dma_start3A_164 = arith.constant 0 : i32
      %dma_start3A_165 = tpu.memref_slice %arg7[%add3A_150, %dma_start3A_164] : memref<160x125xi32, #tpu.memory_space<vmem>> -> memref<1x125xi32, #tpu.memory_space<vmem>>
      %dma_start3A_166 = tpu.memref_squeeze %dma_start3A_165 : memref<1x125xi32, #tpu.memory_space<vmem>> -> memref<125xi32, #tpu.memory_space<vmem>>
      %dma_start3A_167 = arith.constant 0 : i32
      %dma_start3A_168 = arith.constant 0 : i32
      %dma_start3A_169 = tpu.memref_slice %arg13[%dma_start3A_167, %dma_start3A_168] : memref<10000x64xf32, #tpu.memory_space<vmem_shared>> -> memref<10000x64xf32, #tpu.memory_space<vmem_shared>>
      tpu.enqueue_indirect_dma source(%arg11 : memref<125x64xf32, #tpu.memory_space<vmem>>) target(%dma_start3A_169 : memref<10000x64xf32, #tpu.memory_space<vmem_shared>>) offsets(%dma_start3A_166 : memref<125xi32, #tpu.memory_space<vmem>>) semaphore(%arg22 : memref<!tpu.dma_semaphore, #tpu.memory_space<semaphore_mem>>) {add = true}
      %mul3A_170 = arith.constant 5 : i32
      %mul3A_171 = arith.muli %scan3A_79, %mul3A_170 : i32
      %add3A_172 = arith.constant 4 : i32
      %add3A_173 = arith.addi %mul3A_171, %add3A_172 : i32
      %add3A_174 = arith.constant 3 : i32
      %add3A_175 = arith.addi %add3A_173, %add3A_174 : i32
      %lt3A_176 = arith.constant 160 : i32
      %lt3A_177 = arith.cmpi slt, %add3A_175, %lt3A_176 : i32
      %convert_element_type3A_178 = arith.extui %lt3A_177 : i1 to i32
      %cond3A_179 = arith.constant 0 : i32
      %cond3A_180 = arith.cmpi ne, %convert_element_type3A_178, %cond3A_179 : i32
      scf.if %cond3A_180 {
        %ge3A = arith.constant 2 : i32
        %ge3A_194 = arith.cmpi sge, %add3A_173, %ge3A : i32
        %convert_element_type3A_195 = arith.extui %ge3A_194 : i1 to i32
        %cond3A_196 = arith.constant 0 : i32
        %cond3A_197 = arith.cmpi ne, %convert_element_type3A_195, %cond3A_196 : i32
        scf.if %cond3A_197 {
          %sub3A = arith.constant 2 : i32
          %sub3A_206 = arith.subi %add3A_173, %sub3A : i32
          %dma_wait3A_207 = arith.constant 0 : i32
          %dma_wait3A_208 = tpu.memref_slice %arg7[%sub3A_206, %dma_wait3A_207] : memref<160x125xi32, #tpu.memory_space<vmem>> -> memref<1x125xi32, #tpu.memory_space<vmem>>
          %dma_wait3A_209 = tpu.memref_squeeze %dma_wait3A_208 : memref<1x125xi32, #tpu.memory_space<vmem>> -> memref<125xi32, #tpu.memory_space<vmem>>
          %dma_wait3A_210 = arith.constant 0 : i32
          %dma_wait3A_211 = arith.constant 0 : i32
          %dma_wait3A_212 = tpu.memref_slice %arg13[%dma_wait3A_210, %dma_wait3A_211] : memref<10000x64xf32, #tpu.memory_space<vmem_shared>> -> memref<10000x64xf32, #tpu.memory_space<vmem_shared>>
          tpu.wait_indirect_dma semaphore(%arg21 : memref<!tpu.dma_semaphore, #tpu.memory_space<semaphore_mem>>) src(%arg10 : memref<125x64xf32, #tpu.memory_space<vmem>>) dst(%dma_wait3A_212 : memref<10000x64xf32, #tpu.memory_space<vmem_shared>>)
        } else {
        }
        %add3A_198 = arith.constant 3 : i32
        %add3A_199 = arith.addi %add3A_173, %add3A_198 : i32
        %dma_start3A_200 = arith.constant 0 : i32
        %dma_start3A_201 = tpu.memref_slice %arg6[%add3A_199, %dma_start3A_200] : memref<160x125xi32, #tpu.memory_space<vmem>> -> memref<1x125xi32, #tpu.memory_space<vmem>>
        %dma_start3A_202 = tpu.memref_squeeze %dma_start3A_201 : memref<1x125xi32, #tpu.memory_space<vmem>> -> memref<125xi32, #tpu.memory_space<vmem>>
        %dma_start3A_203 = arith.constant 0 : i32
        %dma_start3A_204 = arith.constant 0 : i32
        %dma_start3A_205 = tpu.memref_slice %arg2[%dma_start3A_203, %dma_start3A_204] : memref<20000x64xf32, #tpu.memory_space<hbm>> -> memref<20000x64xf32, #tpu.memory_space<hbm>>
        tpu.enqueue_indirect_dma source(%dma_start3A_205 : memref<20000x64xf32, #tpu.memory_space<hbm>>) target(%arg10 : memref<125x64xf32, #tpu.memory_space<vmem>>) offsets(%dma_start3A_202 : memref<125xi32, #tpu.memory_space<vmem>>) semaphore(%arg16 : memref<!tpu.dma_semaphore, #tpu.memory_space<semaphore_mem>>)
      } else {
      }
      %dma_wait3A_181 = arith.constant 0 : i32
      %dma_wait3A_182 = tpu.memref_slice %arg6[%add3A_173, %dma_wait3A_181] : memref<160x125xi32, #tpu.memory_space<vmem>> -> memref<1x125xi32, #tpu.memory_space<vmem>>
      %dma_wait3A_183 = tpu.memref_squeeze %dma_wait3A_182 : memref<1x125xi32, #tpu.memory_space<vmem>> -> memref<125xi32, #tpu.memory_space<vmem>>
      %dma_wait3A_184 = arith.constant 0 : i32
      %dma_wait3A_185 = arith.constant 0 : i32
      %dma_wait3A_186 = tpu.memref_slice %arg2[%dma_wait3A_184, %dma_wait3A_185] : memref<20000x64xf32, #tpu.memory_space<hbm>> -> memref<20000x64xf32, #tpu.memory_space<hbm>>
      tpu.wait_indirect_dma semaphore(%arg18 : memref<!tpu.dma_semaphore, #tpu.memory_space<semaphore_mem>>) src(%dma_wait3A_186 : memref<20000x64xf32, #tpu.memory_space<hbm>>) dst(%arg12 : memref<125x64xf32, #tpu.memory_space<vmem>>)
      %dma_start3A_187 = arith.constant 0 : i32
      %dma_start3A_188 = tpu.memref_slice %arg7[%add3A_173, %dma_start3A_187] : memref<160x125xi32, #tpu.memory_space<vmem>> -> memref<1x125xi32, #tpu.memory_space<vmem>>
      %dma_start3A_189 = tpu.memref_squeeze %dma_start3A_188 : memref<1x125xi32, #tpu.memory_space<vmem>> -> memref<125xi32, #tpu.memory_space<vmem>>
      %dma_start3A_190 = arith.constant 0 : i32
      %dma_start3A_191 = arith.constant 0 : i32
      %dma_start3A_192 = tpu.memref_slice %arg13[%dma_start3A_190, %dma_start3A_191] : memref<10000x64xf32, #tpu.memory_space<vmem_shared>> -> memref<10000x64xf32, #tpu.memory_space<vmem_shared>>
      tpu.enqueue_indirect_dma source(%arg12 : memref<125x64xf32, #tpu.memory_space<vmem>>) target(%dma_start3A_192 : memref<10000x64xf32, #tpu.memory_space<vmem_shared>>) offsets(%dma_start3A_189 : memref<125xi32, #tpu.memory_space<vmem>>) semaphore(%arg23 : memref<!tpu.dma_semaphore, #tpu.memory_space<semaphore_mem>>) {add = true}
      %scan3A_193 = arith.constant 0 : i32
      scf.yield %scan3A_193 : i32
    }
    %scan3A_43 = arith.constant 32 : i32
    %dma_wait3A = arith.constant 155 : i32
    %dma_wait3A_44 = arith.constant 0 : i32
    %dma_wait3A_45 = tpu.memref_slice %arg7[%dma_wait3A, %dma_wait3A_44] : memref<160x125xi32, #tpu.memory_space<vmem>> -> memref<1x125xi32, #tpu.memory_space<vmem>>
    %dma_wait3A_46 = tpu.memref_squeeze %dma_wait3A_45 : memref<1x125xi32, #tpu.memory_space<vmem>> -> memref<125xi32, #tpu.memory_space<vmem>>
    %dma_wait3A_47 = arith.constant 0 : i32
    %dma_wait3A_48 = arith.constant 0 : i32
    %dma_wait3A_49 = tpu.memref_slice %arg13[%dma_wait3A_47, %dma_wait3A_48] : memref<10000x64xf32, #tpu.memory_space<vmem_shared>> -> memref<10000x64xf32, #tpu.memory_space<vmem_shared>>
    tpu.wait_indirect_dma semaphore(%arg19 : memref<!tpu.dma_semaphore, #tpu.memory_space<semaphore_mem>>) src(%arg8 : memref<125x64xf32, #tpu.memory_space<vmem>>) dst(%dma_wait3A_49 : memref<10000x64xf32, #tpu.memory_space<vmem_shared>>)
    %dma_wait3A_50 = arith.constant 156 : i32
    %dma_wait3A_51 = arith.constant 0 : i32
    %dma_wait3A_52 = tpu.memref_slice %arg7[%dma_wait3A_50, %dma_wait3A_51] : memref<160x125xi32, #tpu.memory_space<vmem>> -> memref<1x125xi32, #tpu.memory_space<vmem>>
    %dma_wait3A_53 = tpu.memref_squeeze %dma_wait3A_52 : memref<1x125xi32, #tpu.memory_space<vmem>> -> memref<125xi32, #tpu.memory_space<vmem>>
    %dma_wait3A_54 = arith.constant 0 : i32
    %dma_wait3A_55 = arith.constant 0 : i32
    %dma_wait3A_56 = tpu.memref_slice %arg13[%dma_wait3A_54, %dma_wait3A_55] : memref<10000x64xf32, #tpu.memory_space<vmem_shared>> -> memref<10000x64xf32, #tpu.memory_space<vmem_shared>>
    tpu.wait_indirect_dma semaphore(%arg20 : memref<!tpu.dma_semaphore, #tpu.memory_space<semaphore_mem>>) src(%arg9 : memref<125x64xf32, #tpu.memory_space<vmem>>) dst(%dma_wait3A_56 : memref<10000x64xf32, #tpu.memory_space<vmem_shared>>)
    %dma_wait3A_57 = arith.constant 157 : i32
    %dma_wait3A_58 = arith.constant 0 : i32
    %dma_wait3A_59 = tpu.memref_slice %arg7[%dma_wait3A_57, %dma_wait3A_58] : memref<160x125xi32, #tpu.memory_space<vmem>> -> memref<1x125xi32, #tpu.memory_space<vmem>>
    %dma_wait3A_60 = tpu.memref_squeeze %dma_wait3A_59 : memref<1x125xi32, #tpu.memory_space<vmem>> -> memref<125xi32, #tpu.memory_space<vmem>>
    %dma_wait3A_61 = arith.constant 0 : i32
    %dma_wait3A_62 = arith.constant 0 : i32
    %dma_wait3A_63 = tpu.memref_slice %arg13[%dma_wait3A_61, %dma_wait3A_62] : memref<10000x64xf32, #tpu.memory_space<vmem_shared>> -> memref<10000x64xf32, #tpu.memory_space<vmem_shared>>
    tpu.wait_indirect_dma semaphore(%arg21 : memref<!tpu.dma_semaphore, #tpu.memory_space<semaphore_mem>>) src(%arg10 : memref<125x64xf32, #tpu.memory_space<vmem>>) dst(%dma_wait3A_63 : memref<10000x64xf32, #tpu.memory_space<vmem_shared>>)
    %dma_wait3A_64 = arith.constant 158 : i32
    %dma_wait3A_65 = arith.constant 0 : i32
    %dma_wait3A_66 = tpu.memref_slice %arg7[%dma_wait3A_64, %dma_wait3A_65] : memref<160x125xi32, #tpu.memory_space<vmem>> -> memref<1x125xi32, #tpu.memory_space<vmem>>
    %dma_wait3A_67 = tpu.memref_squeeze %dma_wait3A_66 : memref<1x125xi32, #tpu.memory_space<vmem>> -> memref<125xi32, #tpu.memory_space<vmem>>
    %dma_wait3A_68 = arith.constant 0 : i32
    %dma_wait3A_69 = arith.constant 0 : i32
    %dma_wait3A_70 = tpu.memref_slice %arg13[%dma_wait3A_68, %dma_wait3A_69] : memref<10000x64xf32, #tpu.memory_space<vmem_shared>> -> memref<10000x64xf32, #tpu.memory_space<vmem_shared>>
    tpu.wait_indirect_dma semaphore(%arg22 : memref<!tpu.dma_semaphore, #tpu.memory_space<semaphore_mem>>) src(%arg11 : memref<125x64xf32, #tpu.memory_space<vmem>>) dst(%dma_wait3A_70 : memref<10000x64xf32, #tpu.memory_space<vmem_shared>>)
    %dma_wait3A_71 = arith.constant 159 : i32
    %dma_wait3A_72 = arith.constant 0 : i32
    %dma_wait3A_73 = tpu.memref_slice %arg7[%dma_wait3A_71, %dma_wait3A_72] : memref<160x125xi32, #tpu.memory_space<vmem>> -> memref<1x125xi32, #tpu.memory_space<vmem>>
    %dma_wait3A_74 = tpu.memref_squeeze %dma_wait3A_73 : memref<1x125xi32, #tpu.memory_space<vmem>> -> memref<125xi32, #tpu.memory_space<vmem>>
    %dma_wait3A_75 = arith.constant 0 : i32
    %dma_wait3A_76 = arith.constant 0 : i32
    %dma_wait3A_77 = tpu.memref_slice %arg13[%dma_wait3A_75, %dma_wait3A_76] : memref<10000x64xf32, #tpu.memory_space<vmem_shared>> -> memref<10000x64xf32, #tpu.memory_space<vmem_shared>>
    tpu.wait_indirect_dma semaphore(%arg23 : memref<!tpu.dma_semaphore, #tpu.memory_space<semaphore_mem>>) src(%arg12 : memref<125x64xf32, #tpu.memory_space<vmem>>) dst(%dma_wait3A_77 : memref<10000x64xf32, #tpu.memory_space<vmem_shared>>)
    %barrier3A_78 = arith.constant 0 : index
    tpu.barrier barrier_id(%barrier3A_78)
    "tpu.region"() ({
      %run_scoped3A = tpu.sem_alloc : memref<!tpu.dma_semaphore, #tpu.memory_space<semaphore_mem>>
      %dma_start3A_79 = arith.constant 0 : i32
      %dma_start3A_80 = arith.constant 0 : i32
      %dma_start3A_81 = tpu.memref_slice %arg5[%arg0, %dma_start3A_79, %dma_start3A_80] : memref<2x10000x64xf32, #tpu.memory_space<hbm>> -> memref<1x10000x64xf32, #tpu.memory_space<hbm>>
      %dma_start3A_82 = tpu.memref_squeeze %dma_start3A_81 : memref<1x10000x64xf32, #tpu.memory_space<hbm>> -> memref<10000x64xf32, #tpu.memory_space<hbm>>
      %dma_start3A_83 = arith.constant 0 : i32
      %dma_start3A_84 = tpu.memref_slice %dma_start3A_82[%mul3A_7, %dma_start3A_83] : memref<10000x64xf32, #tpu.memory_space<hbm>> -> memref<625x64xf32, #tpu.memory_space<hbm>>
      %dma_start3A_85 = arith.constant 0 : i32
      %dma_start3A_86 = tpu.memref_slice %arg13[%mul3A_7, %dma_start3A_85] : memref<10000x64xf32, #tpu.memory_space<vmem_shared>> -> memref<625x64xf32, #tpu.memory_space<vmem_shared>>
      tpu.enqueue_dma source(%dma_start3A_86 : memref<625x64xf32, #tpu.memory_space<vmem_shared>>) target(%dma_start3A_84 : memref<625x64xf32, #tpu.memory_space<hbm>>) target_semaphore(%run_scoped3A : memref<!tpu.dma_semaphore, #tpu.memory_space<semaphore_mem>>)
      %dma_wait3A_87 = arith.constant 0 : i32
      %dma_wait3A_88 = arith.constant 0 : i32
      %dma_wait3A_89 = tpu.memref_slice %arg5[%arg0, %dma_wait3A_87, %dma_wait3A_88] : memref<2x10000x64xf32, #tpu.memory_space<hbm>> -> memref<1x10000x64xf32, #tpu.memory_space<hbm>>
      %dma_wait3A_90 = tpu.memref_squeeze %dma_wait3A_89 : memref<1x10000x64xf32, #tpu.memory_space<hbm>> -> memref<10000x64xf32, #tpu.memory_space<hbm>>
      %dma_wait3A_91 = arith.constant 0 : i32
      %dma_wait3A_92 = tpu.memref_slice %dma_wait3A_90[%mul3A_7, %dma_wait3A_91] : memref<10000x64xf32, #tpu.memory_space<hbm>> -> memref<625x64xf32, #tpu.memory_space<hbm>>
      %dma_wait3A_93 = arith.constant 0 : i32
      %dma_wait3A_94 = tpu.memref_slice %arg13[%mul3A_7, %dma_wait3A_93] : memref<10000x64xf32, #tpu.memory_space<vmem_shared>> -> memref<625x64xf32, #tpu.memory_space<vmem_shared>>
      tpu.wait_dma2 semaphore(%run_scoped3A : memref<!tpu.dma_semaphore, #tpu.memory_space<semaphore_mem>>) src(%dma_wait3A_94 : memref<625x64xf32, #tpu.memory_space<vmem_shared>>) dst(%dma_wait3A_92 : memref<625x64xf32, #tpu.memory_space<hbm>>)
      tpu.yield
    }) : () -> ()
    return
  }
}

#map = affine_map<(d0, d1) -> (0, 0, 0)>
#map1 = affine_map<(d0, d1) -> (0, 0)>
module attributes {stable_mosaic.version = 14 : i64} {
  func.func @_hist_body(%arg0: i32, %arg1: i32, %arg2: memref<32x125x80xi32, #tpu.memory_space<hbm>>, %arg3: memref<32x10000xf32, #tpu.memory_space<hbm>>, %arg4: memref<125x80xi32, #tpu.memory_space<vmem>>, %arg5: memref<10000xf32, #tpu.memory_space<vmem>>) attributes {dimension_semantics = [#tpu.dimension_semantics<core_parallel>, #tpu.dimension_semantics<subcore_parallel>], iteration_bounds = array<i64: 2, 16>, scalar_prefetch = 0 : i64, scratch_operands = 2 : i64, tpu.core_type = #tpu.core_type<sc_vector_subcore>, window_params = [{transform_indices = #map}, {transform_indices = #map1}]} {
    %mul3A = arith.constant 16 : i32
    %mul3A_0 = arith.muli %arg0, %mul3A : i32
    %add3A = arith.addi %mul3A_0, %arg1 : i32
    "tpu.region"() ({
      %run_scoped3A = tpu.sem_alloc : memref<!tpu.dma_semaphore, #tpu.memory_space<semaphore_mem>>
      %dma_start3A = arith.constant 0 : i32
      %dma_start3A_17 = arith.constant 0 : i32
      %dma_start3A_18 = tpu.memref_slice %arg2[%add3A, %dma_start3A, %dma_start3A_17] : memref<32x125x80xi32, #tpu.memory_space<hbm>> -> memref<1x125x80xi32, #tpu.memory_space<hbm>>
      %dma_start3A_19 = tpu.memref_squeeze %dma_start3A_18 : memref<1x125x80xi32, #tpu.memory_space<hbm>> -> memref<125x80xi32, #tpu.memory_space<hbm>>
      %dma_start3A_20 = arith.constant 0 : i32
      %dma_start3A_21 = arith.constant 0 : i32
      %dma_start3A_22 = tpu.memref_slice %arg2[%add3A, %dma_start3A_20, %dma_start3A_21] : memref<32x125x80xi32, #tpu.memory_space<hbm>> -> memref<1x125x80xi32, #tpu.memory_space<hbm>>
      %dma_start3A_23 = tpu.memref_squeeze %dma_start3A_22 : memref<1x125x80xi32, #tpu.memory_space<hbm>> -> memref<125x80xi32, #tpu.memory_space<hbm>>
      tpu.enqueue_dma source(%dma_start3A_23 : memref<125x80xi32, #tpu.memory_space<hbm>>) target(%arg4 : memref<125x80xi32, #tpu.memory_space<vmem>>) target_semaphore(%run_scoped3A : memref<!tpu.dma_semaphore, #tpu.memory_space<semaphore_mem>>)
      %dma_wait3A = arith.constant 0 : i32
      %dma_wait3A_24 = arith.constant 0 : i32
      %dma_wait3A_25 = tpu.memref_slice %arg2[%add3A, %dma_wait3A, %dma_wait3A_24] : memref<32x125x80xi32, #tpu.memory_space<hbm>> -> memref<1x125x80xi32, #tpu.memory_space<hbm>>
      %dma_wait3A_26 = tpu.memref_squeeze %dma_wait3A_25 : memref<1x125x80xi32, #tpu.memory_space<hbm>> -> memref<125x80xi32, #tpu.memory_space<hbm>>
      %dma_wait3A_27 = arith.constant 0 : i32
      %dma_wait3A_28 = arith.constant 0 : i32
      %dma_wait3A_29 = tpu.memref_slice %arg2[%add3A, %dma_wait3A_27, %dma_wait3A_28] : memref<32x125x80xi32, #tpu.memory_space<hbm>> -> memref<1x125x80xi32, #tpu.memory_space<hbm>>
      %dma_wait3A_30 = tpu.memref_squeeze %dma_wait3A_29 : memref<1x125x80xi32, #tpu.memory_space<hbm>> -> memref<125x80xi32, #tpu.memory_space<hbm>>
      tpu.wait_dma2 semaphore(%run_scoped3A : memref<!tpu.dma_semaphore, #tpu.memory_space<semaphore_mem>>) src(%dma_wait3A_30 : memref<125x80xi32, #tpu.memory_space<hbm>>) dst(%arg4 : memref<125x80xi32, #tpu.memory_space<vmem>>)
      tpu.yield
    }) : () -> ()
    %broadcast_in_dim3A = arith.constant 0.000000e+00 : f32
    %broadcast_in_dim3A_1 = vector.broadcast %broadcast_in_dim3A : f32 to vector<16xf32>
    %scan3A = arith.constant 0 : i32
    %scan3A_2 = arith.constant 0 : i32
    %scan3A_3 = arith.constant 625 : i32
    %scan3A_4 = arith.addi %scan3A_2, %scan3A_3 : i32
    %scan3A_5 = arith.constant 1 : i32
    %scan3A_6 = scf.for %scan3A_17 = %scan3A_2 to %scan3A_4 step %scan3A_5 iter_args(%scan3A_18 = %scan3A) -> (i32)  : i32 {
      %mul3A_19 = arith.constant 16 : i32
      %mul3A_20 = arith.muli %scan3A_17, %mul3A_19 : i32
      %swap3A = arith.index_cast %mul3A_20 : i32 to index
      %swap3A_21 = tpu.vector_load %arg5[%swap3A] {strides = array<i32>} : memref<10000xf32, #tpu.memory_space<vmem>>, vector<16xf32>,
      tpu.vector_store %arg5[%swap3A], %broadcast_in_dim3A_1 {strides = array<i32>} : memref<10000xf32, #tpu.memory_space<vmem>>, vector<16xf32>,
      %scan3A_22 = arith.constant 0 : i32
      scf.yield %scan3A_22 : i32
    }
    %scan3A_7 = arith.constant 625 : i32
    %broadcast_in_dim3A_8 = arith.constant 1.000000e+00 : f32
    %broadcast_in_dim3A_9 = vector.broadcast %broadcast_in_dim3A_8 : f32 to vector<16xf32>
    %scan3A_10 = arith.constant 0 : i32
    %scan3A_11 = arith.constant 0 : i32
    %scan3A_12 = arith.constant 625 : i32
    %scan3A_13 = arith.addi %scan3A_11, %scan3A_12 : i32
    %scan3A_14 = arith.constant 1 : i32
    %scan3A_15 = scf.for %scan3A_17 = %scan3A_11 to %scan3A_13 step %scan3A_14 iter_args(%scan3A_18 = %scan3A_10) -> (i32)  : i32 {
      %jit3A = arith.constant 5 : i32
      %div3A = arith.divsi %scan3A_17, %jit3A : i32
      %sign3A = arith.constant 0 : i32
      %sign3A_19 = arith.cmpi sgt, %scan3A_17, %sign3A : i32
      %sign3A_20 = arith.extui %sign3A_19 : i1 to i32
      %sign3A_21 = arith.constant 0 : i32
      %sign3A_22 = arith.cmpi slt, %scan3A_17, %sign3A_21 : i32
      %sign3A_23 = arith.extui %sign3A_22 : i1 to i32
      %sign3A_24 = arith.subi %sign3A_20, %sign3A_23 : i32
      %sign3A_25 = arith.constant 0 : i32
      %sign3A_26 = arith.cmpi sgt, %jit3A, %sign3A_25 : i32
      %sign3A_27 = arith.extui %sign3A_26 : i1 to i32
      %sign3A_28 = arith.constant 0 : i32
      %sign3A_29 = arith.cmpi slt, %jit3A, %sign3A_28 : i32
      %sign3A_30 = arith.extui %sign3A_29 : i1 to i32
      %sign3A_31 = arith.subi %sign3A_27, %sign3A_30 : i32
      %ne3A = arith.cmpi ne, %sign3A_24, %sign3A_31 : i32
      %rem3A = arith.remsi %scan3A_17, %jit3A : i32
      %ne3A_32 = arith.constant 0 : i32
      %ne3A_33 = arith.cmpi ne, %rem3A, %ne3A_32 : i32
      %and3A = arith.andi %ne3A, %ne3A_33 : i1
      %sub3A = arith.constant 1 : i32
      %sub3A_34 = arith.subi %div3A, %sub3A : i32
      %select_n3A = arith.select %and3A, %sub3A_34, %div3A : i32
      %jit3A_35 = arith.constant 5 : i32
      %eq3A = arith.constant 0 : i32
      %eq3A_36 = arith.cmpi eq, %jit3A_35, %eq3A : i32
      %jit3A_37 = arith.constant 1 : i32
      %select_n3A_38 = arith.select %eq3A_36, %jit3A_37, %jit3A_35 : i32
      %rem3A_39 = arith.remsi %scan3A_17, %select_n3A_38 : i32
      %ne3A_40 = arith.constant 0 : i32
      %ne3A_41 = arith.cmpi ne, %rem3A_39, %ne3A_40 : i32
      %lt3A = arith.constant 0 : i32
      %lt3A_42 = arith.cmpi slt, %rem3A_39, %lt3A : i32
      %lt3A_43 = arith.constant 0 : i32
      %lt3A_44 = arith.cmpi slt, %select_n3A_38, %lt3A_43 : i32
      %ne3A_45 = arith.xori %lt3A_42, %lt3A_44 : i1
      %and3A_46 = arith.andi %ne3A_45, %ne3A_41 : i1
      %add3A_47 = arith.addi %rem3A_39, %select_n3A_38 : i32
      %select_n3A_48 = arith.select %and3A_46, %add3A_47, %rem3A_39 : i32
      %mul3A_49 = arith.constant 16 : i32
      %mul3A_50 = arith.muli %select_n3A_48, %mul3A_49 : i32
      %get3A = arith.index_cast %select_n3A : i32 to index
      %get3A_51 = arith.index_cast %mul3A_50 : i32 to index
      %get3A_52 = tpu.vector_load %arg4[%get3A, %get3A_51] {strides = array<i32>} : memref<125x80xi32, #tpu.memory_space<vmem>>, vector<16xi32>,
      tpu.vector_store_idx %arg5[%get3A_52], %broadcast_in_dim3A_9 {add = true} : memref<10000xf32, #tpu.memory_space<vmem>>[vector<16xi32>], vector<16xf32>,
      %scan3A_53 = arith.constant 0 : i32
      scf.yield %scan3A_53 : i32
    }
    %scan3A_16 = arith.constant 625 : i32
    "tpu.region"() ({
      %run_scoped3A = tpu.sem_alloc : memref<!tpu.dma_semaphore, #tpu.memory_space<semaphore_mem>>
      %dma_start3A = arith.constant 0 : i32
      %dma_start3A_17 = tpu.memref_slice %arg3[%add3A, %dma_start3A] : memref<32x10000xf32, #tpu.memory_space<hbm>> -> memref<1x10000xf32, #tpu.memory_space<hbm>>
      %dma_start3A_18 = tpu.memref_squeeze %dma_start3A_17 : memref<1x10000xf32, #tpu.memory_space<hbm>> -> memref<10000xf32, #tpu.memory_space<hbm>>
      %dma_start3A_19 = arith.constant 0 : i32
      %dma_start3A_20 = tpu.memref_slice %arg3[%add3A, %dma_start3A_19] : memref<32x10000xf32, #tpu.memory_space<hbm>> -> memref<1x10000xf32, #tpu.memory_space<hbm>>
      %dma_start3A_21 = tpu.memref_squeeze %dma_start3A_20 : memref<1x10000xf32, #tpu.memory_space<hbm>> -> memref<10000xf32, #tpu.memory_space<hbm>>
      tpu.enqueue_dma source(%arg5 : memref<10000xf32, #tpu.memory_space<vmem>>) target(%dma_start3A_21 : memref<10000xf32, #tpu.memory_space<hbm>>) target_semaphore(%run_scoped3A : memref<!tpu.dma_semaphore, #tpu.memory_space<semaphore_mem>>)
      %dma_wait3A = arith.constant 0 : i32
      %dma_wait3A_22 = tpu.memref_slice %arg3[%add3A, %dma_wait3A] : memref<32x10000xf32, #tpu.memory_space<hbm>> -> memref<1x10000xf32, #tpu.memory_space<hbm>>
      %dma_wait3A_23 = tpu.memref_squeeze %dma_wait3A_22 : memref<1x10000xf32, #tpu.memory_space<hbm>> -> memref<10000xf32, #tpu.memory_space<hbm>>
      %dma_wait3A_24 = arith.constant 0 : i32
      %dma_wait3A_25 = tpu.memref_slice %arg3[%add3A, %dma_wait3A_24] : memref<32x10000xf32, #tpu.memory_space<hbm>> -> memref<1x10000xf32, #tpu.memory_space<hbm>>
      %dma_wait3A_26 = tpu.memref_squeeze %dma_wait3A_25 : memref<1x10000xf32, #tpu.memory_space<hbm>> -> memref<10000xf32, #tpu.memory_space<hbm>>
      tpu.wait_dma2 semaphore(%run_scoped3A : memref<!tpu.dma_semaphore, #tpu.memory_space<semaphore_mem>>) src(%arg5 : memref<10000xf32, #tpu.memory_space<vmem>>) dst(%dma_wait3A_26 : memref<10000xf32, #tpu.memory_space<hbm>>)
      tpu.yield
    }) : () -> ()
    return
  }
}

module attributes {stable_mosaic.version = 14 : i64} {
  func.func @_b1_body(%arg0: i32, %arg1: memref<2000x128xf32, #tpu.memory_space<vmem>>, %arg2: memref<128x128xf32, #tpu.memory_space<vmem>>, %arg3: memref<2000x32xf32, #tpu.memory_space<vmem>>, %arg4: memref<2x2000x64xf32, #tpu.memory_space<vmem>>, %arg5: memref<2000x1xf32, #tpu.memory_space<vmem>>) attributes {dimension_semantics = [#tpu.dimension_semantics<arbitrary>], iteration_bounds = array<i64: 5>, scalar_prefetch = 0 : i64, scratch_operands = 0 : i64, tpu.core_type = #tpu.core_type<tc>, window_params = [{transform_indices = @transform_0, window_bounds = array<i64: 2000, 128>}, {pipeline_mode = #tpu.pipeline_mode<synchronous>, transform_indices = @transform_1, window_bounds = array<i64: 128, 128>}, {transform_indices = @transform_2, window_bounds = array<i64: 2000, 32>}, {transform_indices = @transform_3, window_bounds = array<i64: 2, 2000, 64>}, {transform_indices = @transform_4, window_bounds = array<i64: 2000, 1>}]} {
    %get3A = arith.constant 0 : index
    %get3A_0 = arith.constant 0 : index
    %get3A_1 = vector.load %arg3[%get3A, %get3A_0] : memref<2000x32xf32, #tpu.memory_space<vmem>>, vector<2000x32xf32>
    %reduce_sum3A = arith.constant dense<0.000000e+00> : vector<2000xf32>
    %reduce_sum3A_2 = vector.multi_reduction <add>, %get3A_1, %reduce_sum3A [1] : vector<2000x32xf32> to vector<2000xf32>
    %broadcast_in_dim3A = vector.shape_cast %reduce_sum3A_2 : vector<2000xf32> to vector<2000x1xf32>
    %add3A = arith.constant 1.000000e+00 : f32
    %add3A_3 = vector.broadcast %add3A : f32 to vector<2000x1xf32>
    %add3A_4 = arith.addf %broadcast_in_dim3A, %add3A_3 : vector<2000x1xf32>
    %rsqrt3A = math.rsqrt %add3A_4 : vector<2000x1xf32>
    %get3A_5 = arith.constant 0 : index
    %get3A_6 = arith.constant 0 : index
    %get3A_7 = vector.load %arg1[%get3A_5, %get3A_6] : memref<2000x128xf32, #tpu.memory_space<vmem>>, vector<2000x128xf32>
    %get3A_8 = arith.constant 0 : index
    %get3A_9 = arith.constant 0 : index
    %get3A_10 = vector.load %arg2[%get3A_8, %get3A_9] : memref<128x128xf32, #tpu.memory_space<vmem>>, vector<128x128xf32>
    %dot_general3A = arith.constant dense<0.000000e+00> : vector<2000x128xf32>
    %dot_general3A_11 = tpu.matmul %get3A_7, %get3A_10, %dot_general3A {dimension_numbers = #tpu.dot_dimension_numbers<[1], [0], [0], [1], [0, 0, 1, 1], [], []>, transpose_lhs_hint = false} : vector<2000x128xf32>, vector<128x128xf32>, vector<2000x128xf32> -> vector<2000x128xf32>
    %mul3A = vector.broadcast %rsqrt3A : vector<2000x1xf32> to vector<2000x128xf32>
    %mul3A_12 = arith.mulf %dot_general3A_11, %mul3A : vector<2000x128xf32>
    %slice3A = vector.extract_strided_slice %mul3A_12 {offsets = [0, 0], sizes = [2000, 64], strides = [1, 1]} : vector<2000x128xf32> to vector<2000x64xf32>
    %swap3A = arith.constant 0 : index
    %swap3A_13 = arith.constant 0 : index
    %swap3A_14 = arith.constant 0 : index
    %swap3A_15 = vector.load %arg4[%swap3A, %swap3A_13, %swap3A_14] : memref<2x2000x64xf32, #tpu.memory_space<vmem>>, vector<1x2000x64xf32>
    %swap3A_16 = vector.shape_cast %swap3A_15 : vector<1x2000x64xf32> to vector<2000x64xf32>
    %swap3A_17 = vector.shape_cast %slice3A : vector<2000x64xf32> to vector<1x2000x64xf32>
    tpu.vector_store %arg4[%swap3A, %swap3A_13, %swap3A_14], %swap3A_17 {strides = array<i32>} : memref<2x2000x64xf32, #tpu.memory_space<vmem>>, vector<1x2000x64xf32>,
    %slice3A_18 = vector.extract_strided_slice %mul3A_12 {offsets = [0, 64], sizes = [2000, 64], strides = [1, 1]} : vector<2000x128xf32> to vector<2000x64xf32>
    %swap3A_19 = arith.constant 1 : index
    %swap3A_20 = arith.constant 0 : index
    %swap3A_21 = arith.constant 0 : index
    %swap3A_22 = vector.load %arg4[%swap3A_19, %swap3A_20, %swap3A_21] : memref<2x2000x64xf32, #tpu.memory_space<vmem>>, vector<1x2000x64xf32>
    %swap3A_23 = vector.shape_cast %swap3A_22 : vector<1x2000x64xf32> to vector<2000x64xf32>
    %swap3A_24 = vector.shape_cast %slice3A_18 : vector<2000x64xf32> to vector<1x2000x64xf32>
    tpu.vector_store %arg4[%swap3A_19, %swap3A_20, %swap3A_21], %swap3A_24 {strides = array<i32>} : memref<2x2000x64xf32, #tpu.memory_space<vmem>>, vector<1x2000x64xf32>,
    %swap3A_25 = arith.constant 0 : index
    %swap3A_26 = arith.constant 0 : index
    %swap3A_27 = vector.load %arg5[%swap3A_25, %swap3A_26] : memref<2000x1xf32, #tpu.memory_space<vmem>>, vector<2000x1xf32>
    tpu.vector_store %arg5[%swap3A_25, %swap3A_26], %rsqrt3A {strides = array<i32>} : memref<2000x1xf32, #tpu.memory_space<vmem>>, vector<2000x1xf32>,
    return
  }
  func.func @transform_0(%arg0: i32) -> (i32, i32) {
    %c0_i32 = arith.constant 0 : i32
    %c0_i32_0 = arith.constant 0 : i32
    return %arg0, %c0_i32 : i32, i32
  }
  func.func @transform_1(%arg0: i32) -> (i32, i32) {
    %c0_i32 = arith.constant 0 : i32
    %c0_i32_0 = arith.constant 0 : i32
    %c0_i32_1 = arith.constant 0 : i32
    return %c0_i32, %c0_i32_0 : i32, i32
  }
  func.func @transform_2(%arg0: i32) -> (i32, i32) {
    %c0_i32 = arith.constant 0 : i32
    %c0_i32_0 = arith.constant 0 : i32
    return %arg0, %c0_i32 : i32, i32
  }
  func.func @transform_3(%arg0: i32) -> (i32, i32, i32) {
    %c0_i32 = arith.constant 0 : i32
    %c0_i32_0 = arith.constant 0 : i32
    %c0_i32_1 = arith.constant 0 : i32
    return %c0_i32, %arg0, %c0_i32_0 : i32, i32, i32
  }
  func.func @transform_4(%arg0: i32) -> (i32, i32) {
    %c0_i32 = arith.constant 0 : i32
    %c0_i32_0 = arith.constant 0 : i32
    return %arg0, %c0_i32 : i32, i32
  }
}

module attributes {stable_mosaic.version = 14 : i64} {
  func.func @_b2_body(%arg0: i32, %arg1: memref<2x2000x64xf32, #tpu.memory_space<vmem>>, %arg2: memref<2x2000x64xf32, #tpu.memory_space<vmem>>, %arg3: memref<2000x1xf32, #tpu.memory_space<vmem>>, %arg4: memref<2x1x64xf32, #tpu.memory_space<vmem>>, %arg5: memref<2x2000x64xf32, #tpu.memory_space<vmem>>) attributes {dimension_semantics = [#tpu.dimension_semantics<arbitrary>], iteration_bounds = array<i64: 5>, scalar_prefetch = 0 : i64, scratch_operands = 0 : i64, tpu.core_type = #tpu.core_type<tc>, window_params = [{transform_indices = @transform_0, window_bounds = array<i64: 2, 2000, 64>}, {transform_indices = @transform_1, window_bounds = array<i64: 2, 2000, 64>}, {transform_indices = @transform_2, window_bounds = array<i64: 2000, 1>}, {pipeline_mode = #tpu.pipeline_mode<synchronous>, transform_indices = @transform_3, window_bounds = array<i64: 2, 1, 64>}, {transform_indices = @transform_4, window_bounds = array<i64: 2, 2000, 64>}]} {
    %get3A = arith.constant 0 : index
    %get3A_0 = arith.constant 0 : index
    %get3A_1 = vector.load %arg3[%get3A, %get3A_0] : memref<2000x1xf32, #tpu.memory_space<vmem>>, vector<2000x1xf32>
    %get3A_2 = arith.constant 0 : index
    %get3A_3 = arith.constant 0 : index
    %get3A_4 = arith.constant 0 : index
    %get3A_5 = vector.load %arg1[%get3A_2, %get3A_3, %get3A_4] : memref<2x2000x64xf32, #tpu.memory_space<vmem>>, vector<2x2000x64xf32>
    %get3A_6 = arith.constant 0 : index
    %get3A_7 = arith.constant 0 : index
    %get3A_8 = arith.constant 0 : index
    %get3A_9 = vector.load %arg2[%get3A_6, %get3A_7, %get3A_8] : memref<2x2000x64xf32, #tpu.memory_space<vmem>>, vector<2x2000x64xf32>
    %add3A = arith.addf %get3A_5, %get3A_9 : vector<2x2000x64xf32>
    %broadcast_in_dim3A = vector.shape_cast %get3A_1 : vector<2000x1xf32> to vector<1x2000x1xf32>
    %mul3A = vector.broadcast %broadcast_in_dim3A : vector<1x2000x1xf32> to vector<2x2000x64xf32>
    %mul3A_10 = arith.mulf %mul3A, %add3A : vector<2x2000x64xf32>
    %get3A_11 = arith.constant 0 : index
    %get3A_12 = arith.constant 0 : index
    %get3A_13 = arith.constant 0 : index
    %get3A_14 = vector.load %arg4[%get3A_11, %get3A_12, %get3A_13] : memref<2x1x64xf32, #tpu.memory_space<vmem>>, vector<2x1x64xf32>
    %add3A_15 = vector.broadcast %get3A_14 : vector<2x1x64xf32> to vector<2x2000x64xf32>
    %add3A_16 = arith.addf %mul3A_10, %add3A_15 : vector<2x2000x64xf32>
    %get3A_17 = arith.constant 0 : index
    %get3A_18 = arith.constant 0 : index
    %get3A_19 = vector.load %arg3[%get3A_17, %get3A_18] : memref<2000x1xf32, #tpu.memory_space<vmem>>, vector<2000x1xf32>
    %max3A = arith.constant 0.000000e+00 : f32
    %max3A_20 = vector.broadcast %max3A : f32 to vector<2x2000x64xf32>
    %max3A_21 = arith.maximumf %add3A_16, %max3A_20 : vector<2x2000x64xf32>
    %broadcast_in_dim3A_22 = vector.shape_cast %get3A_19 : vector<2000x1xf32> to vector<1x2000x1xf32>
    %mul3A_23 = vector.broadcast %broadcast_in_dim3A_22 : vector<1x2000x1xf32> to vector<2x2000x64xf32>
    %mul3A_24 = arith.mulf %mul3A_23, %max3A_21 : vector<2x2000x64xf32>
    %swap3A = arith.constant 0 : index
    %swap3A_25 = arith.constant 0 : index
    %swap3A_26 = arith.constant 0 : index
    %swap3A_27 = vector.load %arg5[%swap3A, %swap3A_25, %swap3A_26] : memref<2x2000x64xf32, #tpu.memory_space<vmem>>, vector<2x2000x64xf32>
    tpu.vector_store %arg5[%swap3A, %swap3A_25, %swap3A_26], %mul3A_24 {strides = array<i32>} : memref<2x2000x64xf32, #tpu.memory_space<vmem>>, vector<2x2000x64xf32>,
    return
  }
  func.func @transform_0(%arg0: i32) -> (i32, i32, i32) {
    %c0_i32 = arith.constant 0 : i32
    %c0_i32_0 = arith.constant 0 : i32
    %c0_i32_1 = arith.constant 0 : i32
    return %c0_i32, %arg0, %c0_i32_0 : i32, i32, i32
  }
  func.func @transform_1(%arg0: i32) -> (i32, i32, i32) {
    %c0_i32 = arith.constant 0 : i32
    %c0_i32_0 = arith.constant 0 : i32
    %c0_i32_1 = arith.constant 0 : i32
    return %c0_i32, %arg0, %c0_i32_0 : i32, i32, i32
  }
  func.func @transform_2(%arg0: i32) -> (i32, i32) {
    %c0_i32 = arith.constant 0 : i32
    %c0_i32_0 = arith.constant 0 : i32
    return %arg0, %c0_i32 : i32, i32
  }
  func.func @transform_3(%arg0: i32) -> (i32, i32, i32) {
    %c0_i32 = arith.constant 0 : i32
    %c0_i32_0 = arith.constant 0 : i32
    %c0_i32_1 = arith.constant 0 : i32
    %c0_i32_2 = arith.constant 0 : i32
    return %c0_i32, %c0_i32_0, %c0_i32_1 : i32, i32, i32
  }
  func.func @transform_4(%arg0: i32) -> (i32, i32, i32) {
    %c0_i32 = arith.constant 0 : i32
    %c0_i32_0 = arith.constant 0 : i32
    %c0_i32_1 = arith.constant 0 : i32
    return %c0_i32, %arg0, %c0_i32_0 : i32, i32, i32
  }
}

module attributes {stable_mosaic.version = 14 : i64} {
  func.func @_b3_body(%arg0: i32, %arg1: memref<2x2000x64xf32, #tpu.memory_space<vmem>>, %arg2: memref<2x2000x64xf32, #tpu.memory_space<vmem>>, %arg3: memref<2000x1xf32, #tpu.memory_space<vmem>>, %arg4: memref<128x128xf32, #tpu.memory_space<vmem>>, %arg5: memref<1x128xf32, #tpu.memory_space<vmem>>, %arg6: memref<128x128xf32, #tpu.memory_space<vmem>>, %arg7: memref<1x128xf32, #tpu.memory_space<vmem>>, %arg8: memref<2000x128xf32, #tpu.memory_space<vmem>>, %arg9: memref<2000x128xf32, #tpu.memory_space<vmem>>) attributes {dimension_semantics = [#tpu.dimension_semantics<arbitrary>], iteration_bounds = array<i64: 5>, scalar_prefetch = 0 : i64, scratch_operands = 0 : i64, tpu.core_type = #tpu.core_type<tc>, window_params = [{transform_indices = @transform_0, window_bounds = array<i64: 2, 2000, 64>}, {transform_indices = @transform_1, window_bounds = array<i64: 2, 2000, 64>}, {transform_indices = @transform_2, window_bounds = array<i64: 2000, 1>}, {pipeline_mode = #tpu.pipeline_mode<synchronous>, transform_indices = @transform_3, window_bounds = array<i64: 128, 128>}, {pipeline_mode = #tpu.pipeline_mode<synchronous>, transform_indices = @transform_4, window_bounds = array<i64: 1, 128>}, {pipeline_mode = #tpu.pipeline_mode<synchronous>, transform_indices = @transform_5, window_bounds = array<i64: 128, 128>}, {pipeline_mode = #tpu.pipeline_mode<synchronous>, transform_indices = @transform_6, window_bounds = array<i64: 1, 128>}, {transform_indices = @transform_7, window_bounds = array<i64: 2000, 128>}, {transform_indices = @transform_8, window_bounds = array<i64: 2000, 128>}]} {
    %get3A = arith.constant 0 : index
    %get3A_0 = arith.constant 0 : index
    %get3A_1 = vector.load %arg3[%get3A, %get3A_0] : memref<2000x1xf32, #tpu.memory_space<vmem>>, vector<2000x1xf32>
    %get3A_2 = arith.constant 0 : index
    %get3A_3 = arith.constant 0 : index
    %get3A_4 = arith.constant 0 : index
    %get3A_5 = vector.load %arg1[%get3A_2, %get3A_3, %get3A_4] : memref<2x2000x64xf32, #tpu.memory_space<vmem>>, vector<2x2000x64xf32>
    %get3A_6 = arith.constant 0 : index
    %get3A_7 = arith.constant 0 : index
    %get3A_8 = arith.constant 0 : index
    %get3A_9 = vector.load %arg2[%get3A_6, %get3A_7, %get3A_8] : memref<2x2000x64xf32, #tpu.memory_space<vmem>>, vector<2x2000x64xf32>
    %add3A = arith.addf %get3A_5, %get3A_9 : vector<2x2000x64xf32>
    %broadcast_in_dim3A = vector.shape_cast %get3A_1 : vector<2000x1xf32> to vector<1x2000x1xf32>
    %mul3A = vector.broadcast %broadcast_in_dim3A : vector<1x2000x1xf32> to vector<2x2000x64xf32>
    %mul3A_10 = arith.mulf %mul3A, %add3A : vector<2x2000x64xf32>
    %slice3A = vector.extract_strided_slice %mul3A_10 {offsets = [0, 0, 0], sizes = [1, 2000, 64], strides = [1, 1, 1]} : vector<2x2000x64xf32> to vector<1x2000x64xf32>
    %squeeze3A = vector.shape_cast %slice3A : vector<1x2000x64xf32> to vector<2000x64xf32>
    %slice3A_11 = vector.extract_strided_slice %mul3A_10 {offsets = [1, 0, 0], sizes = [1, 2000, 64], strides = [1, 1, 1]} : vector<2x2000x64xf32> to vector<1x2000x64xf32>
    %squeeze3A_12 = vector.shape_cast %slice3A_11 : vector<1x2000x64xf32> to vector<2000x64xf32>
    %concatenate3A = tpu.concatenate %squeeze3A, %squeeze3A_12 in 1 : vector<2000x64xf32>, vector<2000x64xf32> -> vector<2000x128xf32>
    %get3A_13 = arith.constant 0 : index
    %get3A_14 = arith.constant 0 : index
    %get3A_15 = vector.load %arg4[%get3A_13, %get3A_14] : memref<128x128xf32, #tpu.memory_space<vmem>>, vector<128x128xf32>
    %dot_general3A = arith.constant dense<0.000000e+00> : vector<2000x128xf32>
    %dot_general3A_16 = tpu.matmul %concatenate3A, %get3A_15, %dot_general3A {dimension_numbers = #tpu.dot_dimension_numbers<[1], [0], [0], [1], [0, 0, 1, 1], [], []>, transpose_lhs_hint = false} : vector<2000x128xf32>, vector<128x128xf32>, vector<2000x128xf32> -> vector<2000x128xf32>
    %get3A_17 = arith.constant 0 : index
    %get3A_18 = arith.constant 0 : index
    %get3A_19 = vector.load %arg5[%get3A_17, %get3A_18] : memref<1x128xf32, #tpu.memory_space<vmem>>, vector<1x128xf32>
    %add3A_20 = vector.broadcast %get3A_19 : vector<1x128xf32> to vector<2000x128xf32>
    %add3A_21 = arith.addf %dot_general3A_16, %add3A_20 : vector<2000x128xf32>
    %swap3A = arith.constant 0 : index
    %swap3A_22 = arith.constant 0 : index
    %swap3A_23 = vector.load %arg8[%swap3A, %swap3A_22] : memref<2000x128xf32, #tpu.memory_space<vmem>>, vector<2000x128xf32>
    tpu.vector_store %arg8[%swap3A, %swap3A_22], %add3A_21 {strides = array<i32>} : memref<2000x128xf32, #tpu.memory_space<vmem>>, vector<2000x128xf32>,
    %get3A_24 = arith.constant 0 : index
    %get3A_25 = arith.constant 0 : index
    %get3A_26 = vector.load %arg6[%get3A_24, %get3A_25] : memref<128x128xf32, #tpu.memory_space<vmem>>, vector<128x128xf32>
    %dot_general3A_27 = arith.constant dense<0.000000e+00> : vector<2000x128xf32>
    %dot_general3A_28 = tpu.matmul %concatenate3A, %get3A_26, %dot_general3A_27 {dimension_numbers = #tpu.dot_dimension_numbers<[1], [0], [0], [1], [0, 0, 1, 1], [], []>, transpose_lhs_hint = false} : vector<2000x128xf32>, vector<128x128xf32>, vector<2000x128xf32> -> vector<2000x128xf32>
    %get3A_29 = arith.constant 0 : index
    %get3A_30 = arith.constant 0 : index
    %get3A_31 = vector.load %arg7[%get3A_29, %get3A_30] : memref<1x128xf32, #tpu.memory_space<vmem>>, vector<1x128xf32>
    %add3A_32 = vector.broadcast %get3A_31 : vector<1x128xf32> to vector<2000x128xf32>
    %add3A_33 = arith.addf %dot_general3A_28, %add3A_32 : vector<2000x128xf32>
    %swap3A_34 = arith.constant 0 : index
    %swap3A_35 = arith.constant 0 : index
    %swap3A_36 = vector.load %arg9[%swap3A_34, %swap3A_35] : memref<2000x128xf32, #tpu.memory_space<vmem>>, vector<2000x128xf32>
    tpu.vector_store %arg9[%swap3A_34, %swap3A_35], %add3A_33 {strides = array<i32>} : memref<2000x128xf32, #tpu.memory_space<vmem>>, vector<2000x128xf32>,
    return
  }
  func.func @transform_0(%arg0: i32) -> (i32, i32, i32) {
    %c0_i32 = arith.constant 0 : i32
    %c0_i32_0 = arith.constant 0 : i32
    %c0_i32_1 = arith.constant 0 : i32
    return %c0_i32, %arg0, %c0_i32_0 : i32, i32, i32
  }
  func.func @transform_1(%arg0: i32) -> (i32, i32, i32) {
    %c0_i32 = arith.constant 0 : i32
    %c0_i32_0 = arith.constant 0 : i32
    %c0_i32_1 = arith.constant 0 : i32
    return %c0_i32, %arg0, %c0_i32_0 : i32, i32, i32
  }
  func.func @transform_2(%arg0: i32) -> (i32, i32) {
    %c0_i32 = arith.constant 0 : i32
    %c0_i32_0 = arith.constant 0 : i32
    return %arg0, %c0_i32 : i32, i32
  }
  func.func @transform_3(%arg0: i32) -> (i32, i32) {
    %c0_i32 = arith.constant 0 : i32
    %c0_i32_0 = arith.constant 0 : i32
    %c0_i32_1 = arith.constant 0 : i32
    return %c0_i32, %c0_i32_0 : i32, i32
  }
  func.func @transform_4(%arg0: i32) -> (i32, i32) {
    %c0_i32 = arith.constant 0 : i32
    %c0_i32_0 = arith.constant 0 : i32
    %c0_i32_1 = arith.constant 0 : i32
    return %c0_i32, %c0_i32_0 : i32, i32
  }
  func.func @transform_5(%arg0: i32) -> (i32, i32) {
    %c0_i32 = arith.constant 0 : i32
    %c0_i32_0 = arith.constant 0 : i32
    %c0_i32_1 = arith.constant 0 : i32
    return %c0_i32, %c0_i32_0 : i32, i32
  }
  func.func @transform_6(%arg0: i32) -> (i32, i32) {
    %c0_i32 = arith.constant 0 : i32
    %c0_i32_0 = arith.constant 0 : i32
    %c0_i32_1 = arith.constant 0 : i32
    return %c0_i32, %c0_i32_0 : i32, i32
  }
  func.func @transform_7(%arg0: i32) -> (i32, i32) {
    %c0_i32 = arith.constant 0 : i32
    %c0_i32_0 = arith.constant 0 : i32
    return %arg0, %c0_i32 : i32, i32
  }
  func.func @transform_8(%arg0: i32) -> (i32, i32) {
    %c0_i32 = arith.constant 0 : i32
    %c0_i32_0 = arith.constant 0 : i32
    return %arg0, %c0_i32 : i32, i32
  }
}

</mosaic_0001>

<sc_bundles>
// kernel: kernel.11.cloned.1.call-start
scs
__scs_entry_jumppad:
0x0: {  	(pc) =	sbr.rel $0x88, $3  }
0x1: {  	(tag) =	ssettag $0x0;
	lr =	simm.s32 $0x1  }
0x2: {  	[smem:$0x3F99] =	sst lr;
	_ =	strace $0xD0000000  }
0x3: {  	_ = 	snop  }
0x4: {  	_ = 	snop  }
0x5: {  	_ = 	snop  }
0x6: {  	_ = 	snop  }
0x7: {  	_ = 	snop  }
__scs_overlays_trampoline_lowered:
0x8: {  	[smem:$0x3FA8] =	sst s0  }
0x9: {  	[smem:$0x3FA9] =	sst s1  }
0xa: {  	[smem:$0x3FAA] =	sst s2  }
0xb: {  	[smem:$0x3FAB] =	sst s3  }
0xc: {  	[smem:$0x3FAC] =	sst s4  }
0xd: {  	[smem:$0x3FAD] =	sst s5  }
0xe: {  	[smem:$0x3FAE] =	sst s6  }
0xf: {  	[smem:$0x3FAF] =	sst s7  }
0x10: {  	[smem:$0x3FB0] =	sst s8  }
0x11: {  	[smem:$0x3FB1] =	sst s9;
	s0 =	simm.s32 @!p0 $0x0  }
0x12: {  	s1 =	sld [smem:$0x3F97];
	s0 =	simm.s32 @p0 $0x1  }
0x13: {  	[smem:$0x3FB2] =	sst s0;
	s0 =	simm.s32 @!p1 $0x0  }
0x14: {  	s2 =	sld [smem:$0x3F96];
	s0 =	simm.s32 @p1 $0x1  }
0x15: {  	[smem:$0x3FB3] =	sst s0;
	s0 =	simm.s32 @!p2 $0x0  }
0x16: {  	s3 =	sld [smem:$0x3FDB];
	s0 =	simm.s32 @p2 $0x1  }
0x17: {  	s4 =	simm.s32 $0x1BF5;
	[smem:$0x3FB5] =	sst s0  }
0x18: {  	s0 =	sld [smem:$0x3F98];
	_ =	swait.ge [sflag:s4], $0x0  }
0x19: {  	s7 =	sld [smem:$0x3F99]  }
0x1a: {  	s8 =	sadd.s32 $0xFFFFE003, lr  }
0x1b: {  	s9 =	sadd.s32 $0xFFFFFEF7, lr;
	s5 =	simm.s32 $0xFFFFFFFF;
	p2 =	slt.u32 s8, $0xFFFFF086  }
0x1c: {  	p1 =	slt.u32 s9, $0xF7A;
	s5 =	simm.s32 @!p2 $0x0  }
0x1d: {  	s5 =	simm.s32 @p1 $0x1;
	p0 =	seq.s32 s7, s2  }
0x1e: {  	s7 =	smul.u32 @!p0 $0xF7A, s2;
	p2 =	seq.s32 @!p0 s5, $0x0  }
0x1f: {  	s9 =	smul.u32 $0xF7A, s1;
	s8 =	simm.s32 @!p0 $0x1BF5;
	p2 =	por !p2, p0  }
0x20: {  	[sflag:s8] =	ssyncset.s32 @!p0 $0xFFFFF086;
	s6 =	sadd.s32 @!p0 s3, s7;
	s7 =	simm.s32 @!p0 $0x108  }
0x21: {  	s3 =	sadd.s32 s3, s9;
	s6 =	sadd.s32 @!p0 $0x88, s6;
	s7 =	simm.s32 @p2 $0x1082  }
0x22: {  	[simem:s7], [sflag:s8] =	dma.local @!p0 [hbm:s6], $0xF7A  }
0x23: {  	s9 =	sor.u32 $0xD0000000, s2;
	s6 =	simm.s32 $0x108;
	_ =	swait.ge @!p0 [sflag:s8], $0x0  }
0x24: {  	s3 =	sadd.s32 $0x88, s3;
	s6 =	simm.s32 @!p1 $0x1082;
	[sflag:s4] =	ssyncset.s32 $0xFFFFF086  }
0x25: {  	[simem:s6], [sflag:s4] =	dma.local [hbm:s3], $0xF7A  }
0x26: {  	[smem:$0x3F99] =	sst s1;
	(tag) =	ssettag s2;
	_ =	strace s9  }
0x27: {  	s1 =	sld [smem:$0x3FA9]  }
0x28: {  	s2 =	sld [smem:$0x3FAA]  }
0x29: {  	s4 =	sld [smem:$0x3FAC]  }
0x2a: {  	p0 =	seq.s32 s5, $0x0;
	s5 =	sld [smem:$0x3FAD]  }
0x2b: {  	s6 =	sld [smem:$0x3FAE]  }
0x2c: {  	s7 =	sld [smem:$0x3FAF]  }
0x2d: {  	s3 =	simm.s32 $0x108;
	s8 =	sld [smem:$0x3FB0]  }
0x2e: {  	s3 =	simm.s32 @!p0 $0x1082;
	s9 =	sld [smem:$0x3FB1]  }
0x2f: {  	lr =	sadd.s32 s0, s3;
	s0 =	sld [smem:$0x3FA8]  }
0x30: {  	s3 =	sld [smem:$0x3FAB]  }
0x31: {  	[smem:$0x3FB4] =	sst s10  }
0x32: {  	s10 =	sld [smem:$0x3FB2];
	_ =	sdelay $0x3  }
0x33: {  	p0 =	seq.s32 s10, $0x1;
	s10 =	sld [smem:$0x3FB4];
	_ =	sdelay $0x3  }
0x34: {  	[smem:$0x3FB4] =	sst s10  }
0x35: {  	s10 =	sld [smem:$0x3FB3];
	_ =	sdelay $0x3  }
0x36: {  	p1 =	seq.s32 s10, $0x1;
	s10 =	sld [smem:$0x3FB4];
	_ =	sdelay $0x3  }
0x37: {  	[smem:$0x3FB4] =	sst s10  }
0x38: {  	s10 =	sld [smem:$0x3FB5]  }
0x39: {  	_ = 	snop;
	(pc) =	sbr.ind lr, $3  }
0x3a: {  	_ = 	snop  }
0x3b: {  	_ = 	snop  }
0x3c: {  	p2 =	seq.s32 s10, $0x1;
	s10 =	sld [smem:$0x3FB4]  }
0x3d: {  	_ =	shalt  }
0x3e: {  	_ =	shalt  }
0x3f: {  	_ =	shalt  }
0x40: {  	_ =	shalt  }
0x41: {  	_ =	shalt  }
0x42: {  	_ =	shalt  }
0x43: {  	_ =	shalt  }
0x44: {  	_ =	shalt  }
0x45: {  	_ =	shalt  }
0x46: {  	_ =	shalt  }
0x47: {  	_ =	shalt  }
0x48: {  	_ =	shalt  }
0x49: {  	_ =	shalt  }
0x4a: {  	_ =	shalt  }
0x4b: {  	_ =	shalt  }
0x4c: {  	_ =	shalt  }
0x4d: {  	_ =	shalt  }
0x4e: {  	_ =	shalt  }
0x4f: {  	_ =	shalt  }
0x50: {  	_ =	shalt  }
0x51: {  	_ =	shalt  }
0x52: {  	_ =	shalt  }
0x53: {  	_ =	shalt  }
0x54: {  	_ =	shalt  }
0x55: {  	_ =	shalt  }
0x56: {  	_ =	shalt  }
0x57: {  	_ =	shalt  }
0x58: {  	_ =	shalt  }
0x59: {  	_ =	shalt  }
0x5a: {  	_ =	shalt  }
0x5b: {  	_ =	shalt  }
0x5c: {  	_ =	shalt  }
0x5d: {  	_ =	shalt  }
0x5e: {  	_ =	shalt  }
0x5f: {  	_ =	shalt  }
0x60: {  	_ =	shalt  }
0x61: {  	_ =	shalt  }
0x62: {  	_ =	shalt  }
0x63: {  	_ =	shalt  }
0x64: {  	_ =	shalt  }
0x65: {  	_ =	shalt  }
0x66: {  	_ =	shalt  }
0x67: {  	_ =	shalt  }
0x68: {  	_ =	shalt  }
0x69: {  	_ =	shalt  }
0x6a: {  	_ =	shalt  }
0x6b: {  	_ =	shalt  }
0x6c: {  	_ =	shalt  }
0x6d: {  	_ =	shalt  }
0x6e: {  	_ =	shalt  }
0x6f: {  	_ =	shalt  }
0x70: {  	_ =	shalt  }
0x71: {  	_ =	shalt  }
0x72: {  	_ =	shalt  }
0x73: {  	_ =	shalt  }
0x74: {  	_ =	shalt  }
0x75: {  	_ =	shalt  }
0x76: {  	_ =	shalt  }
0x77: {  	_ =	shalt  }
0x78: {  	_ =	shalt  }
0x79: {  	_ =	shalt  }
0x7a: {  	_ =	shalt  }
0x7b: {  	_ =	shalt  }
0x7c: {  	_ =	shalt  }
0x7d: {  	_ =	shalt  }
0x7e: {  	_ =	shalt  }
0x7f: {  	_ =	shalt  }
0x80: {  	_ =	shalt  }
0x81: {  	_ =	shalt  }
0x82: {  	_ =	shalt  }
0x83: {  	_ =	shalt  }
0x84: {  	_ =	shalt  }
0x85: {  	_ =	shalt  }
0x86: {  	_ =	shalt  }
0x87: {  	_ =	shalt  }
.Lfunc_end0:
.L_simem_size_0:
called_computation.1_lowered:
.L_overlay_start_0:
0x88: {  	s2 =	sld [smem:$0x3FD9]  }
0x89: {  	s3 =	sld [smem:$0x3FFE];
	_ =	sdelay $0x1  }
0x8a: {  	s1 =	srdreg.scid  }
0x8b: {  	s0 =	sand.u32 $0x1, s1  }
0x8c: {  	s14 =	sshll.u32 s0, $0xA;
	s2 =	sadd.s32 s3, s2  }
0x8d: {  	s2 =	sadd.s32 s2, s14  }
0x8e: {  	[smem:$0x3FC0] =	sst s2  }
0x8f: {  	_ = 	snop  }
0x90: {  	s2 =	sld [smem:$0x3FD0];
	_ =	sdelay $0x2  }
0x91: {  	s15 =	simm.s32 $0xA;
	s4 =	simm.s32 $0x10  }
0x92: {  	[smem:s4], [sflag:s15] =	dma.local [hbm:s2], $0x1  }
0x93: {  	_ =	swait.eq [sflag:s15], $0x1  }
0x94: {  	[sflag:s15] =	ssyncset.done $0x0  }
0x95: {  	s16 =	sld [smem:$0x10];
	[sflag:s15] =	ssyncadd.s32 $0xFFFFFFFF  }
0x96: {  	s17 =	sld [smem:$0x11];
	(tm) =	ssettm $0x1  }
0x97: {  	s18 =	sld [smem:$0x3FFB];
	_ =	sdelay $0x3  }
0x98: {  	_ =	strace s18  }
0x99: {  	s4 =	sld [smem:$0x3FFC];
	_ =	sdelay $0x3  }
0x9a: {  	_ =	strace s4  }
0x9b: {  	s4 =	sld [smem:$0x3FFD];
	_ =	sdelay $0x3  }
0x9c: {  	_ =	strace s4  }
0x9d: {  	_ =	strace $0x8FFFFFFF  }
0x9e: {  	s19 =	sld [smem:$0x3FDB];
	_ =	sdelay $0x1  }
0x9f: {  	s5 =	simm.s32 $_scs_section_size  }
0xa0: {  	s6 =	simm.s32 $_size__tile_overlayer_lowered;
	s7 =	simm.s32 $_tile_overlayer_lowered  }
0xa1: {  	s22 =	simm.s32 $0x1BFF;
	s21 =	sshll.u32 s7, $0x1;
	s4 =	sadd.s32 s5, s19  }
0xa2: {  	s8 =	simm.s32 $0x0;
	s20 =	sshll.u32 s6, $0x1;
	s6 =	sadd.s32 s21, s4  }
0xa3: {  	[timem:s8], [sflag:s22] =	dma.local [hbm:s6], s20  }
0xa4: {  	_ =	swait.ge [sflag:s22], s20  }
0xa5: {  	s5 =	ssub.s32 $0x0, s20;
	[sflag:s22] =	ssyncset.done $0x0  }
0xa6: {  	[sflag:s22] =	ssyncadd.s32 s5;
	_ =	sdelay $0x1  }
0xa7: {  	s23 =	simm.s32 $0x1B8B  }
0xa8: {  	_ =	swait.ge [sflag:s23], $0x1  }
0xa9: {  	[sflag:s23] =	ssyncset.done $0x0  }
0xaa: {  	s25 =	simm.s32 $0x1B8E;
	s24 =	sld [smem:$0x3FFE];
	[sflag:s23] =	ssyncadd.s32 $0xFFFFFFFF  }
0xab: {  	s26 =	simm.s32 $execute0_lowered;
	[smem:$0x3FD2] =	sst s25  }
0xac: {  	s6 =	sshll.u32 s26, $0x1;
	_ =	strace $0x80000049;
	[dreg:$0x1] =	wrdreg $0xFFFFFFFF  }
0xad: {  	s28 =	simm.s32 $_size_execute0_lowered;
	s4 =	sadd.s32 s4, s6;
	[dreg:$0x0] =	wrdreg $0x0  }
0xae: {  	s6 =	sshll.u32 s28, $0x1;
	[dreg:$0x2] =	wrdreg s4  }
0xaf: {  	[dreg:$0x3] =	wrdreg s6  }
0xb0: {  	[dreg:$0x4] =	wrdreg $0xC0  }
0xb1: {  	_ =	task [dreg:s8], $0x5FFFF  }
0xb2: {  	[dreg:$0x1] =	wrdreg $0xFFFFFFFF  }
0xb3: {  	[dreg:$0x0] =	wrdreg $0x60  }
0xb4: {  	[dreg:$0x2] =	wrdreg s17  }
0xb5: {  	[dreg:$0x3] =	wrdreg s24  }
0xb6: {  	[dreg:$0x4] =	wrdreg s16  }
0xb7: {  	[dreg:$0x5] =	wrdreg $0x13C400  }
0xb8: {  	[dreg:$0x6] =	wrdreg $0x9  }
0xb9: {  	_ =	task.clear_ibuf [dreg:s8], $0x7FFFF;
	_ =	strace $0x90000049  }
0xba: {  	s29 =	simm.s32 $0x9;
	_ =	strace $0x8000004B  }
0xbb: {  	_ =	swait.ge [sflag:s29], $0x1  }
0xbc: {  	[sflag:s29] =	ssyncadd.s32 $0xFFFFFFFF  }
0xbd: {  	_ =	strace $0x9000004B  }
0xbe: {  	_ =	sfence  }
0xbf: {  	s30 =	sld [smem:$0x0];
	_ =	sdelay $0x2  }
0xc0: {  	s31 =	sshll.u32 s1, $0xD;
	s1 =	sshrl.u32 s1, $0x2  }
0xc1: {  	s3 =	sand.u32 $0x4000, s31;
	s1 =	sadd.s32 s1, s30  }
0xc2: {  	s0 =	sor.u32 s3, s0;
	s1 =	sshll.u32 s1, $0x11  }
0xc3: {  	s0 =	sor.u32 s1, s0  }
0xc4: {  	s0 =	sadd.s32 $0x8F2B, s0  }
0xc5: {  	[sflag:s0] =	ssyncadd.remote.s32 $0x1  }
0xc6: {  	_ =	sfence.sel $0xFFFF  }
0xc7: {  	[dreg:$0x0] =	wrdreg $0xFFFFFFFF;
	(pc) =	sbr.abs _section_cstart, $3  }
0xc8: {  	[dreg:$0x1] =	wrdreg $0xFFFFFFFF  }
0xc9: {  	_ =	task.clear_ibuf [dreg:s8], $0x2FFFF;
	_ =	strace $0x9FFFFFFF  }
0xca: {  	(tm) =	ssettm $0x7FFFFFFF  }
0xcb: {  	_ =	shalt  }
tec
execute0_lowered:
.L_overlay_start_1:
0x0: {  	(tag) =	ssettag $0x1  }
0x1: {  	s1 =	rddreg [dreg:$0x0]  }
0x2: {  	s0 =	rddreg [dreg:$0x1]  }
0x3: {  	s2 =	srdreg.scid;
	s4 =	rddreg [dreg:$0x2]  }
0x4: {  	s9 =	stileid.u32;
	s3 =	rddreg [dreg:$0x3]  }
0x5: {  	s7 =	simm.s32 $0x0;
	s13 =	simm.s32 $0xB;
	s14 =	simm.s32 $0x5000  }
0x6: {  	s15 =	simm.s32 $0xA000;
	s16 =	simm.s32 $0x7D;
	s18 =	simm.s32 $0xBF40  }
0x7: {  	s20 =	simm.s32 $0xDE80;
	s28 =	simm.s32 $0x2;
	s30 =	simm.s32 $0x6  }
0x8: {  	s29 =	simm.s32 $0x8;
	s17 =	simm.s32 $0x5;
	s5 =	smul.u32 $0x5000, s9  }
0x9: {  	s31 =	simm.s32 $0xA;
	s19 =	simm.s32 $0x0;
	s8 =	smul.u32 $0x27100, s9  }
0xa: {  	s2 =	sand.u32 $0x1, s2;
	[smem:$0x7FF] =	sst s7;
	s12 =	smul.u32 $0x9C40, s9  }
0xb: {  	s6 =	smul.u32 $0x50000, s2;
	_ =	strace $0x8000004A;
	s21 =	ssub.s32 $0x2, s2  }
0xc: {  	s2 =	smul.u32 $0x13880, s2;
	s22 =	sshrl.u32 s21, $0x1;
	s23 =	sshrl.u32 s8, $0x2  }
0xd: {  	s7 =	sadd.s32 s12, s3;
	s26 =	sshrl.u32 s12, $0x3;
	s6 =	sadd.s32 s5, s6  }
0xe: {  	s5 =	sshrl.u32 s5, $0x3;
	s24 =	sadd.s32 s23, s3;
	s25 =	sadd.s32 s4, s2  }
0xf: {  	s23 =	simm.s32 $0x1;
	s2 =	simm.s32 $0x3;
	s6 =	sshrl.u32 s6, $0x3  }
0x10: {  	s8 =	sadd.s32 $0x1F40, s24;
	s9 =	sadd.s32 $0x3E80, s24;
	s10 =	sadd.s32 $0x5DC0, s24  }
0x11: {  	s11 =	sadd.s32 $0x7D00, s24;
	s24 =	sadd.s32 s26, s25;
	s26 =	simm.s32 $0x11D00  }
0x12: {  	s25 =	simm.s32 $0x9;
	s6 =	sadd.s32 s6, s0;
	s0 =	sadd.s32 s5, s0  }
0x13: {  	s5 =	ssub.s32 s21, s22;
	s22 =	simm.s32 $0xFDC0;
	s6 =	sadd.s32 $0x1C00, s6  }
0x14: {  	s21 =	simm.s32 $0x4;
	s0 =	sadd.s32 $0x15C00, s0;
	[dreg:$0x5] =	wrdreg s6  }
0x15: {  	v0 =	vimm.f32 $0.0e+00;
	s12 =	smax.u32 s5, $0x1;
	[dreg:$0x6] =	wrdreg s0;
	s0 =	simm.s32 $0x7  }
.LBB2_1:
0x16: {  	s4 =	simm.s32 $0x0;
	s5 =	rddreg [dreg:$0x5]  }
0x17: {  	[tilespmem:s4], [sflag:$0xB] =	stream.linear.gather [hbm4b:s5+s4], $0x5000, $0x38;
	[tilespmem:$0x1D880] =	vst v63  }
0x18: {  	_ =	swait.ge [sflag:s13], $0x5000  }
0x19: {  	[sflag:s13] =	ssyncset.done $0x0  }
0x1a: {  	s6 =	rddreg [dreg:$0x6];
	[sflag:s13] =	ssyncadd.s32 $0xFFFFB000  }
0x1b: {  	[tilespmem:s14], [sflag:$0xB] =	stream.linear.gather [hbm4b:s6+s4], $0x5000, $0x38;
	[tilespmem:$0x1D880] =	vst v63  }
0x1c: {  	_ =	swait.ge [sflag:s13], $0x5000  }
0x1d: {  	[sflag:s13] =	ssyncset.done $0x0  }
0x1e: {  	s5 =	simm.s32 $0x100;
	s4 =	simm.s32 $0x0;
	[sflag:s13] =	ssyncadd.s32 $0xFFFFB000  }
.LBB2_2:
0x1f: {  	p0 =	sne.s32 s5, $0x7C00;
	[tilespmem:s4+$0xA030] =	vst v0;
	s6 =	smov.u32 s5;
	s5 =	sadd.s32 $0x100, s5  }
.Ltmp0:
0x20: {  	[tilespmem:s4+$0xA020] =	vst v0;
	(pc) =	sbr.rel @p0 .LBB2_2-.Ltmp0, $3  }
0x21: {  	[tilespmem:s4+$0xA000] =	vst v0  }
0x22: {  	[tilespmem:s4+$0xA010] =	vst v0;
	_ =	sdelay $0x1  }
0x23: {  	s4 =	sshra.s32 s6, $0x2  }
0x24: {  	[tilespmem:s4+$0xA030] =	vst v0  }
0x25: {  	[tilespmem:s4+$0xA020] =	vst v0  }
0x26: {  	[tilespmem:s4+$0xA000] =	vst v0  }
0x27: {  	[tilespmem:s4+$0xA010] =	vst v0  }
0x28: {  	[spmem:s7] =	stream.linear.scatter [tilespmem:s15], [sflag:$0xB], $0x1F40, $0x38;
	[tilespmem:$0x1D880] =	vst v63  }
0x29: {  	_ =	swait.ge [sflag:s13], $0x1F40  }
0x2a: {  	[sflag:s13] =	ssyncset.done $0x0  }
0x2b: {  	[sflag:s13] =	ssyncadd.s32 $0xFFFFE0C0  }
0x2c: {  	[spmem:s8] =	stream.linear.scatter [tilespmem:s15], [sflag:$0xB], $0x1F40, $0x38;
	[tilespmem:$0x1D880] =	vst v63  }
0x2d: {  	_ =	swait.ge [sflag:s13], $0x1F40  }
0x2e: {  	[sflag:s13] =	ssyncset.done $0x0  }
0x2f: {  	[sflag:s13] =	ssyncadd.s32 $0xFFFFE0C0  }
0x30: {  	[spmem:s9] =	stream.linear.scatter [tilespmem:s15], [sflag:$0xB], $0x1F40, $0x38;
	[tilespmem:$0x1D880] =	vst v63  }
0x31: {  	_ =	swait.ge [sflag:s13], $0x1F40  }
0x32: {  	[sflag:s13] =	ssyncset.done $0x0  }
0x33: {  	[sflag:s13] =	ssyncadd.s32 $0xFFFFE0C0  }
0x34: {  	[spmem:s10] =	stream.linear.scatter [tilespmem:s15], [sflag:$0xB], $0x1F40, $0x38;
	[tilespmem:$0x1D880] =	vst v63  }
0x35: {  	_ =	swait.ge [sflag:s13], $0x1F40  }
0x36: {  	[sflag:s13] =	ssyncset.done $0x0  }
0x37: {  	[sflag:s13] =	ssyncadd.s32 $0xFFFFE0C0  }
0x38: {  	[spmem:s11] =	stream.linear.scatter [tilespmem:s15], [sflag:$0xB], $0x1F40, $0x38;
	[tilespmem:$0x1D880] =	vst v63  }
0x39: {  	_ =	swait.ge [sflag:s13], $0x1F40  }
0x3a: {  	[sflag:s13] =	ssyncset.done $0x0  }
0x3b: {  	[sflag:s13] =	ssyncadd.s32 $0xFFFFE0C0  }
0x3c: {  	s6 =	simm.s32 $0x0;
	[bflag:$0x0] =	sbarrier.arrive $0xFFFF  }
0x3d: {  	[tilespmem:s15], [sflag:$0x1] =	stream.indirect.gather [hbm4b:s1+s16], $0x40, s6, s16, $0xb8;
	[tilespmem:$0x1D880] =	vst v63  }
0x3e: {  	s5 =	simm.s32 $0x80  }
0x3f: {  	[tilespmem:s18], [sflag:$0x2] =	stream.indirect.gather [hbm4b:s1+s16], $0x40, s5, s16, $0xb8;
	[tilespmem:$0x1D880] =	vst v63  }
0x40: {  	s6 =	simm.s32 $0x100  }
0x41: {  	[tilespmem:s20], [sflag:$0x3] =	stream.indirect.gather [hbm4b:s1+s16], $0x40, s6, s16, $0xb8;
	[tilespmem:$0x1D880] =	vst v63  }
0x42: {  	s5 =	simm.s32 $0x180  }
0x43: {  	[tilespmem:s22], [sflag:$0x4] =	stream.indirect.gather [hbm4b:s1+s16], $0x40, s5, s16, $0xb8;
	[tilespmem:$0x1D880] =	vst v63  }
0x44: {  	_ =	swait.ge [sflag:s23], $0x1F40  }
0x45: {  	[sflag:s23] =	ssyncset.done $0x0  }
0x46: {  	[sflag:s23] =	ssyncadd.s32 $0xFFFFE0C0  }
0x47: {  	[spmem:s3] =	stream.indirect.scatter.add.f32 [tilespmem:s15], [sflag:$0x6], $0x40, s14, s16, $0xb8;
	[tilespmem:$0x1D880] =	vst v63  }
0x48: {  	s6 =	simm.s32 $0x200  }
0x49: {  	[tilespmem:s26], [sflag:$0x5] =	stream.indirect.gather [hbm4b:s1+s16], $0x40, s6, s16, $0xb8;
	[tilespmem:$0x1D880] =	vst v63  }
0x4a: {  	_ =	swait.ge [sflag:s28], $0x1F40  }
0x4b: {  	[sflag:s28] =	ssyncset.done $0x0  }
0x4c: {  	s5 =	simm.s32 $0x5080;
	[sflag:s28] =	ssyncadd.s32 $0xFFFFE0C0  }
0x4d: {  	[spmem:s3] =	stream.indirect.scatter.add.f32 [tilespmem:s18], [sflag:$0x7], $0x40, s5, s16, $0xb8;
	[tilespmem:$0x1D880] =	vst v63  }
0x4e: {  	_ =	swait.ge [sflag:s30], $0x1F40  }
0x4f: {  	[sflag:s30] =	ssyncset.done $0x0  }
0x50: {  	s6 =	simm.s32 $0x280;
	[sflag:s30] =	ssyncadd.s32 $0xFFFFE0C0  }
0x51: {  	[tilespmem:s15], [sflag:$0x1] =	stream.indirect.gather [hbm4b:s1+s16], $0x40, s6, s16, $0xb8;
	[tilespmem:$0x1D880] =	vst v63  }
0x52: {  	_ =	swait.ge [sflag:s2], $0x1F40  }
0x53: {  	[sflag:s2] =	ssyncset.done $0x0  }
0x54: {  	s5 =	simm.s32 $0x5100;
	[sflag:s2] =	ssyncadd.s32 $0xFFFFE0C0  }
0x55: {  	[spmem:s3] =	stream.indirect.scatter.add.f32 [tilespmem:s20], [sflag:$0x8], $0x40, s5, s16, $0xb8;
	[tilespmem:$0x1D880] =	vst v63  }
0x56: {  	_ =	swait.ge [sflag:s0], $0x1F40  }
0x57: {  	[sflag:s0] =	ssyncset.done $0x0  }
0x58: {  	s6 =	simm.s32 $0x300;
	[sflag:s0] =	ssyncadd.s32 $0xFFFFE0C0  }
0x59: {  	[tilespmem:s18], [sflag:$0x2] =	stream.indirect.gather [hbm4b:s1+s16], $0x40, s6, s16, $0xb8;
	[tilespmem:$0x1D880] =	vst v63  }
0x5a: {  	_ =	swait.ge [sflag:s21], $0x1F40  }
0x5b: {  	[sflag:s21] =	ssyncset.done $0x0  }
0x5c: {  	s5 =	simm.s32 $0x5180;
	[sflag:s21] =	ssyncadd.s32 $0xFFFFE0C0  }
0x5d: {  	[spmem:s3] =	stream.indirect.scatter.add.f32 [tilespmem:s22], [sflag:$0x9], $0x40, s5, s16, $0xb8;
	[tilespmem:$0x1D880] =	vst v63  }
0x5e: {  	_ =	swait.ge [sflag:s29], $0x1F40  }
0x5f: {  	[sflag:s29] =	ssyncset.done $0x0  }
0x60: {  	s6 =	simm.s32 $0x380;
	[sflag:s29] =	ssyncadd.s32 $0xFFFFE0C0  }
0x61: {  	[tilespmem:s20], [sflag:$0x3] =	stream.indirect.gather [hbm4b:s1+s16], $0x40, s6, s16, $0xb8;
	[tilespmem:$0x1D880] =	vst v63  }
0x62: {  	_ =	swait.ge [sflag:s17], $0x1F40  }
0x63: {  	[sflag:s17] =	ssyncset.done $0x0  }
0x64: {  	s5 =	simm.s32 $0x5200;
	[sflag:s17] =	ssyncadd.s32 $0xFFFFE0C0  }
0x65: {  	[spmem:s3] =	stream.indirect.scatter.add.f32 [tilespmem:s26], [sflag:$0xA], $0x40, s5, s16, $0xb8;
	[tilespmem:$0x1D880] =	vst v63  }
0x66: {  	_ =	swait.ge [sflag:s25], $0x1F40  }
0x67: {  	[sflag:s25] =	ssyncset.done $0x0  }
0x68: {  	s6 =	simm.s32 $0x400;
	[sflag:s25] =	ssyncadd.s32 $0xFFFFE0C0  }
0x69: {  	[tilespmem:s22], [sflag:$0x4] =	stream.indirect.gather [hbm4b:s1+s16], $0x40, s6, s16, $0xb8;
	[tilespmem:$0x1D880] =	vst v63  }
0x6a: {  	_ =	swait.ge [sflag:s23], $0x1F40  }
0x6b: {  	[sflag:s23] =	ssyncset.done $0x0  }
0x6c: {  	s5 =	simm.s32 $0x5280;
	[sflag:s23] =	ssyncadd.s32 $0xFFFFE0C0  }
0x6d: {  	[spmem:s3] =	stream.indirect.scatter.add.f32 [tilespmem:s15], [sflag:$0x6], $0x40, s5, s16, $0xb8;
	[tilespmem:$0x1D880] =	vst v63  }
0x6e: {  	_ =	swait.ge [sflag:s31], $0x1F40  }
0x6f: {  	[sflag:s31] =	ssyncset.done $0x0  }
0x70: {  	s6 =	simm.s32 $0x480;
	[sflag:s31] =	ssyncadd.s32 $0xFFFFE0C0  }
0x71: {  	[tilespmem:s26], [sflag:$0x5] =	stream.indirect.gather [hbm4b:s1+s16], $0x40, s6, s16, $0xb8;
	[tilespmem:$0x1D880] =	vst v63  }
0x72: {  	_ =	swait.ge [sflag:s28], $0x1F40  }
0x73: {  	[sflag:s28] =	ssyncset.done $0x0  }
0x74: {  	s5 =	simm.s32 $0x5300;
	[sflag:s28] =	ssyncadd.s32 $0xFFFFE0C0  }
0x75: {  	[spmem:s3] =	stream.indirect.scatter.add.f32 [tilespmem:s18], [sflag:$0x7], $0x40, s5, s16, $0xb8;
	[tilespmem:$0x1D880] =	vst v63  }
0x76: {  	_ =	swait.ge [sflag:s30], $0x1F40  }
0x77: {  	[sflag:s30] =	ssyncset.done $0x0  }
0x78: {  	s6 =	simm.s32 $0x500;
	[sflag:s30] =	ssyncadd.s32 $0xFFFFE0C0  }
0x79: {  	[tilespmem:s15], [sflag:$0x1] =	stream.indirect.gather [hbm4b:s1+s16], $0x40, s6, s16, $0xb8;
	[tilespmem:$0x1D880] =	vst v63  }
0x7a: {  	_ =	swait.ge [sflag:s2], $0x1F40  }
0x7b: {  	[sflag:s2] =	ssyncset.done $0x0  }
0x7c: {  	s5 =	simm.s32 $0x5380;
	[sflag:s2] =	ssyncadd.s32 $0xFFFFE0C0  }
0x7d: {  	[spmem:s3] =	stream.indirect.scatter.add.f32 [tilespmem:s20], [sflag:$0x8], $0x40, s5, s16, $0xb8;
	[tilespmem:$0x1D880] =	vst v63  }
0x7e: {  	_ =	swait.ge [sflag:s0], $0x1F40  }
0x7f: {  	[sflag:s0] =	ssyncset.done $0x0  }
0x80: {  	s6 =	simm.s32 $0x580;
	[sflag:s0] =	ssyncadd.s32 $0xFFFFE0C0  }
0x81: {  	[tilespmem:s18], [sflag:$0x2] =	stream.indirect.gather [hbm4b:s1+s16], $0x40, s6, s16, $0xb8;
	[tilespmem:$0x1D880] =	vst v63  }
0x82: {  	_ =	swait.ge [sflag:s21], $0x1F40  }
0x83: {  	[sflag:s21] =	ssyncset.done $0x0  }
0x84: {  	s5 =	simm.s32 $0x5400;
	[sflag:s21] =	ssyncadd.s32 $0xFFFFE0C0  }
0x85: {  	[spmem:s3] =	stream.indirect.scatter.add.f32 [tilespmem:s22], [sflag:$0x9], $0x40, s5, s16, $0xb8;
	[tilespmem:$0x1D880] =	vst v63  }
0x86: {  	_ =	swait.ge [sflag:s29], $0x1F40  }
0x87: {  	[sflag:s29] =	ssyncset.done $0x0  }
0x88: {  	s6 =	simm.s32 $0x600;
	[sflag:s29] =	ssyncadd.s32 $0xFFFFE0C0  }
0x89: {  	[tilespmem:s20], [sflag:$0x3] =	stream.indirect.gather [hbm4b:s1+s16], $0x40, s6, s16, $0xb8;
	[tilespmem:$0x1D880] =	vst v63  }
0x8a: {  	_ =	swait.ge [sflag:s17], $0x1F40  }
0x8b: {  	[sflag:s17] =	ssyncset.done $0x0  }
0x8c: {  	s4 =	simm.s32 $0xA00;
	s5 =	simm.s32 $0x5480;
	[sflag:s17] =	ssyncadd.s32 $0xFFFFE0C0  }
.LBB2_4:
0x8d: {  	[spmem:s3] =	stream.indirect.scatter.add.f32 [tilespmem:s26], [sflag:$0xA], $0x40, s5, s16, $0xb8;
	[tilespmem:$0x1D880] =	vst v63  }
0x8e: {  	s5 =	smov.u32 s4;
	s4 =	sadd.s32 $0xA00, s4;
	_ =	swait.ge [sflag:s25], $0x1F40  }
0x8f: {  	s5 =	sshra.s32 s5, $0x2;
	p0 =	sne.s32 s4, $0x12C00;
	[sflag:s25] =	ssyncset.done $0x0  }
0x90: {  	s6 =	sadd.s32 $0x400, s5;
	[sflag:s25] =	ssyncadd.s32 $0xFFFFE0C0  }
0x91: {  	[tilespmem:s22], [sflag:$0x4] =	stream.indirect.gather [hbm4b:s1+s16], $0x40, s6, s16, $0xb8;
	[tilespmem:$0x1D880] =	vst v63  }
0x92: {  	_ =	swait.ge [sflag:s23], $0x1F40  }
0x93: {  	[sflag:s23] =	ssyncset.done $0x0  }
0x94: {  	s6 =	sadd.s32 $0x5280, s5;
	[sflag:s23] =	ssyncadd.s32 $0xFFFFE0C0  }
0x95: {  	[spmem:s3] =	stream.indirect.scatter.add.f32 [tilespmem:s15], [sflag:$0x6], $0x40, s6, s16, $0xb8;
	[tilespmem:$0x1D880] =	vst v63  }
0x96: {  	_ =	swait.ge [sflag:s31], $0x1F40  }
0x97: {  	[sflag:s31] =	ssyncset.done $0x0  }
0x98: {  	s6 =	sadd.s32 $0x480, s5;
	[sflag:s31] =	ssyncadd.s32 $0xFFFFE0C0  }
0x99: {  	[tilespmem:s26], [sflag:$0x5] =	stream.indirect.gather [hbm4b:s1+s16], $0x40, s6, s16, $0xb8;
	[tilespmem:$0x1D880] =	vst v63  }
0x9a: {  	_ =	swait.ge [sflag:s28], $0x1F40  }
0x9b: {  	[sflag:s28] =	ssyncset.done $0x0  }
0x9c: {  	s6 =	sadd.s32 $0x5300, s5;
	[sflag:s28] =	ssyncadd.s32 $0xFFFFE0C0  }
0x9d: {  	[spmem:s3] =	stream.indirect.scatter.add.f32 [tilespmem:s18], [sflag:$0x7], $0x40, s6, s16, $0xb8;
	[tilespmem:$0x1D880] =	vst v63  }
0x9e: {  	_ =	swait.ge [sflag:s30], $0x1F40  }
0x9f: {  	[sflag:s30] =	ssyncset.done $0x0  }
0xa0: {  	s6 =	sadd.s32 $0x500, s5;
	[sflag:s30] =	ssyncadd.s32 $0xFFFFE0C0  }
0xa1: {  	[tilespmem:s15], [sflag:$0x1] =	stream.indirect.gather [hbm4b:s1+s16], $0x40, s6, s16, $0xb8;
	[tilespmem:$0x1D880] =	vst v63  }
0xa2: {  	_ =	swait.ge [sflag:s2], $0x1F40  }
0xa3: {  	[sflag:s2] =	ssyncset.done $0x0  }
0xa4: {  	s6 =	sadd.s32 $0x5380, s5;
	[sflag:s2] =	ssyncadd.s32 $0xFFFFE0C0  }
0xa5: {  	[spmem:s3] =	stream.indirect.scatter.add.f32 [tilespmem:s20], [sflag:$0x8], $0x40, s6, s16, $0xb8;
	[tilespmem:$0x1D880] =	vst v63  }
0xa6: {  	_ =	swait.ge [sflag:s0], $0x1F40  }
0xa7: {  	[sflag:s0] =	ssyncset.done $0x0  }
0xa8: {  	s6 =	sadd.s32 $0x580, s5;
	[sflag:s0] =	ssyncadd.s32 $0xFFFFE0C0  }
0xa9: {  	[tilespmem:s18], [sflag:$0x2] =	stream.indirect.gather [hbm4b:s1+s16], $0x40, s6, s16, $0xb8;
	[tilespmem:$0x1D880] =	vst v63  }
0xaa: {  	_ =	swait.ge [sflag:s21], $0x1F40  }
0xab: {  	[sflag:s21] =	ssyncset.done $0x0  }
0xac: {  	s6 =	sadd.s32 $0x5400, s5;
	[sflag:s21] =	ssyncadd.s32 $0xFFFFE0C0  }
0xad: {  	[spmem:s3] =	stream.indirect.scatter.add.f32 [tilespmem:s22], [sflag:$0x9], $0x40, s6, s16, $0xb8;
	[tilespmem:$0x1D880] =	vst v63  }
0xae: {  	_ =	swait.ge [sflag:s29], $0x1F40  }
0xaf: {  	[sflag:s29] =	ssyncset.done $0x0  }
.Ltmp1:
0xb0: {  	s6 =	sadd.s32 $0x600, s5;
	[sflag:s29] =	ssyncadd.s32 $0xFFFFE0C0;
	(pc) =	sbr.rel @p0 .LBB2_4-.Ltmp1, $4  }
0xb1: {  	[tilespmem:s20], [sflag:$0x3] =	stream.indirect.gather [hbm4b:s1+s16], $0x40, s6, s16, $0xb8;
	[tilespmem:$0x1D880] =	vst v63  }
0xb2: {  	_ =	swait.ge [sflag:s17], $0x1F40  }
0xb3: {  	[sflag:s17] =	ssyncset.done $0x0  }
0xb4: {  	s5 =	sadd.s32 $0x5480, s5;
	[sflag:s17] =	ssyncadd.s32 $0xFFFFE0C0  }
0xb5: {  	[spmem:s3] =	stream.indirect.scatter.add.f32 [tilespmem:s26], [sflag:$0xA], $0x40, s5, s16, $0xb8;
	[tilespmem:$0x1D880] =	vst v63  }
0xb6: {  	_ =	swait.ge [sflag:s25], $0x1F40  }
0xb7: {  	s4 =	sshra.s32 s4, $0x2;
	[sflag:s25] =	ssyncset.done $0x0  }
0xb8: {  	s6 =	sadd.s32 $0x400, s4;
	[sflag:s25] =	ssyncadd.s32 $0xFFFFE0C0  }
0xb9: {  	[tilespmem:s22], [sflag:$0x4] =	stream.indirect.gather [hbm4b:s1+s16], $0x40, s6, s16, $0xb8;
	[tilespmem:$0x1D880] =	vst v63  }
0xba: {  	_ =	swait.ge [sflag:s23], $0x1F40  }
0xbb: {  	[sflag:s23] =	ssyncset.done $0x0  }
0xbc: {  	s6 =	sadd.s32 $0x5280, s4;
	[sflag:s23] =	ssyncadd.s32 $0xFFFFE0C0  }
0xbd: {  	[spmem:s3] =	stream.indirect.scatter.add.f32 [tilespmem:s15], [sflag:$0x6], $0x40, s6, s16, $0xb8;
	[tilespmem:$0x1D880] =	vst v63  }
0xbe: {  	_ =	swait.ge [sflag:s31], $0x1F40  }
0xbf: {  	[sflag:s31] =	ssyncset.done $0x0  }
0xc0: {  	s6 =	simm.s32 $0x4F80;
	[sflag:s31] =	ssyncadd.s32 $0xFFFFE0C0  }
0xc1: {  	[tilespmem:s26], [sflag:$0x5] =	stream.indirect.gather [hbm4b:s1+s16], $0x40, s6, s16, $0xb8;
	[tilespmem:$0x1D880] =	vst v63  }
0xc2: {  	_ =	swait.ge [sflag:s28], $0x1F40  }
0xc3: {  	[sflag:s28] =	ssyncset.done $0x0  }
0xc4: {  	s6 =	sadd.s32 $0x5300, s4;
	[sflag:s28] =	ssyncadd.s32 $0xFFFFE0C0  }
0xc5: {  	[spmem:s3] =	stream.indirect.scatter.add.f32 [tilespmem:s18], [sflag:$0x7], $0x40, s6, s16, $0xb8;
	[tilespmem:$0x1D880] =	vst v63  }
0xc6: {  	_ =	swait.ge [sflag:s2], $0x1F40  }
0xc7: {  	[sflag:s2] =	ssyncset.done $0x0  }
0xc8: {  	s6 =	sadd.s32 $0x5380, s4;
	[sflag:s2] =	ssyncadd.s32 $0xFFFFE0C0  }
0xc9: {  	[spmem:s3] =	stream.indirect.scatter.add.f32 [tilespmem:s20], [sflag:$0x8], $0x40, s6, s16, $0xb8;
	[tilespmem:$0x1D880] =	vst v63  }
0xca: {  	_ =	swait.ge [sflag:s21], $0x1F40  }
0xcb: {  	[sflag:s21] =	ssyncset.done $0x0  }
0xcc: {  	s4 =	sadd.s32 $0x5400, s4;
	[sflag:s21] =	ssyncadd.s32 $0xFFFFE0C0  }
0xcd: {  	[spmem:s3] =	stream.indirect.scatter.add.f32 [tilespmem:s22], [sflag:$0x9], $0x40, s4, s16, $0xb8;
	[tilespmem:$0x1D880] =	vst v63  }
0xce: {  	_ =	swait.ge [sflag:s17], $0x1F40  }
0xcf: {  	[sflag:s17] =	ssyncset.done $0x0  }
0xd0: {  	s6 =	simm.s32 $0x9F80;
	[sflag:s17] =	ssyncadd.s32 $0xFFFFE0C0  }
0xd1: {  	[spmem:s3] =	stream.indirect.scatter.add.f32 [tilespmem:s26], [sflag:$0xA], $0x40, s6, s16, $0xb8;
	[tilespmem:$0x1D880] =	vst v63  }
0xd2: {  	_ =	swait.ge [sflag:s30], $0x1F40  }
0xd3: {  	[sflag:s30] =	ssyncset.done $0x0  }
0xd4: {  	[sflag:s30] =	ssyncadd.s32 $0xFFFFE0C0  }
0xd5: {  	_ =	swait.ge [sflag:s0], $0x1F40  }
0xd6: {  	[sflag:s0] =	ssyncset.done $0x0  }
0xd7: {  	[sflag:s0] =	ssyncadd.s32 $0xFFFFE0C0  }
0xd8: {  	_ =	swait.ge [sflag:s29], $0x1F40  }
0xd9: {  	[sflag:s29] =	ssyncset.done $0x0  }
0xda: {  	[sflag:s29] =	ssyncadd.s32 $0xFFFFE0C0  }
0xdb: {  	_ =	swait.ge [sflag:s25], $0x1F40  }
0xdc: {  	[sflag:s25] =	ssyncset.done $0x0  }
0xdd: {  	[sflag:s25] =	ssyncadd.s32 $0xFFFFE0C0  }
0xde: {  	s5 =	stileid.u32;
	_ =	swait.ge [sflag:s31], $0x1F40  }
0xdf: {  	s19 =	sadd.s32 $0x1, s19;
	s4 =	sshll.u32 s5, $0x6;
	[sflag:s31] =	ssyncset.done $0x0  }
0xe0: {  	p0 =	sne.s32 s19, s12;
	s4 =	sor.u32 $0x1C0B, s4;
	[sflag:s31] =	ssyncadd.s32 $0xFFFFE0C0  }
.Ltmp2:
0xe1: {  	s6 =	sshrl.u32 s7, $0x3;
	[bflag:$0x0] =	sbarrier.arrive $0xFFFF;
	(pc) =	sbr.rel @p0 .LBB2_1-.Ltmp2, $4  }
0xe2: {  	[hbm:s24], [sflag:s4] =	dma.local [spmem:s6], $0x1388  }
0xe3: {  	_ =	swait.ge [sflag:s13], $0x1388  }
0xe4: {  	[sflag:s13] =	ssyncset.done $0x0  }
0xe5: {  	[sflag:s13] =	ssyncadd.s32 $0xFFFFEC78  }
0xe6: {  	_ =	sfence.sel $0x180000  }
0xe7: {  	[bflag:$0x0] =	sbarrier.arrive $0xFFFF  }
0xe8: {  	_ =	strace $0x9000004A  }
0xe9: {  	s0 =	stileid.u32;
	[bflag:$0x2] =	sbarrier.arrive $0xFFFF  }
0xea: {  	p0 =	sne.s32 s0, $0x0;
	s0 =	rddreg [dreg:$0x4]  }
0xeb: {  	s0 =	sadd.s32 @!p0 $0x100000, s0  }
0xec: {  	[sflag:s0] =	ssyncadd.tile.s32 @!p0 $0x1;
	_ =	shalt  }
.Lfunc_end2:
_tile_overlayer_lowered:
.L_overlay_start_2:
0xed: {  	(tag) =	ssettag $0x2  }
0xee: {  	s0 =	rddreg [dreg:$0x0];
	s2 =	stileid.u32  }
0xef: {  	s1 =	rddreg [dreg:$0x1];
	p0 =	sne.s32 s2, $0x0  }
0xf0: {  	s3 =	rddreg [dreg:$0x2];
	[bflag:$0x3] =	sbarrier.arrive $0xFFFF;
	s2 =	simm.s32 @!p0 $0x1C0B  }
0xf1: {  	[timem:s3], [sflag:s2] =	dma.local @!p0 [hbm:s0], s1  }
0xf2: {  	s0 =	simm.s32 @!p0 $0xB  }
0xf3: {  	_ =	swait.ge @!p0 [sflag:s0], s1  }
0xf4: {  	s1 =	ssub.s32 @!p0 $0x0, s1;
	[sflag:s0] =	ssyncset.done @!p0 $0x0  }
0xf5: {  	[sflag:s0] =	ssyncadd.s32 @!p0 s1  }
0xf6: {  	[bflag:$0x3] =	sbarrier.arrive $0xFFFF  }
0xf7: {  	_ =	shalt  }

// kernel: kernel.14.cloned.1.call-start
scs
__scs_entry_jumppad:
0x0: {  	(pc) =	sbr.rel $0x88, $3  }
0x1: {  	(tag) =	ssettag $0x0;
	lr =	simm.s32 $0x1  }
0x2: {  	[smem:$0x3F99] =	sst lr;
	_ =	strace $0xD0000000  }
0x3: {  	_ = 	snop  }
0x4: {  	_ = 	snop  }
0x5: {  	_ = 	snop  }
0x6: {  	_ = 	snop  }
0x7: {  	_ = 	snop  }
__scs_overlays_trampoline_lowered:
0x8: {  	[smem:$0x3FA8] =	sst s0  }
0x9: {  	[smem:$0x3FA9] =	sst s1  }
0xa: {  	[smem:$0x3FAA] =	sst s2  }
0xb: {  	[smem:$0x3FAB] =	sst s3  }
0xc: {  	[smem:$0x3FAC] =	sst s4  }
0xd: {  	[smem:$0x3FAD] =	sst s5  }
0xe: {  	[smem:$0x3FAE] =	sst s6  }
0xf: {  	[smem:$0x3FAF] =	sst s7  }
0x10: {  	[smem:$0x3FB0] =	sst s8  }
0x11: {  	[smem:$0x3FB1] =	sst s9;
	s0 =	simm.s32 @!p0 $0x0  }
0x12: {  	s1 =	sld [smem:$0x3F97];
	s0 =	simm.s32 @p0 $0x1  }
0x13: {  	[smem:$0x3FB2] =	sst s0;
	s0 =	simm.s32 @!p1 $0x0  }
0x14: {  	s2 =	sld [smem:$0x3F96];
	s0 =	simm.s32 @p1 $0x1  }
0x15: {  	[smem:$0x3FB3] =	sst s0;
	s0 =	simm.s32 @!p2 $0x0  }
0x16: {  	s3 =	sld [smem:$0x3FDB];
	s0 =	simm.s32 @p2 $0x1  }
0x17: {  	s4 =	simm.s32 $0x1BF5;
	[smem:$0x3FB5] =	sst s0  }
0x18: {  	s0 =	sld [smem:$0x3F98];
	_ =	swait.ge [sflag:s4], $0x0  }
0x19: {  	s7 =	sld [smem:$0x3F99]  }
0x1a: {  	s8 =	sadd.s32 $0xFFFFE003, lr  }
0x1b: {  	s9 =	sadd.s32 $0xFFFFFEF7, lr;
	s5 =	simm.s32 $0xFFFFFFFF;
	p2 =	slt.u32 s8, $0xFFFFF086  }
0x1c: {  	p1 =	slt.u32 s9, $0xF7A;
	s5 =	simm.s32 @!p2 $0x0  }
0x1d: {  	s5 =	simm.s32 @p1 $0x1;
	p0 =	seq.s32 s7, s2  }
0x1e: {  	s7 =	smul.u32 @!p0 $0xF7A, s2;
	p2 =	seq.s32 @!p0 s5, $0x0  }
0x1f: {  	s9 =	smul.u32 $0xF7A, s1;
	s8 =	simm.s32 @!p0 $0x1BF5;
	p2 =	por !p2, p0  }
0x20: {  	[sflag:s8] =	ssyncset.s32 @!p0 $0xFFFFF086;
	s6 =	sadd.s32 @!p0 s3, s7;
	s7 =	simm.s32 @!p0 $0x108  }
0x21: {  	s3 =	sadd.s32 s3, s9;
	s6 =	sadd.s32 @!p0 $0x88, s6;
	s7 =	simm.s32 @p2 $0x1082  }
0x22: {  	[simem:s7], [sflag:s8] =	dma.local @!p0 [hbm:s6], $0xF7A  }
0x23: {  	s9 =	sor.u32 $0xD0000000, s2;
	s6 =	simm.s32 $0x108;
	_ =	swait.ge @!p0 [sflag:s8], $0x0  }
0x24: {  	s3 =	sadd.s32 $0x88, s3;
	s6 =	simm.s32 @!p1 $0x1082;
	[sflag:s4] =	ssyncset.s32 $0xFFFFF086  }
0x25: {  	[simem:s6], [sflag:s4] =	dma.local [hbm:s3], $0xF7A  }
0x26: {  	[smem:$0x3F99] =	sst s1;
	(tag) =	ssettag s2;
	_ =	strace s9  }
0x27: {  	s1 =	sld [smem:$0x3FA9]  }
0x28: {  	s2 =	sld [smem:$0x3FAA]  }
0x29: {  	s4 =	sld [smem:$0x3FAC]  }
0x2a: {  	p0 =	seq.s32 s5, $0x0;
	s5 =	sld [smem:$0x3FAD]  }
0x2b: {  	s6 =	sld [smem:$0x3FAE]  }
0x2c: {  	s7 =	sld [smem:$0x3FAF]  }
0x2d: {  	s3 =	simm.s32 $0x108;
	s8 =	sld [smem:$0x3FB0]  }
0x2e: {  	s3 =	simm.s32 @!p0 $0x1082;
	s9 =	sld [smem:$0x3FB1]  }
0x2f: {  	lr =	sadd.s32 s0, s3;
	s0 =	sld [smem:$0x3FA8]  }
0x30: {  	s3 =	sld [smem:$0x3FAB]  }
0x31: {  	[smem:$0x3FB4] =	sst s10  }
0x32: {  	s10 =	sld [smem:$0x3FB2];
	_ =	sdelay $0x3  }
0x33: {  	p0 =	seq.s32 s10, $0x1;
	s10 =	sld [smem:$0x3FB4];
	_ =	sdelay $0x3  }
0x34: {  	[smem:$0x3FB4] =	sst s10  }
0x35: {  	s10 =	sld [smem:$0x3FB3];
	_ =	sdelay $0x3  }
0x36: {  	p1 =	seq.s32 s10, $0x1;
	s10 =	sld [smem:$0x3FB4];
	_ =	sdelay $0x3  }
0x37: {  	[smem:$0x3FB4] =	sst s10  }
0x38: {  	s10 =	sld [smem:$0x3FB5]  }
0x39: {  	_ = 	snop;
	(pc) =	sbr.ind lr, $3  }
0x3a: {  	_ = 	snop  }
0x3b: {  	_ = 	snop  }
0x3c: {  	p2 =	seq.s32 s10, $0x1;
	s10 =	sld [smem:$0x3FB4]  }
0x3d: {  	_ =	shalt  }
0x3e: {  	_ =	shalt  }
0x3f: {  	_ =	shalt  }
0x40: {  	_ =	shalt  }
0x41: {  	_ =	shalt  }
0x42: {  	_ =	shalt  }
0x43: {  	_ =	shalt  }
0x44: {  	_ =	shalt  }
0x45: {  	_ =	shalt  }
0x46: {  	_ =	shalt  }
0x47: {  	_ =	shalt  }
0x48: {  	_ =	shalt  }
0x49: {  	_ =	shalt  }
0x4a: {  	_ =	shalt  }
0x4b: {  	_ =	shalt  }
0x4c: {  	_ =	shalt  }
0x4d: {  	_ =	shalt  }
0x4e: {  	_ =	shalt  }
0x4f: {  	_ =	shalt  }
0x50: {  	_ =	shalt  }
0x51: {  	_ =	shalt  }
0x52: {  	_ =	shalt  }
0x53: {  	_ =	shalt  }
0x54: {  	_ =	shalt  }
0x55: {  	_ =	shalt  }
0x56: {  	_ =	shalt  }
0x57: {  	_ =	shalt  }
0x58: {  	_ =	shalt  }
0x59: {  	_ =	shalt  }
0x5a: {  	_ =	shalt  }
0x5b: {  	_ =	shalt  }
0x5c: {  	_ =	shalt  }
0x5d: {  	_ =	shalt  }
0x5e: {  	_ =	shalt  }
0x5f: {  	_ =	shalt  }
0x60: {  	_ =	shalt  }
0x61: {  	_ =	shalt  }
0x62: {  	_ =	shalt  }
0x63: {  	_ =	shalt  }
0x64: {  	_ =	shalt  }
0x65: {  	_ =	shalt  }
0x66: {  	_ =	shalt  }
0x67: {  	_ =	shalt  }
0x68: {  	_ =	shalt  }
0x69: {  	_ =	shalt  }
0x6a: {  	_ =	shalt  }
0x6b: {  	_ =	shalt  }
0x6c: {  	_ =	shalt  }
0x6d: {  	_ =	shalt  }
0x6e: {  	_ =	shalt  }
0x6f: {  	_ =	shalt  }
0x70: {  	_ =	shalt  }
0x71: {  	_ =	shalt  }
0x72: {  	_ =	shalt  }
0x73: {  	_ =	shalt  }
0x74: {  	_ =	shalt  }
0x75: {  	_ =	shalt  }
0x76: {  	_ =	shalt  }
0x77: {  	_ =	shalt  }
0x78: {  	_ =	shalt  }
0x79: {  	_ =	shalt  }
0x7a: {  	_ =	shalt  }
0x7b: {  	_ =	shalt  }
0x7c: {  	_ =	shalt  }
0x7d: {  	_ =	shalt  }
0x7e: {  	_ =	shalt  }
0x7f: {  	_ =	shalt  }
0x80: {  	_ =	shalt  }
0x81: {  	_ =	shalt  }
0x82: {  	_ =	shalt  }
0x83: {  	_ =	shalt  }
0x84: {  	_ =	shalt  }
0x85: {  	_ =	shalt  }
0x86: {  	_ =	shalt  }
0x87: {  	_ =	shalt  }
.Lfunc_end0:
.L_simem_size_0:
called_computation.2_lowered:
.L_overlay_start_0:
0x88: {  	s2 =	sld [smem:$0x3FD9]  }
0x89: {  	s3 =	sld [smem:$0x3FFE];
	_ =	sdelay $0x1  }
0x8a: {  	s1 =	srdreg.scid  }
0x8b: {  	s0 =	sand.u32 $0x1, s1  }
0x8c: {  	s14 =	sshll.u32 s0, $0xA;
	s2 =	sadd.s32 s3, s2  }
0x8d: {  	s2 =	sadd.s32 s2, s14  }
0x8e: {  	[smem:$0x3FC0] =	sst s2  }
0x8f: {  	_ = 	snop  }
0x90: {  	s2 =	sld [smem:$0x3FD0];
	_ =	sdelay $0x2  }
0x91: {  	s15 =	simm.s32 $0xA;
	s4 =	simm.s32 $0x10  }
0x92: {  	[smem:s4], [sflag:s15] =	dma.local [hbm:s2], $0x1  }
0x93: {  	_ =	swait.eq [sflag:s15], $0x1  }
0x94: {  	[sflag:s15] =	ssyncset.done $0x0  }
0x95: {  	s16 =	sld [smem:$0x10];
	[sflag:s15] =	ssyncadd.s32 $0xFFFFFFFF  }
0x96: {  	s17 =	sld [smem:$0x11];
	(tm) =	ssettm $0x1  }
0x97: {  	s18 =	sld [smem:$0x3FFB];
	_ =	sdelay $0x3  }
0x98: {  	_ =	strace s18  }
0x99: {  	s4 =	sld [smem:$0x3FFC];
	_ =	sdelay $0x3  }
0x9a: {  	_ =	strace s4  }
0x9b: {  	s4 =	sld [smem:$0x3FFD];
	_ =	sdelay $0x3  }
0x9c: {  	_ =	strace s4  }
0x9d: {  	_ =	strace $0x8FFFFFFF  }
0x9e: {  	s19 =	sld [smem:$0x3FDB];
	_ =	sdelay $0x1  }
0x9f: {  	s5 =	simm.s32 $_scs_section_size  }
0xa0: {  	s6 =	simm.s32 $_size__tile_overlayer_lowered;
	s7 =	simm.s32 $_tile_overlayer_lowered  }
0xa1: {  	s22 =	simm.s32 $0x1BFF;
	s21 =	sshll.u32 s7, $0x1;
	s4 =	sadd.s32 s5, s19  }
0xa2: {  	s8 =	simm.s32 $0x0;
	s20 =	sshll.u32 s6, $0x1;
	s6 =	sadd.s32 s21, s4  }
0xa3: {  	[timem:s8], [sflag:s22] =	dma.local [hbm:s6], s20  }
0xa4: {  	_ =	swait.ge [sflag:s22], s20  }
0xa5: {  	s5 =	ssub.s32 $0x0, s20;
	[sflag:s22] =	ssyncset.done $0x0  }
0xa6: {  	[sflag:s22] =	ssyncadd.s32 s5;
	_ =	sdelay $0x1  }
0xa7: {  	s23 =	simm.s32 $0x1B8B  }
0xa8: {  	_ =	swait.ge [sflag:s23], $0x1  }
0xa9: {  	[sflag:s23] =	ssyncset.done $0x0  }
0xaa: {  	s25 =	simm.s32 $0x1B8E;
	s24 =	sld [smem:$0x3FFE];
	[sflag:s23] =	ssyncadd.s32 $0xFFFFFFFF  }
0xab: {  	s26 =	simm.s32 $execute0_lowered;
	[smem:$0x3FD2] =	sst s25  }
0xac: {  	s6 =	sshll.u32 s26, $0x1;
	_ =	strace $0x8000004C;
	[dreg:$0x1] =	wrdreg $0xFFFFFFFF  }
0xad: {  	s28 =	simm.s32 $_size_execute0_lowered;
	s4 =	sadd.s32 s4, s6;
	[dreg:$0x0] =	wrdreg $0x0  }
0xae: {  	s6 =	sshll.u32 s28, $0x1;
	[dreg:$0x2] =	wrdreg s4  }
0xaf: {  	[dreg:$0x3] =	wrdreg s6  }
0xb0: {  	[dreg:$0x4] =	wrdreg $0xC0  }
0xb1: {  	_ =	task [dreg:s8], $0x5FFFF  }
0xb2: {  	[dreg:$0x1] =	wrdreg $0xFFFFFFFF  }
0xb3: {  	[dreg:$0x0] =	wrdreg $0x60  }
0xb4: {  	[dreg:$0x2] =	wrdreg s17  }
0xb5: {  	[dreg:$0x3] =	wrdreg s24  }
0xb6: {  	[dreg:$0x4] =	wrdreg s16  }
0xb7: {  	[dreg:$0x5] =	wrdreg $0x13C400  }
0xb8: {  	[dreg:$0x6] =	wrdreg $0x9  }
0xb9: {  	_ =	task.clear_ibuf [dreg:s8], $0x7FFFF;
	_ =	strace $0x9000004C  }
0xba: {  	s29 =	simm.s32 $0x9;
	_ =	strace $0x8000004E  }
0xbb: {  	_ =	swait.ge [sflag:s29], $0x1  }
0xbc: {  	[sflag:s29] =	ssyncadd.s32 $0xFFFFFFFF  }
0xbd: {  	_ =	strace $0x9000004E  }
0xbe: {  	_ =	sfence  }
0xbf: {  	s30 =	sld [smem:$0x0];
	_ =	sdelay $0x2  }
0xc0: {  	s31 =	sshll.u32 s1, $0xD;
	s1 =	sshrl.u32 s1, $0x2  }
0xc1: {  	s3 =	sand.u32 $0x4000, s31;
	s1 =	sadd.s32 s1, s30  }
0xc2: {  	s0 =	sor.u32 s3, s0;
	s1 =	sshll.u32 s1, $0x11  }
0xc3: {  	s0 =	sor.u32 s1, s0  }
0xc4: {  	s0 =	sadd.s32 $0x8F2B, s0  }
0xc5: {  	[sflag:s0] =	ssyncadd.remote.s32 $0x1  }
0xc6: {  	_ =	sfence.sel $0xFFFF  }
0xc7: {  	[dreg:$0x0] =	wrdreg $0xFFFFFFFF;
	(pc) =	sbr.abs _section_cstart, $3  }
0xc8: {  	[dreg:$0x1] =	wrdreg $0xFFFFFFFF  }
0xc9: {  	_ =	task.clear_ibuf [dreg:s8], $0x2FFFF;
	_ =	strace $0x9FFFFFFF  }
0xca: {  	(tm) =	ssettm $0x7FFFFFFF  }
0xcb: {  	_ =	shalt  }
tec
execute0_lowered:
.L_overlay_start_1:
0x0: {  	(tag) =	ssettag $0x1  }
0x1: {  	s1 =	rddreg [dreg:$0x0]  }
0x2: {  	s0 =	rddreg [dreg:$0x1]  }
0x3: {  	s2 =	srdreg.scid;
	s4 =	rddreg [dreg:$0x2]  }
0x4: {  	s9 =	stileid.u32;
	s3 =	rddreg [dreg:$0x3]  }
0x5: {  	s7 =	simm.s32 $0x0;
	s13 =	simm.s32 $0xB;
	s14 =	simm.s32 $0x5000  }
0x6: {  	s15 =	simm.s32 $0xA000;
	s16 =	simm.s32 $0x7D;
	s18 =	simm.s32 $0xBF40  }
0x7: {  	s20 =	simm.s32 $0xDE80;
	s28 =	simm.s32 $0x2;
	s30 =	simm.s32 $0x6  }
0x8: {  	s29 =	simm.s32 $0x8;
	s17 =	simm.s32 $0x5;
	s5 =	smul.u32 $0x5000, s9  }
0x9: {  	s31 =	simm.s32 $0xA;
	s19 =	simm.s32 $0x0;
	s8 =	smul.u32 $0x27100, s9  }
0xa: {  	s2 =	sand.u32 $0x1, s2;
	[smem:$0x7FF] =	sst s7;
	s12 =	smul.u32 $0x9C40, s9  }
0xb: {  	s6 =	smul.u32 $0x50000, s2;
	_ =	strace $0x8000004D;
	s21 =	ssub.s32 $0x2, s2  }
0xc: {  	s2 =	smul.u32 $0x13880, s2;
	s22 =	sshrl.u32 s21, $0x1;
	s23 =	sshrl.u32 s8, $0x2  }
0xd: {  	s7 =	sadd.s32 s12, s3;
	s26 =	sshrl.u32 s12, $0x3;
	s6 =	sadd.s32 s5, s6  }
0xe: {  	s5 =	sshrl.u32 s5, $0x3;
	s24 =	sadd.s32 s23, s3;
	s25 =	sadd.s32 s4, s2  }
0xf: {  	s23 =	simm.s32 $0x1;
	s2 =	simm.s32 $0x3;
	s6 =	sshrl.u32 s6, $0x3  }
0x10: {  	s8 =	sadd.s32 $0x1F40, s24;
	s9 =	sadd.s32 $0x3E80, s24;
	s10 =	sadd.s32 $0x5DC0, s24  }
0x11: {  	s11 =	sadd.s32 $0x7D00, s24;
	s24 =	sadd.s32 s26, s25;
	s26 =	simm.s32 $0x11D00  }
0x12: {  	s25 =	simm.s32 $0x9;
	s6 =	sadd.s32 s6, s0;
	s0 =	sadd.s32 s5, s0  }
0x13: {  	s5 =	ssub.s32 s21, s22;
	s22 =	simm.s32 $0xFDC0;
	s6 =	sadd.s32 $0x1C00, s6  }
0x14: {  	s21 =	simm.s32 $0x4;
	s0 =	sadd.s32 $0x15C00, s0;
	[dreg:$0x5] =	wrdreg s6  }
0x15: {  	v0 =	vimm.f32 $0.0e+00;
	s12 =	smax.u32 s5, $0x1;
	[dreg:$0x6] =	wrdreg s0;
	s0 =	simm.s32 $0x7  }
.LBB2_1:
0x16: {  	s4 =	simm.s32 $0x0;
	s5 =	rddreg [dreg:$0x5]  }
0x17: {  	[tilespmem:s4], [sflag:$0xB] =	stream.linear.gather [hbm4b:s5+s4], $0x5000, $0x38;
	[tilespmem:$0x1D880] =	vst v63  }
0x18: {  	_ =	swait.ge [sflag:s13], $0x5000  }
0x19: {  	[sflag:s13] =	ssyncset.done $0x0  }
0x1a: {  	s6 =	rddreg [dreg:$0x6];
	[sflag:s13] =	ssyncadd.s32 $0xFFFFB000  }
0x1b: {  	[tilespmem:s14], [sflag:$0xB] =	stream.linear.gather [hbm4b:s6+s4], $0x5000, $0x38;
	[tilespmem:$0x1D880] =	vst v63  }
0x1c: {  	_ =	swait.ge [sflag:s13], $0x5000  }
0x1d: {  	[sflag:s13] =	ssyncset.done $0x0  }
0x1e: {  	s5 =	simm.s32 $0x100;
	s4 =	simm.s32 $0x0;
	[sflag:s13] =	ssyncadd.s32 $0xFFFFB000  }
.LBB2_2:
0x1f: {  	p0 =	sne.s32 s5, $0x7C00;
	[tilespmem:s4+$0xA030] =	vst v0;
	s6 =	smov.u32 s5;
	s5 =	sadd.s32 $0x100, s5  }
.Ltmp0:
0x20: {  	[tilespmem:s4+$0xA020] =	vst v0;
	(pc) =	sbr.rel @p0 .LBB2_2-.Ltmp0, $3  }
0x21: {  	[tilespmem:s4+$0xA000] =	vst v0  }
0x22: {  	[tilespmem:s4+$0xA010] =	vst v0;
	_ =	sdelay $0x1  }
0x23: {  	s4 =	sshra.s32 s6, $0x2  }
0x24: {  	[tilespmem:s4+$0xA030] =	vst v0  }
0x25: {  	[tilespmem:s4+$0xA020] =	vst v0  }
0x26: {  	[tilespmem:s4+$0xA000] =	vst v0  }
0x27: {  	[tilespmem:s4+$0xA010] =	vst v0  }
0x28: {  	[spmem:s7] =	stream.linear.scatter [tilespmem:s15], [sflag:$0xB], $0x1F40, $0x38;
	[tilespmem:$0x1D880] =	vst v63  }
0x29: {  	_ =	swait.ge [sflag:s13], $0x1F40  }
0x2a: {  	[sflag:s13] =	ssyncset.done $0x0  }
0x2b: {  	[sflag:s13] =	ssyncadd.s32 $0xFFFFE0C0  }
0x2c: {  	[spmem:s8] =	stream.linear.scatter [tilespmem:s15], [sflag:$0xB], $0x1F40, $0x38;
	[tilespmem:$0x1D880] =	vst v63  }
0x2d: {  	_ =	swait.ge [sflag:s13], $0x1F40  }
0x2e: {  	[sflag:s13] =	ssyncset.done $0x0  }
0x2f: {  	[sflag:s13] =	ssyncadd.s32 $0xFFFFE0C0  }
0x30: {  	[spmem:s9] =	stream.linear.scatter [tilespmem:s15], [sflag:$0xB], $0x1F40, $0x38;
	[tilespmem:$0x1D880] =	vst v63  }
0x31: {  	_ =	swait.ge [sflag:s13], $0x1F40  }
0x32: {  	[sflag:s13] =	ssyncset.done $0x0  }
0x33: {  	[sflag:s13] =	ssyncadd.s32 $0xFFFFE0C0  }
0x34: {  	[spmem:s10] =	stream.linear.scatter [tilespmem:s15], [sflag:$0xB], $0x1F40, $0x38;
	[tilespmem:$0x1D880] =	vst v63  }
0x35: {  	_ =	swait.ge [sflag:s13], $0x1F40  }
0x36: {  	[sflag:s13] =	ssyncset.done $0x0  }
0x37: {  	[sflag:s13] =	ssyncadd.s32 $0xFFFFE0C0  }
0x38: {  	[spmem:s11] =	stream.linear.scatter [tilespmem:s15], [sflag:$0xB], $0x1F40, $0x38;
	[tilespmem:$0x1D880] =	vst v63  }
0x39: {  	_ =	swait.ge [sflag:s13], $0x1F40  }
0x3a: {  	[sflag:s13] =	ssyncset.done $0x0  }
0x3b: {  	[sflag:s13] =	ssyncadd.s32 $0xFFFFE0C0  }
0x3c: {  	s6 =	simm.s32 $0x0;
	[bflag:$0x0] =	sbarrier.arrive $0xFFFF  }
0x3d: {  	[tilespmem:s15], [sflag:$0x1] =	stream.indirect.gather [hbm4b:s1+s16], $0x40, s6, s16, $0xb8;
	[tilespmem:$0x1D880] =	vst v63  }
0x3e: {  	s5 =	simm.s32 $0x80  }
0x3f: {  	[tilespmem:s18], [sflag:$0x2] =	stream.indirect.gather [hbm4b:s1+s16], $0x40, s5, s16, $0xb8;
	[tilespmem:$0x1D880] =	vst v63  }
0x40: {  	s6 =	simm.s32 $0x100  }
0x41: {  	[tilespmem:s20], [sflag:$0x3] =	stream.indirect.gather [hbm4b:s1+s16], $0x40, s6, s16, $0xb8;
	[tilespmem:$0x1D880] =	vst v63  }
0x42: {  	s5 =	simm.s32 $0x180  }
0x43: {  	[tilespmem:s22], [sflag:$0x4] =	stream.indirect.gather [hbm4b:s1+s16], $0x40, s5, s16, $0xb8;
	[tilespmem:$0x1D880] =	vst v63  }
0x44: {  	_ =	swait.ge [sflag:s23], $0x1F40  }
0x45: {  	[sflag:s23] =	ssyncset.done $0x0  }
0x46: {  	[sflag:s23] =	ssyncadd.s32 $0xFFFFE0C0  }
0x47: {  	[spmem:s3] =	stream.indirect.scatter.add.f32 [tilespmem:s15], [sflag:$0x6], $0x40, s14, s16, $0xb8;
	[tilespmem:$0x1D880] =	vst v63  }
0x48: {  	s6 =	simm.s32 $0x200  }
0x49: {  	[tilespmem:s26], [sflag:$0x5] =	stream.indirect.gather [hbm4b:s1+s16], $0x40, s6, s16, $0xb8;
	[tilespmem:$0x1D880] =	vst v63  }
0x4a: {  	_ =	swait.ge [sflag:s28], $0x1F40  }
0x4b: {  	[sflag:s28] =	ssyncset.done $0x0  }
0x4c: {  	s5 =	simm.s32 $0x5080;
	[sflag:s28] =	ssyncadd.s32 $0xFFFFE0C0  }
0x4d: {  	[spmem:s3] =	stream.indirect.scatter.add.f32 [tilespmem:s18], [sflag:$0x7], $0x40, s5, s16, $0xb8;
	[tilespmem:$0x1D880] =	vst v63  }
0x4e: {  	_ =	swait.ge [sflag:s30], $0x1F40  }
0x4f: {  	[sflag:s30] =	ssyncset.done $0x0  }
0x50: {  	s6 =	simm.s32 $0x280;
	[sflag:s30] =	ssyncadd.s32 $0xFFFFE0C0  }
0x51: {  	[tilespmem:s15], [sflag:$0x1] =	stream.indirect.gather [hbm4b:s1+s16], $0x40, s6, s16, $0xb8;
	[tilespmem:$0x1D880] =	vst v63  }
0x52: {  	_ =	swait.ge [sflag:s2], $0x1F40  }
0x53: {  	[sflag:s2] =	ssyncset.done $0x0  }
0x54: {  	s5 =	simm.s32 $0x5100;
	[sflag:s2] =	ssyncadd.s32 $0xFFFFE0C0  }
0x55: {  	[spmem:s3] =	stream.indirect.scatter.add.f32 [tilespmem:s20], [sflag:$0x8], $0x40, s5, s16, $0xb8;
	[tilespmem:$0x1D880] =	vst v63  }
0x56: {  	_ =	swait.ge [sflag:s0], $0x1F40  }
0x57: {  	[sflag:s0] =	ssyncset.done $0x0  }
0x58: {  	s6 =	simm.s32 $0x300;
	[sflag:s0] =	ssyncadd.s32 $0xFFFFE0C0  }
0x59: {  	[tilespmem:s18], [sflag:$0x2] =	stream.indirect.gather [hbm4b:s1+s16], $0x40, s6, s16, $0xb8;
	[tilespmem:$0x1D880] =	vst v63  }
0x5a: {  	_ =	swait.ge [sflag:s21], $0x1F40  }
0x5b: {  	[sflag:s21] =	ssyncset.done $0x0  }
0x5c: {  	s5 =	simm.s32 $0x5180;
	[sflag:s21] =	ssyncadd.s32 $0xFFFFE0C0  }
0x5d: {  	[spmem:s3] =	stream.indirect.scatter.add.f32 [tilespmem:s22], [sflag:$0x9], $0x40, s5, s16, $0xb8;
	[tilespmem:$0x1D880] =	vst v63  }
0x5e: {  	_ =	swait.ge [sflag:s29], $0x1F40  }
0x5f: {  	[sflag:s29] =	ssyncset.done $0x0  }
0x60: {  	s6 =	simm.s32 $0x380;
	[sflag:s29] =	ssyncadd.s32 $0xFFFFE0C0  }
0x61: {  	[tilespmem:s20], [sflag:$0x3] =	stream.indirect.gather [hbm4b:s1+s16], $0x40, s6, s16, $0xb8;
	[tilespmem:$0x1D880] =	vst v63  }
0x62: {  	_ =	swait.ge [sflag:s17], $0x1F40  }
0x63: {  	[sflag:s17] =	ssyncset.done $0x0  }
0x64: {  	s5 =	simm.s32 $0x5200;
	[sflag:s17] =	ssyncadd.s32 $0xFFFFE0C0  }
0x65: {  	[spmem:s3] =	stream.indirect.scatter.add.f32 [tilespmem:s26], [sflag:$0xA], $0x40, s5, s16, $0xb8;
	[tilespmem:$0x1D880] =	vst v63  }
0x66: {  	_ =	swait.ge [sflag:s25], $0x1F40  }
0x67: {  	[sflag:s25] =	ssyncset.done $0x0  }
0x68: {  	s6 =	simm.s32 $0x400;
	[sflag:s25] =	ssyncadd.s32 $0xFFFFE0C0  }
0x69: {  	[tilespmem:s22], [sflag:$0x4] =	stream.indirect.gather [hbm4b:s1+s16], $0x40, s6, s16, $0xb8;
	[tilespmem:$0x1D880] =	vst v63  }
0x6a: {  	_ =	swait.ge [sflag:s23], $0x1F40  }
0x6b: {  	[sflag:s23] =	ssyncset.done $0x0  }
0x6c: {  	s5 =	simm.s32 $0x5280;
	[sflag:s23] =	ssyncadd.s32 $0xFFFFE0C0  }
0x6d: {  	[spmem:s3] =	stream.indirect.scatter.add.f32 [tilespmem:s15], [sflag:$0x6], $0x40, s5, s16, $0xb8;
	[tilespmem:$0x1D880] =	vst v63  }
0x6e: {  	_ =	swait.ge [sflag:s31], $0x1F40  }
0x6f: {  	[sflag:s31] =	ssyncset.done $0x0  }
0x70: {  	s6 =	simm.s32 $0x480;
	[sflag:s31] =	ssyncadd.s32 $0xFFFFE0C0  }
0x71: {  	[tilespmem:s26], [sflag:$0x5] =	stream.indirect.gather [hbm4b:s1+s16], $0x40, s6, s16, $0xb8;
	[tilespmem:$0x1D880] =	vst v63  }
0x72: {  	_ =	swait.ge [sflag:s28], $0x1F40  }
0x73: {  	[sflag:s28] =	ssyncset.done $0x0  }
0x74: {  	s5 =	simm.s32 $0x5300;
	[sflag:s28] =	ssyncadd.s32 $0xFFFFE0C0  }
0x75: {  	[spmem:s3] =	stream.indirect.scatter.add.f32 [tilespmem:s18], [sflag:$0x7], $0x40, s5, s16, $0xb8;
	[tilespmem:$0x1D880] =	vst v63  }
0x76: {  	_ =	swait.ge [sflag:s30], $0x1F40  }
0x77: {  	[sflag:s30] =	ssyncset.done $0x0  }
0x78: {  	s6 =	simm.s32 $0x500;
	[sflag:s30] =	ssyncadd.s32 $0xFFFFE0C0  }
0x79: {  	[tilespmem:s15], [sflag:$0x1] =	stream.indirect.gather [hbm4b:s1+s16], $0x40, s6, s16, $0xb8;
	[tilespmem:$0x1D880] =	vst v63  }
0x7a: {  	_ =	swait.ge [sflag:s2], $0x1F40  }
0x7b: {  	[sflag:s2] =	ssyncset.done $0x0  }
0x7c: {  	s5 =	simm.s32 $0x5380;
	[sflag:s2] =	ssyncadd.s32 $0xFFFFE0C0  }
0x7d: {  	[spmem:s3] =	stream.indirect.scatter.add.f32 [tilespmem:s20], [sflag:$0x8], $0x40, s5, s16, $0xb8;
	[tilespmem:$0x1D880] =	vst v63  }
0x7e: {  	_ =	swait.ge [sflag:s0], $0x1F40  }
0x7f: {  	[sflag:s0] =	ssyncset.done $0x0  }
0x80: {  	s6 =	simm.s32 $0x580;
	[sflag:s0] =	ssyncadd.s32 $0xFFFFE0C0  }
0x81: {  	[tilespmem:s18], [sflag:$0x2] =	stream.indirect.gather [hbm4b:s1+s16], $0x40, s6, s16, $0xb8;
	[tilespmem:$0x1D880] =	vst v63  }
0x82: {  	_ =	swait.ge [sflag:s21], $0x1F40  }
0x83: {  	[sflag:s21] =	ssyncset.done $0x0  }
0x84: {  	s5 =	simm.s32 $0x5400;
	[sflag:s21] =	ssyncadd.s32 $0xFFFFE0C0  }
0x85: {  	[spmem:s3] =	stream.indirect.scatter.add.f32 [tilespmem:s22], [sflag:$0x9], $0x40, s5, s16, $0xb8;
	[tilespmem:$0x1D880] =	vst v63  }
0x86: {  	_ =	swait.ge [sflag:s29], $0x1F40  }
0x87: {  	[sflag:s29] =	ssyncset.done $0x0  }
0x88: {  	s6 =	simm.s32 $0x600;
	[sflag:s29] =	ssyncadd.s32 $0xFFFFE0C0  }
0x89: {  	[tilespmem:s20], [sflag:$0x3] =	stream.indirect.gather [hbm4b:s1+s16], $0x40, s6, s16, $0xb8;
	[tilespmem:$0x1D880] =	vst v63  }
0x8a: {  	_ =	swait.ge [sflag:s17], $0x1F40  }
0x8b: {  	[sflag:s17] =	ssyncset.done $0x0  }
0x8c: {  	s4 =	simm.s32 $0xA00;
	s5 =	simm.s32 $0x5480;
	[sflag:s17] =	ssyncadd.s32 $0xFFFFE0C0  }
.LBB2_4:
0x8d: {  	[spmem:s3] =	stream.indirect.scatter.add.f32 [tilespmem:s26], [sflag:$0xA], $0x40, s5, s16, $0xb8;
	[tilespmem:$0x1D880] =	vst v63  }
0x8e: {  	s5 =	smov.u32 s4;
	s4 =	sadd.s32 $0xA00, s4;
	_ =	swait.ge [sflag:s25], $0x1F40  }
0x8f: {  	s5 =	sshra.s32 s5, $0x2;
	p0 =	sne.s32 s4, $0x12C00;
	[sflag:s25] =	ssyncset.done $0x0  }
0x90: {  	s6 =	sadd.s32 $0x400, s5;
	[sflag:s25] =	ssyncadd.s32 $0xFFFFE0C0  }
0x91: {  	[tilespmem:s22], [sflag:$0x4] =	stream.indirect.gather [hbm4b:s1+s16], $0x40, s6, s16, $0xb8;
	[tilespmem:$0x1D880] =	vst v63  }
0x92: {  	_ =	swait.ge [sflag:s23], $0x1F40  }
0x93: {  	[sflag:s23] =	ssyncset.done $0x0  }
0x94: {  	s6 =	sadd.s32 $0x5280, s5;
	[sflag:s23] =	ssyncadd.s32 $0xFFFFE0C0  }
0x95: {  	[spmem:s3] =	stream.indirect.scatter.add.f32 [tilespmem:s15], [sflag:$0x6], $0x40, s6, s16, $0xb8;
	[tilespmem:$0x1D880] =	vst v63  }
0x96: {  	_ =	swait.ge [sflag:s31], $0x1F40  }
0x97: {  	[sflag:s31] =	ssyncset.done $0x0  }
0x98: {  	s6 =	sadd.s32 $0x480, s5;
	[sflag:s31] =	ssyncadd.s32 $0xFFFFE0C0  }
0x99: {  	[tilespmem:s26], [sflag:$0x5] =	stream.indirect.gather [hbm4b:s1+s16], $0x40, s6, s16, $0xb8;
	[tilespmem:$0x1D880] =	vst v63  }
0x9a: {  	_ =	swait.ge [sflag:s28], $0x1F40  }
0x9b: {  	[sflag:s28] =	ssyncset.done $0x0  }
0x9c: {  	s6 =	sadd.s32 $0x5300, s5;
	[sflag:s28] =	ssyncadd.s32 $0xFFFFE0C0  }
0x9d: {  	[spmem:s3] =	stream.indirect.scatter.add.f32 [tilespmem:s18], [sflag:$0x7], $0x40, s6, s16, $0xb8;
	[tilespmem:$0x1D880] =	vst v63  }
0x9e: {  	_ =	swait.ge [sflag:s30], $0x1F40  }
0x9f: {  	[sflag:s30] =	ssyncset.done $0x0  }
0xa0: {  	s6 =	sadd.s32 $0x500, s5;
	[sflag:s30] =	ssyncadd.s32 $0xFFFFE0C0  }
0xa1: {  	[tilespmem:s15], [sflag:$0x1] =	stream.indirect.gather [hbm4b:s1+s16], $0x40, s6, s16, $0xb8;
	[tilespmem:$0x1D880] =	vst v63  }
0xa2: {  	_ =	swait.ge [sflag:s2], $0x1F40  }
0xa3: {  	[sflag:s2] =	ssyncset.done $0x0  }
0xa4: {  	s6 =	sadd.s32 $0x5380, s5;
	[sflag:s2] =	ssyncadd.s32 $0xFFFFE0C0  }
0xa5: {  	[spmem:s3] =	stream.indirect.scatter.add.f32 [tilespmem:s20], [sflag:$0x8], $0x40, s6, s16, $0xb8;
	[tilespmem:$0x1D880] =	vst v63  }
0xa6: {  	_ =	swait.ge [sflag:s0], $0x1F40  }
0xa7: {  	[sflag:s0] =	ssyncset.done $0x0  }
0xa8: {  	s6 =	sadd.s32 $0x580, s5;
	[sflag:s0] =	ssyncadd.s32 $0xFFFFE0C0  }
0xa9: {  	[tilespmem:s18], [sflag:$0x2] =	stream.indirect.gather [hbm4b:s1+s16], $0x40, s6, s16, $0xb8;
	[tilespmem:$0x1D880] =	vst v63  }
0xaa: {  	_ =	swait.ge [sflag:s21], $0x1F40  }
0xab: {  	[sflag:s21] =	ssyncset.done $0x0  }
0xac: {  	s6 =	sadd.s32 $0x5400, s5;
	[sflag:s21] =	ssyncadd.s32 $0xFFFFE0C0  }
0xad: {  	[spmem:s3] =	stream.indirect.scatter.add.f32 [tilespmem:s22], [sflag:$0x9], $0x40, s6, s16, $0xb8;
	[tilespmem:$0x1D880] =	vst v63  }
0xae: {  	_ =	swait.ge [sflag:s29], $0x1F40  }
0xaf: {  	[sflag:s29] =	ssyncset.done $0x0  }
.Ltmp1:
0xb0: {  	s6 =	sadd.s32 $0x600, s5;
	[sflag:s29] =	ssyncadd.s32 $0xFFFFE0C0;
	(pc) =	sbr.rel @p0 .LBB2_4-.Ltmp1, $4  }
0xb1: {  	[tilespmem:s20], [sflag:$0x3] =	stream.indirect.gather [hbm4b:s1+s16], $0x40, s6, s16, $0xb8;
	[tilespmem:$0x1D880] =	vst v63  }
0xb2: {  	_ =	swait.ge [sflag:s17], $0x1F40  }
0xb3: {  	[sflag:s17] =	ssyncset.done $0x0  }
0xb4: {  	s5 =	sadd.s32 $0x5480, s5;
	[sflag:s17] =	ssyncadd.s32 $0xFFFFE0C0  }
0xb5: {  	[spmem:s3] =	stream.indirect.scatter.add.f32 [tilespmem:s26], [sflag:$0xA], $0x40, s5, s16, $0xb8;
	[tilespmem:$0x1D880] =	vst v63  }
0xb6: {  	_ =	swait.ge [sflag:s25], $0x1F40  }
0xb7: {  	s4 =	sshra.s32 s4, $0x2;
	[sflag:s25] =	ssyncset.done $0x0  }
0xb8: {  	s6 =	sadd.s32 $0x400, s4;
	[sflag:s25] =	ssyncadd.s32 $0xFFFFE0C0  }
0xb9: {  	[tilespmem:s22], [sflag:$0x4] =	stream.indirect.gather [hbm4b:s1+s16], $0x40, s6, s16, $0xb8;
	[tilespmem:$0x1D880] =	vst v63  }
0xba: {  	_ =	swait.ge [sflag:s23], $0x1F40  }
0xbb: {  	[sflag:s23] =	ssyncset.done $0x0  }
0xbc: {  	s6 =	sadd.s32 $0x5280, s4;
	[sflag:s23] =	ssyncadd.s32 $0xFFFFE0C0  }
0xbd: {  	[spmem:s3] =	stream.indirect.scatter.add.f32 [tilespmem:s15], [sflag:$0x6], $0x40, s6, s16, $0xb8;
	[tilespmem:$0x1D880] =	vst v63  }
0xbe: {  	_ =	swait.ge [sflag:s31], $0x1F40  }
0xbf: {  	[sflag:s31] =	ssyncset.done $0x0  }
0xc0: {  	s6 =	simm.s32 $0x4F80;
	[sflag:s31] =	ssyncadd.s32 $0xFFFFE0C0  }
0xc1: {  	[tilespmem:s26], [sflag:$0x5] =	stream.indirect.gather [hbm4b:s1+s16], $0x40, s6, s16, $0xb8;
	[tilespmem:$0x1D880] =	vst v63  }
0xc2: {  	_ =	swait.ge [sflag:s28], $0x1F40  }
0xc3: {  	[sflag:s28] =	ssyncset.done $0x0  }
0xc4: {  	s6 =	sadd.s32 $0x5300, s4;
	[sflag:s28] =	ssyncadd.s32 $0xFFFFE0C0  }
0xc5: {  	[spmem:s3] =	stream.indirect.scatter.add.f32 [tilespmem:s18], [sflag:$0x7], $0x40, s6, s16, $0xb8;
	[tilespmem:$0x1D880] =	vst v63  }
0xc6: {  	_ =	swait.ge [sflag:s2], $0x1F40  }
0xc7: {  	[sflag:s2] =	ssyncset.done $0x0  }
0xc8: {  	s6 =	sadd.s32 $0x5380, s4;
	[sflag:s2] =	ssyncadd.s32 $0xFFFFE0C0  }
0xc9: {  	[spmem:s3] =	stream.indirect.scatter.add.f32 [tilespmem:s20], [sflag:$0x8], $0x40, s6, s16, $0xb8;
	[tilespmem:$0x1D880] =	vst v63  }
0xca: {  	_ =	swait.ge [sflag:s21], $0x1F40  }
0xcb: {  	[sflag:s21] =	ssyncset.done $0x0  }
0xcc: {  	s4 =	sadd.s32 $0x5400, s4;
	[sflag:s21] =	ssyncadd.s32 $0xFFFFE0C0  }
0xcd: {  	[spmem:s3] =	stream.indirect.scatter.add.f32 [tilespmem:s22], [sflag:$0x9], $0x40, s4, s16, $0xb8;
	[tilespmem:$0x1D880] =	vst v63  }
0xce: {  	_ =	swait.ge [sflag:s17], $0x1F40  }
0xcf: {  	[sflag:s17] =	ssyncset.done $0x0  }
0xd0: {  	s6 =	simm.s32 $0x9F80;
	[sflag:s17] =	ssyncadd.s32 $0xFFFFE0C0  }
0xd1: {  	[spmem:s3] =	stream.indirect.scatter.add.f32 [tilespmem:s26], [sflag:$0xA], $0x40, s6, s16, $0xb8;
	[tilespmem:$0x1D880] =	vst v63  }
0xd2: {  	_ =	swait.ge [sflag:s30], $0x1F40  }
0xd3: {  	[sflag:s30] =	ssyncset.done $0x0  }
0xd4: {  	[sflag:s30] =	ssyncadd.s32 $0xFFFFE0C0  }
0xd5: {  	_ =	swait.ge [sflag:s0], $0x1F40  }
0xd6: {  	[sflag:s0] =	ssyncset.done $0x0  }
0xd7: {  	[sflag:s0] =	ssyncadd.s32 $0xFFFFE0C0  }
0xd8: {  	_ =	swait.ge [sflag:s29], $0x1F40  }
0xd9: {  	[sflag:s29] =	ssyncset.done $0x0  }
0xda: {  	[sflag:s29] =	ssyncadd.s32 $0xFFFFE0C0  }
0xdb: {  	_ =	swait.ge [sflag:s25], $0x1F40  }
0xdc: {  	[sflag:s25] =	ssyncset.done $0x0  }
0xdd: {  	[sflag:s25] =	ssyncadd.s32 $0xFFFFE0C0  }
0xde: {  	s5 =	stileid.u32;
	_ =	swait.ge [sflag:s31], $0x1F40  }
0xdf: {  	s19 =	sadd.s32 $0x1, s19;
	s4 =	sshll.u32 s5, $0x6;
	[sflag:s31] =	ssyncset.done $0x0  }
0xe0: {  	p0 =	sne.s32 s19, s12;
	s4 =	sor.u32 $0x1C0B, s4;
	[sflag:s31] =	ssyncadd.s32 $0xFFFFE0C0  }
.Ltmp2:
0xe1: {  	s6 =	sshrl.u32 s7, $0x3;
	[bflag:$0x0] =	sbarrier.arrive $0xFFFF;
	(pc) =	sbr.rel @p0 .LBB2_1-.Ltmp2, $4  }
0xe2: {  	[hbm:s24], [sflag:s4] =	dma.local [spmem:s6], $0x1388  }
0xe3: {  	_ =	swait.ge [sflag:s13], $0x1388  }
0xe4: {  	[sflag:s13] =	ssyncset.done $0x0  }
0xe5: {  	[sflag:s13] =	ssyncadd.s32 $0xFFFFEC78  }
0xe6: {  	_ =	sfence.sel $0x180000  }
0xe7: {  	[bflag:$0x0] =	sbarrier.arrive $0xFFFF  }
0xe8: {  	_ =	strace $0x9000004D  }
0xe9: {  	s0 =	stileid.u32;
	[bflag:$0x2] =	sbarrier.arrive $0xFFFF  }
0xea: {  	p0 =	sne.s32 s0, $0x0;
	s0 =	rddreg [dreg:$0x4]  }
0xeb: {  	s0 =	sadd.s32 @!p0 $0x100000, s0  }
0xec: {  	[sflag:s0] =	ssyncadd.tile.s32 @!p0 $0x1;
	_ =	shalt  }
.Lfunc_end2:
_tile_overlayer_lowered:
.L_overlay_start_2:
0xed: {  	(tag) =	ssettag $0x2  }
0xee: {  	s0 =	rddreg [dreg:$0x0];
	s2 =	stileid.u32  }
0xef: {  	s1 =	rddreg [dreg:$0x1];
	p0 =	sne.s32 s2, $0x0  }
0xf0: {  	s3 =	rddreg [dreg:$0x2];
	[bflag:$0x3] =	sbarrier.arrive $0xFFFF;
	s2 =	simm.s32 @!p0 $0x1C0B  }
0xf1: {  	[timem:s3], [sflag:s2] =	dma.local @!p0 [hbm:s0], s1  }
0xf2: {  	s0 =	simm.s32 @!p0 $0xB  }
0xf3: {  	_ =	swait.ge @!p0 [sflag:s0], s1  }
0xf4: {  	s1 =	ssub.s32 @!p0 $0x0, s1;
	[sflag:s0] =	ssyncset.done @!p0 $0x0  }
0xf5: {  	[sflag:s0] =	ssyncadd.s32 @!p0 s1  }
0xf6: {  	[bflag:$0x3] =	sbarrier.arrive $0xFFFF  }
0xf7: {  	_ =	shalt  }

// kernel: kernel.8.cloned.1.call-start
scs
__scs_entry_jumppad:
0x0: {  	(pc) =	sbr.rel $0x88, $3  }
0x1: {  	(tag) =	ssettag $0x0;
	lr =	simm.s32 $0x1  }
0x2: {  	[smem:$0x3F99] =	sst lr;
	_ =	strace $0xD0000000  }
0x3: {  	_ = 	snop  }
0x4: {  	_ = 	snop  }
0x5: {  	_ = 	snop  }
0x6: {  	_ = 	snop  }
0x7: {  	_ = 	snop  }
__scs_overlays_trampoline_lowered:
0x8: {  	[smem:$0x3FA8] =	sst s0  }
0x9: {  	[smem:$0x3FA9] =	sst s1  }
0xa: {  	[smem:$0x3FAA] =	sst s2  }
0xb: {  	[smem:$0x3FAB] =	sst s3  }
0xc: {  	[smem:$0x3FAC] =	sst s4  }
0xd: {  	[smem:$0x3FAD] =	sst s5  }
0xe: {  	[smem:$0x3FAE] =	sst s6  }
0xf: {  	[smem:$0x3FAF] =	sst s7  }
0x10: {  	[smem:$0x3FB0] =	sst s8  }
0x11: {  	[smem:$0x3FB1] =	sst s9;
	s0 =	simm.s32 @!p0 $0x0  }
0x12: {  	s1 =	sld [smem:$0x3F97];
	s0 =	simm.s32 @p0 $0x1  }
0x13: {  	[smem:$0x3FB2] =	sst s0;
	s0 =	simm.s32 @!p1 $0x0  }
0x14: {  	s2 =	sld [smem:$0x3F96];
	s0 =	simm.s32 @p1 $0x1  }
0x15: {  	[smem:$0x3FB3] =	sst s0;
	s0 =	simm.s32 @!p2 $0x0  }
0x16: {  	s3 =	sld [smem:$0x3FDB];
	s0 =	simm.s32 @p2 $0x1  }
0x17: {  	s4 =	simm.s32 $0x1BF5;
	[smem:$0x3FB5] =	sst s0  }
0x18: {  	s0 =	sld [smem:$0x3F98];
	_ =	swait.ge [sflag:s4], $0x0  }
0x19: {  	s7 =	sld [smem:$0x3F99]  }
0x1a: {  	s8 =	sadd.s32 $0xFFFFE003, lr  }
0x1b: {  	s9 =	sadd.s32 $0xFFFFFEF7, lr;
	s5 =	simm.s32 $0xFFFFFFFF;
	p2 =	slt.u32 s8, $0xFFFFF086  }
0x1c: {  	p1 =	slt.u32 s9, $0xF7A;
	s5 =	simm.s32 @!p2 $0x0  }
0x1d: {  	s5 =	simm.s32 @p1 $0x1;
	p0 =	seq.s32 s7, s2  }
0x1e: {  	s7 =	smul.u32 @!p0 $0xF7A, s2;
	p2 =	seq.s32 @!p0 s5, $0x0  }
0x1f: {  	s9 =	smul.u32 $0xF7A, s1;
	s8 =	simm.s32 @!p0 $0x1BF5;
	p2 =	por !p2, p0  }
0x20: {  	[sflag:s8] =	ssyncset.s32 @!p0 $0xFFFFF086;
	s6 =	sadd.s32 @!p0 s3, s7;
	s7 =	simm.s32 @!p0 $0x108  }
0x21: {  	s3 =	sadd.s32 s3, s9;
	s6 =	sadd.s32 @!p0 $0x88, s6;
	s7 =	simm.s32 @p2 $0x1082  }
0x22: {  	[simem:s7], [sflag:s8] =	dma.local @!p0 [hbm:s6], $0xF7A  }
0x23: {  	s9 =	sor.u32 $0xD0000000, s2;
	s6 =	simm.s32 $0x108;
	_ =	swait.ge @!p0 [sflag:s8], $0x0  }
0x24: {  	s3 =	sadd.s32 $0x88, s3;
	s6 =	simm.s32 @!p1 $0x1082;
	[sflag:s4] =	ssyncset.s32 $0xFFFFF086  }
0x25: {  	[simem:s6], [sflag:s4] =	dma.local [hbm:s3], $0xF7A  }
0x26: {  	[smem:$0x3F99] =	sst s1;
	(tag) =	ssettag s2;
	_ =	strace s9  }
0x27: {  	s1 =	sld [smem:$0x3FA9]  }
0x28: {  	s2 =	sld [smem:$0x3FAA]  }
0x29: {  	s4 =	sld [smem:$0x3FAC]  }
0x2a: {  	p0 =	seq.s32 s5, $0x0;
	s5 =	sld [smem:$0x3FAD]  }
0x2b: {  	s6 =	sld [smem:$0x3FAE]  }
0x2c: {  	s7 =	sld [smem:$0x3FAF]  }
0x2d: {  	s3 =	simm.s32 $0x108;
	s8 =	sld [smem:$0x3FB0]  }
0x2e: {  	s3 =	simm.s32 @!p0 $0x1082;
	s9 =	sld [smem:$0x3FB1]  }
0x2f: {  	lr =	sadd.s32 s0, s3;
	s0 =	sld [smem:$0x3FA8]  }
0x30: {  	s3 =	sld [smem:$0x3FAB]  }
0x31: {  	[smem:$0x3FB4] =	sst s10  }
0x32: {  	s10 =	sld [smem:$0x3FB2];
	_ =	sdelay $0x3  }
0x33: {  	p0 =	seq.s32 s10, $0x1;
	s10 =	sld [smem:$0x3FB4];
	_ =	sdelay $0x3  }
0x34: {  	[smem:$0x3FB4] =	sst s10  }
0x35: {  	s10 =	sld [smem:$0x3FB3];
	_ =	sdelay $0x3  }
0x36: {  	p1 =	seq.s32 s10, $0x1;
	s10 =	sld [smem:$0x3FB4];
	_ =	sdelay $0x3  }
0x37: {  	[smem:$0x3FB4] =	sst s10  }
0x38: {  	s10 =	sld [smem:$0x3FB5]  }
0x39: {  	_ = 	snop;
	(pc) =	sbr.ind lr, $3  }
0x3a: {  	_ = 	snop  }
0x3b: {  	_ = 	snop  }
0x3c: {  	p2 =	seq.s32 s10, $0x1;
	s10 =	sld [smem:$0x3FB4]  }
0x3d: {  	_ =	shalt  }
0x3e: {  	_ =	shalt  }
0x3f: {  	_ =	shalt  }
0x40: {  	_ =	shalt  }
0x41: {  	_ =	shalt  }
0x42: {  	_ =	shalt  }
0x43: {  	_ =	shalt  }
0x44: {  	_ =	shalt  }
0x45: {  	_ =	shalt  }
0x46: {  	_ =	shalt  }
0x47: {  	_ =	shalt  }
0x48: {  	_ =	shalt  }
0x49: {  	_ =	shalt  }
0x4a: {  	_ =	shalt  }
0x4b: {  	_ =	shalt  }
0x4c: {  	_ =	shalt  }
0x4d: {  	_ =	shalt  }
0x4e: {  	_ =	shalt  }
0x4f: {  	_ =	shalt  }
0x50: {  	_ =	shalt  }
0x51: {  	_ =	shalt  }
0x52: {  	_ =	shalt  }
0x53: {  	_ =	shalt  }
0x54: {  	_ =	shalt  }
0x55: {  	_ =	shalt  }
0x56: {  	_ =	shalt  }
0x57: {  	_ =	shalt  }
0x58: {  	_ =	shalt  }
0x59: {  	_ =	shalt  }
0x5a: {  	_ =	shalt  }
0x5b: {  	_ =	shalt  }
0x5c: {  	_ =	shalt  }
0x5d: {  	_ =	shalt  }
0x5e: {  	_ =	shalt  }
0x5f: {  	_ =	shalt  }
0x60: {  	_ =	shalt  }
0x61: {  	_ =	shalt  }
0x62: {  	_ =	shalt  }
0x63: {  	_ =	shalt  }
0x64: {  	_ =	shalt  }
0x65: {  	_ =	shalt  }
0x66: {  	_ =	shalt  }
0x67: {  	_ =	shalt  }
0x68: {  	_ =	shalt  }
0x69: {  	_ =	shalt  }
0x6a: {  	_ =	shalt  }
0x6b: {  	_ =	shalt  }
0x6c: {  	_ =	shalt  }
0x6d: {  	_ =	shalt  }
0x6e: {  	_ =	shalt  }
0x6f: {  	_ =	shalt  }
0x70: {  	_ =	shalt  }
0x71: {  	_ =	shalt  }
0x72: {  	_ =	shalt  }
0x73: {  	_ =	shalt  }
0x74: {  	_ =	shalt  }
0x75: {  	_ =	shalt  }
0x76: {  	_ =	shalt  }
0x77: {  	_ =	shalt  }
0x78: {  	_ =	shalt  }
0x79: {  	_ =	shalt  }
0x7a: {  	_ =	shalt  }
0x7b: {  	_ =	shalt  }
0x7c: {  	_ =	shalt  }
0x7d: {  	_ =	shalt  }
0x7e: {  	_ =	shalt  }
0x7f: {  	_ =	shalt  }
0x80: {  	_ =	shalt  }
0x81: {  	_ =	shalt  }
0x82: {  	_ =	shalt  }
0x83: {  	_ =	shalt  }
0x84: {  	_ =	shalt  }
0x85: {  	_ =	shalt  }
0x86: {  	_ =	shalt  }
0x87: {  	_ =	shalt  }
.Lfunc_end0:
.L_simem_size_0:
called_computation_lowered:
.L_overlay_start_0:
0x88: {  	s2 =	sld [smem:$0x3FD9]  }
0x89: {  	s3 =	sld [smem:$0x3FFE];
	_ =	sdelay $0x1  }
0x8a: {  	s1 =	srdreg.scid  }
0x8b: {  	s0 =	sand.u32 $0x1, s1  }
0x8c: {  	s15 =	sshll.u32 s0, $0xA;
	s2 =	sadd.s32 s3, s2  }
0x8d: {  	s2 =	sadd.s32 s2, s15  }
0x8e: {  	[smem:$0x3FC0] =	sst s2  }
0x8f: {  	_ = 	snop  }
0x90: {  	s2 =	sld [smem:$0x3FD0];
	_ =	sdelay $0x2  }
0x91: {  	s16 =	simm.s32 $0xA;
	s4 =	simm.s32 $0x10  }
0x92: {  	[smem:s4], [sflag:s16] =	dma.local [hbm:s2], $0x1  }
0x93: {  	_ =	swait.eq [sflag:s16], $0x1  }
0x94: {  	[sflag:s16] =	ssyncset.done $0x0  }
0x95: {  	s17 =	sld [smem:$0x10];
	[sflag:s16] =	ssyncadd.s32 $0xFFFFFFFF  }
0x96: {  	s18 =	sld [smem:$0x11];
	(tm) =	ssettm $0x1  }
0x97: {  	s19 =	sld [smem:$0x3FFB];
	_ =	sdelay $0x3  }
0x98: {  	_ =	strace s19  }
0x99: {  	s4 =	sld [smem:$0x3FFC];
	_ =	sdelay $0x3  }
0x9a: {  	_ =	strace s4  }
0x9b: {  	s4 =	sld [smem:$0x3FFD];
	_ =	sdelay $0x3  }
0x9c: {  	_ =	strace s4  }
0x9d: {  	_ =	strace $0x8FFFFFFF  }
0x9e: {  	s20 =	sld [smem:$0x3FDB];
	_ =	sdelay $0x1  }
0x9f: {  	s5 =	simm.s32 $_scs_section_size  }
0xa0: {  	s6 =	simm.s32 $_size__tile_overlayer_lowered;
	s7 =	simm.s32 $_tile_overlayer_lowered  }
0xa1: {  	s23 =	simm.s32 $0x1BFF;
	s22 =	sshll.u32 s7, $0x1;
	s4 =	sadd.s32 s5, s20  }
0xa2: {  	s8 =	simm.s32 $0x0;
	s21 =	sshll.u32 s6, $0x1;
	s6 =	sadd.s32 s22, s4  }
0xa3: {  	[timem:s8], [sflag:s23] =	dma.local [hbm:s6], s21  }
0xa4: {  	_ =	swait.ge [sflag:s23], s21  }
0xa5: {  	s5 =	ssub.s32 $0x0, s21;
	[sflag:s23] =	ssyncset.done $0x0  }
0xa6: {  	[sflag:s23] =	ssyncadd.s32 s5;
	_ =	sdelay $0x1  }
0xa7: {  	s24 =	simm.s32 $0x1B8B  }
0xa8: {  	_ =	swait.ge [sflag:s24], $0x1  }
0xa9: {  	[sflag:s24] =	ssyncset.done $0x0  }
0xaa: {  	s25 =	simm.s32 $0x1B8E;
	[sflag:s24] =	ssyncadd.s32 $0xFFFFFFFF  }
0xab: {  	s26 =	simm.s32 $execute0_lowered;
	[smem:$0x3FD2] =	sst s25  }
0xac: {  	s5 =	sshll.u32 s26, $0x1;
	_ =	strace $0x80000046;
	[dreg:$0x1] =	wrdreg $0xFFFFFFFF  }
0xad: {  	s28 =	simm.s32 $_size_execute0_lowered;
	s4 =	sadd.s32 s4, s5;
	[dreg:$0x0] =	wrdreg $0x0  }
0xae: {  	s5 =	sshll.u32 s28, $0x1;
	[dreg:$0x2] =	wrdreg s4  }
0xaf: {  	[dreg:$0x3] =	wrdreg s5  }
0xb0: {  	[dreg:$0x4] =	wrdreg $0xC0  }
0xb1: {  	_ =	task [dreg:s8], $0x5FFFF  }
0xb2: {  	[dreg:$0x1] =	wrdreg $0xFFFFFFFF  }
0xb3: {  	[dreg:$0x0] =	wrdreg $0x60  }
0xb4: {  	[dreg:$0x2] =	wrdreg s18  }
0xb5: {  	[dreg:$0x3] =	wrdreg s17  }
0xb6: {  	[dreg:$0x4] =	wrdreg $0x9  }
0xb7: {  	_ =	task.clear_ibuf [dreg:s8], $0x5FFFF;
	_ =	strace $0x90000046  }
0xb8: {  	s29 =	simm.s32 $0x9;
	_ =	strace $0x80000048  }
0xb9: {  	_ =	swait.ge [sflag:s29], $0x1  }
0xba: {  	[sflag:s29] =	ssyncadd.s32 $0xFFFFFFFF  }
0xbb: {  	_ =	strace $0x90000048  }
0xbc: {  	_ =	sfence  }
0xbd: {  	s30 =	sld [smem:$0x0];
	_ =	sdelay $0x2  }
0xbe: {  	s31 =	sshll.u32 s1, $0xD;
	s1 =	sshrl.u32 s1, $0x2  }
0xbf: {  	s3 =	sand.u32 $0x4000, s31;
	s1 =	sadd.s32 s1, s30  }
0xc0: {  	s0 =	sor.u32 s3, s0;
	s1 =	sshll.u32 s1, $0x11  }
0xc1: {  	s0 =	sor.u32 s1, s0  }
0xc2: {  	s0 =	sadd.s32 $0x8F2B, s0  }
0xc3: {  	[sflag:s0] =	ssyncadd.remote.s32 $0x1  }
0xc4: {  	_ =	sfence.sel $0xFFFF  }
0xc5: {  	[dreg:$0x0] =	wrdreg $0xFFFFFFFF;
	(pc) =	sbr.abs _section_cstart, $3  }
0xc6: {  	[dreg:$0x1] =	wrdreg $0xFFFFFFFF  }
0xc7: {  	_ =	task.clear_ibuf [dreg:s8], $0x2FFFF;
	_ =	strace $0x9FFFFFFF  }
0xc8: {  	(tm) =	ssettm $0x7FFFFFFF  }
0xc9: {  	_ =	shalt  }
tec
execute0_lowered:
.L_overlay_start_1:
0x0: {  	(tag) =	ssettag $0x1  }
0x1: {  	s0 =	srdreg.scid  }
0x2: {  	s3 =	sand.u32 $0x1, s0  }
0x3: {  	s4 =	rddreg [dreg:$0x0];
	s0 =	stileid.u32;
	s1 =	sshll.u32 s3, $0x4  }
0x4: {  	s5 =	rddreg [dreg:$0x1];
	s2 =	simm.s32 $0x0;
	s6 =	sor.u32 s0, s1  }
0x5: {  	s9 =	simm.s32 $0x400;
	s10 =	simm.s32 $0x0;
	s7 =	sshrl.u32 s6, $0x3  }
0x6: {  	[smem:$0x7FF] =	sst s2;
	s8 =	sshll.u32 s0, $0x7;
	s7 =	smul.u32 $0x13C00, s7  }
0x7: {  	s3 =	ssub.s32 $0x2, s3;
	s1 =	rddreg [dreg:$0x2];
	s8 =	sand.u32 $0x380, s8  }
0x8: {  	_ =	strace $0x80000047;
	s31 =	sshrl.u32 s3, $0x1;
	s7 =	sor.u32 s8, s7  }
0x9: {  	s6 =	sshll.u32 s6, $0xB;
	s8 =	ssub.s32 s3, s31;
	s7 =	sshrl.u32 s7, $0x3  }
0xa: {  	s3 =	sadd.s32 s4, s6;
	s6 =	simm.s32 $0x1;
	s4 =	sadd.s32 s5, s7  }
0xb: {  	v0 =	vimm.f32 $0.0e+00;
	v1 =	vimm.f32 $1.000000000e+00;
	s5 =	smax.u32 s8, $0x1;
	s7 =	simm.s32 $0x4000;
	s8 =	simm.s32 $0x80  }
.LBB2_1:
0xc: {  	[tilespmem:s2], [sflag:$0x1] =	stream.linear.gather [hbm4b:s3+s2], $0x3E80, $0x38;
	[tilespmem:$0x6780] =	vst v63  }
0xd: {  	_ =	swait.ge [sflag:s6], $0x3E80  }
0xe: {  	[sflag:s6] =	ssyncset.done $0x0  }
0xf: {  	s11 =	simm.s32 $0x0;
	[sflag:s6] =	ssyncadd.s32 $0xFFFFC180  }
.LBB2_2:
0x10: {  	p0 =	sne.s32 s11, $0x9C00  }
.Ltmp0:
0x11: {  	_ = 	snop;
	(pc) =	sbr.rel @p0 .LBB2_2-.Ltmp0, $3  }
0x12: {  	_ =	sdelay $0x1  }
0x13: {  	s12 =	sshra.s32 s11, $0x2  }
0x14: {  	s11 =	sadd.s32 $0x40, s11;
	[tilespmem:s12+$0x4000] =	vst v0  }
0x15: {  	s11 =	simm.s32 $0x0  }
0x16: {  	s11 =	smul.u32 $0xCCCD, s11;
	_ =	sdelay $0x1  }
0x17: {  	s11 =	sshrl.u32 s11, $0x12  }
0x18: {  	s12 =	smul.u32 $0x5, s11;
	_ =	sdelay $0x1  }
0x19: {  	s12 =	ssub.s32 $0x0, s12  }
0x1a: {  	s12 =	sand.u32 $0xFFFF, s12  }
0x1b: {  	s13 =	sshll.u32 s11, $0x7;
	s12 =	sshll.u32 s12, $0x4  }
0x1c: {  	s11 =	simm.s32 $0x1;
	s14 =	sor.u32 s12, s13  }
0x1d: {  	s13 =	smul.u32 $0xCCCD, s11;
	s12 =	simm.s32 $0x2;
	v2 =	vld [tilespmem:s14+$0x0]  }
.LBB2_4:
0x1e: {  	p0 =	sne.s32 s12, $0x270  }
0x1f: {  	s13 =	sshrl.u32 s13, $0x12  }
0x20: {  	s14 =	smul.u32 $0x5, s13;
	_ =	sdelay $0x1  }
.Ltmp1:
0x21: {  	s14 =	ssub.s32 s11, s14;
	s11 =	smov.u32 s12;
	(pc) =	sbr.rel @p0 .LBB2_4-.Ltmp1, $4  }
0x22: {  	s14 =	sand.u32 $0xFFFF, s14  }
0x23: {  	s13 =	sshll.u32 s13, $0x7;
	s14 =	sshll.u32 s14, $0x4  }
0x24: {  	s14 =	sor.u32 s14, s13;
	[tilespmem:v2+s7+$0x0] =	vst.idx.add.f32.msk $0xffff, v1  }
0x25: {  	s12 =	sadd.s32 $0x1, s12;
	s13 =	smul.u32 $0xCCCD, s11;
	v2 =	vld [tilespmem:s14+$0x0]  }
0x26: {  	_ =	sdelay $0x1  }
0x27: {  	s12 =	sshrl.u32 s13, $0x12  }
0x28: {  	s13 =	smul.u32 $0x5, s12;
	_ =	sdelay $0x1  }
0x29: {  	s11 =	ssub.s32 s11, s13  }
0x2a: {  	s11 =	sand.u32 $0xFFFF, s11  }
0x2b: {  	s12 =	sshll.u32 s12, $0x7;
	s11 =	sshll.u32 s11, $0x4  }
0x2c: {  	[tilespmem:v2+s7+$0x0] =	vst.idx.add.f32.msk $0xffff, v1;
	s11 =	sor.u32 s11, s12  }
0x2d: {  	v2 =	vld [tilespmem:s11+$0x0];
	_ =	sdelay $0x5  }
0x2e: {  	s10 =	sadd.s32 $0x1, s10  }
0x2f: {  	p0 =	sne.s32 s10, s5  }
.Ltmp2:
0x30: {  	[tilespmem:v2+s7+$0x0] =	vst.idx.add.f32.msk $0xffff, v1;
	(pc) =	sbr.rel @p0 .LBB2_1-.Ltmp2, $4  }
0x31: {  	[hbm4b:s4+s8] =	stream.strided.scatter [tilespmem:s7], [sflag:$0x1], $0x2780, s9, s8, $0x38;
	[tilespmem:$0x6780] =	vst v63  }
0x32: {  	_ =	swait.ge [sflag:s6], $0x2780  }
0x33: {  	[sflag:s6] =	ssyncset.done $0x0  }
0x34: {  	[sflag:s6] =	ssyncadd.s32 $0xFFFFD880  }
0x35: {  	_ =	sfence.sel $0x180000  }
0x36: {  	[bflag:$0x0] =	sbarrier.arrive $0xFFFF  }
0x37: {  	p0 =	sne.s32 s0, $0x0;
	_ =	strace $0x90000047  }
0x38: {  	s0 =	sadd.s32 @!p0 $0x100000, s1;
	[bflag:$0x2] =	sbarrier.arrive $0xFFFF  }
0x39: {  	[sflag:s0] =	ssyncadd.tile.s32 @!p0 $0x1;
	_ =	shalt  }
.Lfunc_end2:
_tile_overlayer_lowered:
.L_overlay_start_2:
0x3a: {  	(tag) =	ssettag $0x2  }
0x3b: {  	s0 =	rddreg [dreg:$0x0];
	s2 =	stileid.u32  }
0x3c: {  	s1 =	rddreg [dreg:$0x1];
	p0 =	sne.s32 s2, $0x0  }
0x3d: {  	s3 =	rddreg [dreg:$0x2];
	[bflag:$0x3] =	sbarrier.arrive $0xFFFF;
	s2 =	simm.s32 @!p0 $0x1C01  }
0x3e: {  	[timem:s3], [sflag:s2] =	dma.local @!p0 [hbm:s0], s1  }
0x3f: {  	s0 =	simm.s32 @!p0 $0x1  }
0x40: {  	_ =	swait.ge @!p0 [sflag:s0], s1  }
0x41: {  	s1 =	ssub.s32 @!p0 $0x0, s1;
	[sflag:s0] =	ssyncset.done @!p0 $0x0  }
0x42: {  	[sflag:s0] =	ssyncadd.s32 @!p0 s1  }
0x43: {  	[bflag:$0x3] =	sbarrier.arrive $0xFFFF  }
0x44: {  	_ =	shalt  }

</sc_bundles>
